<compile_context>
chip_gen: v7x
topology: tpu7x:2x2x1
jax: 0.10.2.dev20260603
libtpu: 0.0.44.dev20260713+nightly
codegen_flags: <defaults>
</compile_context>

<pallas_src>
import functools

import jax
import jax.numpy as jnp
from jax import lax
from jax.experimental import pallas as pl
from jax.experimental.pallas import tpu as pltpu
from jax.experimental.pallas import tpu_sc as plsc

VOCAB = 100000
DIM = 300
BATCH = 4096
BAG = 50

NUM_CORES = 2
NUM_SUBCORES = 16
NW = NUM_CORES * NUM_SUBCORES
BPW = BATCH // NW
LANES = 16
TILE = 128
TAIL = DIM - 2 * TILE

_FULL_STARTS = [16 * i for i in range(TILE // 16)]
_TAIL_STARTS = [0, 16, 32]
_CHUNKS = (
    [(0, s) for s in _FULL_STARTS]
    + [(1, s) for s in _FULL_STARTS]
    + [(2, s) for s in _TAIL_STARTS]
)
NCHUNK = len(_CHUNKS)
DIM_PAD = 3 * TILE
SCALE = 1.0 / BAG

_mesh = plsc.VectorSubcoreMesh(core_axis_name="c", subcore_axis_name="s")


@functools.partial(
    pl.kernel,
    mesh=_mesh,
    out_type=jax.ShapeDtypeStruct((BATCH, DIM_PAD), jnp.float32),
    scratch_types=[
        pltpu.VMEM((BPW, BAG), jnp.int32),
        pltpu.VMEM((2, 3, BAG, TILE), jnp.float32),
        pltpu.VMEM((BPW, DIM_PAD), jnp.float32),
        pltpu.SemaphoreType.DMA,
        pltpu.SemaphoreType.DMA,
    ],
)
def _bow_sc(idx_hbm, table_hbm, tail_hbm, out_hbm, idx_v, rows_v, out_v,
            sem0, sem1):
    wid = lax.axis_index("s") * NUM_CORES + lax.axis_index("c")
    base = wid * BPW
    sems = (sem0, sem1)

    pltpu.sync_copy(idx_hbm.at[pl.ds(base, BPW)], idx_v)

    def srcs(g):
        idx = idx_v.at[g]
        return (
            table_hbm.at[idx, pl.ds(0, TILE)],
            table_hbm.at[idx, pl.ds(TILE, TILE)],
            tail_hbm.at[idx],
        )

    def issue(g, buf):
        for j, src in enumerate(srcs(g)):
            pltpu.async_copy(src, rows_v.at[buf, j], sems[buf])

    def wait_buf(g, buf):
        for j, src in enumerate(srcs(g)):
            pltpu.make_async_copy(src, rows_v.at[buf, j], sems[buf]).wait()

    def reduce_bag(g, buf):
        def body(r, accs):
            return tuple(
                accs[i] + rows_v[buf, j, r, pl.ds(s, LANES)]
                for i, (j, s) in enumerate(_CHUNKS)
            )

        zero = jnp.zeros((LANES,), jnp.float32)
        accs = lax.fori_loop(0, BAG, body, (zero,) * NCHUNK)
        for i, (j, s) in enumerate(_CHUNKS):
            out_v[g, pl.ds(j * TILE + s, LANES)] = accs[i] * SCALE

    issue(0, 0)

    def pair_body(p, carry):
        for h in range(2):
            g = p * 2 + h

            @pl.when(g + 1 < BPW)
            def _():
                issue(g + 1, 1 - h)

            wait_buf(g, h)
            reduce_bag(g, h)
        return carry

    lax.fori_loop(0, BPW // 2, pair_body, 0)
    pltpu.sync_copy(out_v, out_hbm.at[pl.ds(base, BPW)])


def kernel(indices, table):
    idx = jnp.asarray(indices, jnp.int32)
    tail = jnp.pad(table[:, 2 * TILE:], ((0, 0), (0, TILE - TAIL)))
    return _bow_sc(idx, table, tail)[:, :DIM]

# --- scband reference (transcript-rebuilt; emitter-appended) ---
"""Pipeline reference for scband-bow-embedding-72679436583134 (READ-ONLY COPY).

The authoritative reference and input builder live on the scoring server;
editing this copy changes nothing except your own understanding.
"""

import jax, jax.numpy as jnp
import numpy as np

VOCAB = 100000
DIM = 300
BATCH = 4096
BAG_LEN = 50

def setup_inputs(seed: int = 0) -> dict:
    key = jax.random.key(seed)
    k1, k2 = jax.random.split(key)
    # Tokenized batch: each 'text' is a fixed-length bag of token ids
    indices = jax.random.randint(k1, (BATCH, BAG_LEN), 0, VOCAB, dtype=jnp.int64)
    # Pretrained (frozen) fasttext-style embedding table
    table = jax.random.normal(k2, (VOCAB, DIM), dtype=jnp.float32)
    return {"indices": indices, "table": table}

def reference(indices, table):
    # BowEmbedding.forward: for each text, gather token embeddings and mean-pool
    # (nn.EmbeddingBag with mode='mean'), then stack across the batch.
    embs = jnp.take(table, indices, axis=0)   # [B, L, D] gather
    bag_means = jnp.mean(embs, axis=1)        # [B, D] mean over tokens in bag
    return bag_means

if __name__ == "__main__":
    import jax
    _d = setup_inputs()
    print(jax.jit(kernel)(*tuple(_d.values())))

</pallas_src>

<mosaic_0001>
#map = affine_map<(d0, d1) -> (0, 0)>
module attributes {stable_mosaic.version = 14 : i64} {
  func.func @_bow_sc(%arg0: i32, %arg1: i32, %arg2: memref<4096x50xi32, #tpu.memory_space<hbm>>, %arg3: memref<100000x300xf32, #tpu.memory_space<hbm>>, %arg4: memref<100000x128xf32, #tpu.memory_space<hbm>>, %arg5: memref<4096x384xf32, #tpu.memory_space<hbm>>, %arg6: memref<128x50xi32, #tpu.memory_space<vmem>>, %arg7: memref<2x3x50x128xf32, #tpu.memory_space<vmem>>, %arg8: memref<128x384xf32, #tpu.memory_space<vmem>>, %arg9: memref<!tpu.dma_semaphore, #tpu.memory_space<semaphore_mem>>, %arg10: memref<!tpu.dma_semaphore, #tpu.memory_space<semaphore_mem>>) attributes {dimension_semantics = [#tpu.dimension_semantics<core_parallel>, #tpu.dimension_semantics<subcore_parallel>], iteration_bounds = array<i64: 2, 16>, scalar_prefetch = 0 : i64, scratch_operands = 5 : i64, tpu.core_type = #tpu.core_type<sc_vector_subcore>, window_params = [{transform_indices = #map}, {transform_indices = #map}, {transform_indices = #map}, {transform_indices = #map}]} {
    %mul3A = arith.constant 2 : i32
    %mul3A_0 = arith.muli %arg1, %mul3A : i32
    %add3A = arith.addi %mul3A_0, %arg0 : i32
    %mul3A_1 = arith.constant 128 : i32
    %mul3A_2 = arith.muli %add3A, %mul3A_1 : i32
    "tpu.region"() ({
      %run_scoped3A = tpu.sem_alloc : memref<!tpu.dma_semaphore, #tpu.memory_space<semaphore_mem>>
      %dma_start3A_46 = arith.constant 0 : i32
      %dma_start3A_47 = tpu.memref_slice %arg2[%mul3A_2, %dma_start3A_46] : memref<4096x50xi32, #tpu.memory_space<hbm>> -> memref<128x50xi32, #tpu.memory_space<hbm>>
      %dma_start3A_48 = arith.constant 0 : i32
      %dma_start3A_49 = tpu.memref_slice %arg2[%mul3A_2, %dma_start3A_48] : memref<4096x50xi32, #tpu.memory_space<hbm>> -> memref<128x50xi32, #tpu.memory_space<hbm>>
      tpu.enqueue_dma source(%dma_start3A_49 : memref<128x50xi32, #tpu.memory_space<hbm>>) target(%arg6 : memref<128x50xi32, #tpu.memory_space<vmem>>) target_semaphore(%run_scoped3A : memref<!tpu.dma_semaphore, #tpu.memory_space<semaphore_mem>>)
      %dma_wait3A = arith.constant 0 : i32
      %dma_wait3A_50 = tpu.memref_slice %arg2[%mul3A_2, %dma_wait3A] : memref<4096x50xi32, #tpu.memory_space<hbm>> -> memref<128x50xi32, #tpu.memory_space<hbm>>
      %dma_wait3A_51 = arith.constant 0 : i32
      %dma_wait3A_52 = tpu.memref_slice %arg2[%mul3A_2, %dma_wait3A_51] : memref<4096x50xi32, #tpu.memory_space<hbm>> -> memref<128x50xi32, #tpu.memory_space<hbm>>
      tpu.wait_dma2 semaphore(%run_scoped3A : memref<!tpu.dma_semaphore, #tpu.memory_space<semaphore_mem>>) src(%dma_wait3A_52 : memref<128x50xi32, #tpu.memory_space<hbm>>) dst(%arg6 : memref<128x50xi32, #tpu.memory_space<vmem>>)
      tpu.yield
    }) : () -> ()
    %dma_start3A = arith.constant 0 : i32
    %dma_start3A_3 = arith.constant 0 : i32
    %dma_start3A_4 = arith.constant 0 : i32
    %dma_start3A_5 = arith.constant 0 : i32
    %dma_start3A_6 = arith.constant 0 : i32
    %dma_start3A_7 = tpu.memref_slice %arg7[%dma_start3A_3, %dma_start3A_4, %dma_start3A_5, %dma_start3A_6] : memref<2x3x50x128xf32, #tpu.memory_space<vmem>> -> memref<1x1x50x128xf32, #tpu.memory_space<vmem>>
    %dma_start3A_8 = tpu.memref_squeeze %dma_start3A_7 : memref<1x1x50x128xf32, #tpu.memory_space<vmem>> -> memref<50x128xf32, #tpu.memory_space<vmem>>
    %dma_start3A_9 = arith.constant 0 : i32
    %dma_start3A_10 = tpu.memref_slice %arg6[%dma_start3A, %dma_start3A_9] : memref<128x50xi32, #tpu.memory_space<vmem>> -> memref<1x50xi32, #tpu.memory_space<vmem>>
    %dma_start3A_11 = tpu.memref_squeeze %dma_start3A_10 : memref<1x50xi32, #tpu.memory_space<vmem>> -> memref<50xi32, #tpu.memory_space<vmem>>
    %dma_start3A_12 = arith.constant 0 : i32
    %dma_start3A_13 = arith.constant 0 : i32
    %dma_start3A_14 = tpu.memref_slice %arg3[%dma_start3A_12, %dma_start3A_13] : memref<100000x300xf32, #tpu.memory_space<hbm>> -> memref<100000x128xf32, #tpu.memory_space<hbm>>
    tpu.enqueue_indirect_dma source(%dma_start3A_14 : memref<100000x128xf32, #tpu.memory_space<hbm>>) target(%dma_start3A_8 : memref<50x128xf32, #tpu.memory_space<vmem>>) offsets(%dma_start3A_11 : memref<50xi32, #tpu.memory_space<vmem>>) semaphore(%arg9 : memref<!tpu.dma_semaphore, #tpu.memory_space<semaphore_mem>>)
    %dma_start3A_15 = arith.constant 0 : i32
    %dma_start3A_16 = arith.constant 0 : i32
    %dma_start3A_17 = arith.constant 1 : i32
    %dma_start3A_18 = arith.constant 0 : i32
    %dma_start3A_19 = arith.constant 0 : i32
    %dma_start3A_20 = tpu.memref_slice %arg7[%dma_start3A_16, %dma_start3A_17, %dma_start3A_18, %dma_start3A_19] : memref<2x3x50x128xf32, #tpu.memory_space<vmem>> -> memref<1x1x50x128xf32, #tpu.memory_space<vmem>>
    %dma_start3A_21 = tpu.memref_squeeze %dma_start3A_20 : memref<1x1x50x128xf32, #tpu.memory_space<vmem>> -> memref<50x128xf32, #tpu.memory_space<vmem>>
    %dma_start3A_22 = arith.constant 0 : i32
    %dma_start3A_23 = tpu.memref_slice %arg6[%dma_start3A_15, %dma_start3A_22] : memref<128x50xi32, #tpu.memory_space<vmem>> -> memref<1x50xi32, #tpu.memory_space<vmem>>
    %dma_start3A_24 = tpu.memref_squeeze %dma_start3A_23 : memref<1x50xi32, #tpu.memory_space<vmem>> -> memref<50xi32, #tpu.memory_space<vmem>>
    %dma_start3A_25 = arith.constant 0 : i32
    %dma_start3A_26 = arith.constant 128 : i32
    %dma_start3A_27 = tpu.memref_slice %arg3[%dma_start3A_25, %dma_start3A_26] : memref<100000x300xf32, #tpu.memory_space<hbm>> -> memref<100000x128xf32, #tpu.memory_space<hbm>>
    tpu.enqueue_indirect_dma source(%dma_start3A_27 : memref<100000x128xf32, #tpu.memory_space<hbm>>) target(%dma_start3A_21 : memref<50x128xf32, #tpu.memory_space<vmem>>) offsets(%dma_start3A_24 : memref<50xi32, #tpu.memory_space<vmem>>) semaphore(%arg9 : memref<!tpu.dma_semaphore, #tpu.memory_space<semaphore_mem>>)
    %dma_start3A_28 = arith.constant 0 : i32
    %dma_start3A_29 = arith.constant 0 : i32
    %dma_start3A_30 = arith.constant 2 : i32
    %dma_start3A_31 = arith.constant 0 : i32
    %dma_start3A_32 = arith.constant 0 : i32
    %dma_start3A_33 = tpu.memref_slice %arg7[%dma_start3A_29, %dma_start3A_30, %dma_start3A_31, %dma_start3A_32] : memref<2x3x50x128xf32, #tpu.memory_space<vmem>> -> memref<1x1x50x128xf32, #tpu.memory_space<vmem>>
    %dma_start3A_34 = tpu.memref_squeeze %dma_start3A_33 : memref<1x1x50x128xf32, #tpu.memory_space<vmem>> -> memref<50x128xf32, #tpu.memory_space<vmem>>
    %dma_start3A_35 = arith.constant 0 : i32
    %dma_start3A_36 = tpu.memref_slice %arg6[%dma_start3A_28, %dma_start3A_35] : memref<128x50xi32, #tpu.memory_space<vmem>> -> memref<1x50xi32, #tpu.memory_space<vmem>>
    %dma_start3A_37 = tpu.memref_squeeze %dma_start3A_36 : memref<1x50xi32, #tpu.memory_space<vmem>> -> memref<50xi32, #tpu.memory_space<vmem>>
    %dma_start3A_38 = arith.constant 0 : i32
    %dma_start3A_39 = arith.constant 0 : i32
    %dma_start3A_40 = tpu.memref_slice %arg4[%dma_start3A_38, %dma_start3A_39] : memref<100000x128xf32, #tpu.memory_space<hbm>> -> memref<100000x128xf32, #tpu.memory_space<hbm>>
    tpu.enqueue_indirect_dma source(%dma_start3A_40 : memref<100000x128xf32, #tpu.memory_space<hbm>>) target(%dma_start3A_34 : memref<50x128xf32, #tpu.memory_space<vmem>>) offsets(%dma_start3A_37 : memref<50xi32, #tpu.memory_space<vmem>>) semaphore(%arg9 : memref<!tpu.dma_semaphore, #tpu.memory_space<semaphore_mem>>)
    %scan3A = arith.constant 0 : i32
    %scan3A_41 = arith.constant 0 : i32
    %scan3A_42 = arith.constant 64 : i32
    %scan3A_43 = arith.addi %scan3A_41, %scan3A_42 : i32
    %scan3A_44 = arith.constant 1 : i32
    scf.for %scan3A_46 = %scan3A_41 to %scan3A_43 step %scan3A_44  : i32 {
      %mul3A_47 = arith.constant 2 : i32
      %mul3A_48 = arith.muli %scan3A_46, %mul3A_47 : i32
      %add3A_49 = arith.constant 0 : i32
      %add3A_50 = arith.addi %mul3A_48, %add3A_49 : i32
      %add3A_51 = arith.constant 1 : i32
      %add3A_52 = arith.addi %add3A_50, %add3A_51 : i32
      %lt3A = arith.constant 128 : i32
      %lt3A_53 = arith.cmpi slt, %add3A_52, %lt3A : i32
      %convert_element_type3A = arith.extui %lt3A_53 : i1 to i32
      %cond3A = arith.constant 0 : i32
      %cond3A_54 = arith.cmpi ne, %convert_element_type3A, %cond3A : i32
      scf.if %cond3A_54 {
        %add3A_455 = arith.constant 1 : i32
        %add3A_456 = arith.addi %add3A_50, %add3A_455 : i32
        %dma_start3A_457 = arith.constant 1 : i32
        %dma_start3A_458 = arith.constant 0 : i32
        %dma_start3A_459 = arith.constant 0 : i32
        %dma_start3A_460 = arith.constant 0 : i32
        %dma_start3A_461 = tpu.memref_slice %arg7[%dma_start3A_457, %dma_start3A_458, %dma_start3A_459, %dma_start3A_460] : memref<2x3x50x128xf32, #tpu.memory_space<vmem>> -> memref<1x1x50x128xf32, #tpu.memory_space<vmem>>
        %dma_start3A_462 = tpu.memref_squeeze %dma_start3A_461 : memref<1x1x50x128xf32, #tpu.memory_space<vmem>> -> memref<50x128xf32, #tpu.memory_space<vmem>>
        %dma_start3A_463 = arith.constant 0 : i32
        %dma_start3A_464 = tpu.memref_slice %arg6[%add3A_456, %dma_start3A_463] : memref<128x50xi32, #tpu.memory_space<vmem>> -> memref<1x50xi32, #tpu.memory_space<vmem>>
        %dma_start3A_465 = tpu.memref_squeeze %dma_start3A_464 : memref<1x50xi32, #tpu.memory_space<vmem>> -> memref<50xi32, #tpu.memory_space<vmem>>
        %dma_start3A_466 = arith.constant 0 : i32
        %dma_start3A_467 = arith.constant 0 : i32
        %dma_start3A_468 = tpu.memref_slice %arg3[%dma_start3A_466, %dma_start3A_467] : memref<100000x300xf32, #tpu.memory_space<hbm>> -> memref<100000x128xf32, #tpu.memory_space<hbm>>
        tpu.enqueue_indirect_dma source(%dma_start3A_468 : memref<100000x128xf32, #tpu.memory_space<hbm>>) target(%dma_start3A_462 : memref<50x128xf32, #tpu.memory_space<vmem>>) offsets(%dma_start3A_465 : memref<50xi32, #tpu.memory_space<vmem>>) semaphore(%arg10 : memref<!tpu.dma_semaphore, #tpu.memory_space<semaphore_mem>>)
        %dma_start3A_469 = arith.constant 1 : i32
        %dma_start3A_470 = arith.constant 1 : i32
        %dma_start3A_471 = arith.constant 0 : i32
        %dma_start3A_472 = arith.constant 0 : i32
        %dma_start3A_473 = tpu.memref_slice %arg7[%dma_start3A_469, %dma_start3A_470, %dma_start3A_471, %dma_start3A_472] : memref<2x3x50x128xf32, #tpu.memory_space<vmem>> -> memref<1x1x50x128xf32, #tpu.memory_space<vmem>>
        %dma_start3A_474 = tpu.memref_squeeze %dma_start3A_473 : memref<1x1x50x128xf32, #tpu.memory_space<vmem>> -> memref<50x128xf32, #tpu.memory_space<vmem>>
        %dma_start3A_475 = arith.constant 0 : i32
        %dma_start3A_476 = tpu.memref_slice %arg6[%add3A_456, %dma_start3A_475] : memref<128x50xi32, #tpu.memory_space<vmem>> -> memref<1x50xi32, #tpu.memory_space<vmem>>
        %dma_start3A_477 = tpu.memref_squeeze %dma_start3A_476 : memref<1x50xi32, #tpu.memory_space<vmem>> -> memref<50xi32, #tpu.memory_space<vmem>>
        %dma_start3A_478 = arith.constant 0 : i32
        %dma_start3A_479 = arith.constant 128 : i32
        %dma_start3A_480 = tpu.memref_slice %arg3[%dma_start3A_478, %dma_start3A_479] : memref<100000x300xf32, #tpu.memory_space<hbm>> -> memref<100000x128xf32, #tpu.memory_space<hbm>>
        tpu.enqueue_indirect_dma source(%dma_start3A_480 : memref<100000x128xf32, #tpu.memory_space<hbm>>) target(%dma_start3A_474 : memref<50x128xf32, #tpu.memory_space<vmem>>) offsets(%dma_start3A_477 : memref<50xi32, #tpu.memory_space<vmem>>) semaphore(%arg10 : memref<!tpu.dma_semaphore, #tpu.memory_space<semaphore_mem>>)
        %dma_start3A_481 = arith.constant 1 : i32
        %dma_start3A_482 = arith.constant 2 : i32
        %dma_start3A_483 = arith.constant 0 : i32
        %dma_start3A_484 = arith.constant 0 : i32
        %dma_start3A_485 = tpu.memref_slice %arg7[%dma_start3A_481, %dma_start3A_482, %dma_start3A_483, %dma_start3A_484] : memref<2x3x50x128xf32, #tpu.memory_space<vmem>> -> memref<1x1x50x128xf32, #tpu.memory_space<vmem>>
        %dma_start3A_486 = tpu.memref_squeeze %dma_start3A_485 : memref<1x1x50x128xf32, #tpu.memory_space<vmem>> -> memref<50x128xf32, #tpu.memory_space<vmem>>
        %dma_start3A_487 = arith.constant 0 : i32
        %dma_start3A_488 = tpu.memref_slice %arg6[%add3A_456, %dma_start3A_487] : memref<128x50xi32, #tpu.memory_space<vmem>> -> memref<1x50xi32, #tpu.memory_space<vmem>>
        %dma_start3A_489 = tpu.memref_squeeze %dma_start3A_488 : memref<1x50xi32, #tpu.memory_space<vmem>> -> memref<50xi32, #tpu.memory_space<vmem>>
        %dma_start3A_490 = arith.constant 0 : i32
        %dma_start3A_491 = arith.constant 0 : i32
        %dma_start3A_492 = tpu.memref_slice %arg4[%dma_start3A_490, %dma_start3A_491] : memref<100000x128xf32, #tpu.memory_space<hbm>> -> memref<100000x128xf32, #tpu.memory_space<hbm>>
        tpu.enqueue_indirect_dma source(%dma_start3A_492 : memref<100000x128xf32, #tpu.memory_space<hbm>>) target(%dma_start3A_486 : memref<50x128xf32, #tpu.memory_space<vmem>>) offsets(%dma_start3A_489 : memref<50xi32, #tpu.memory_space<vmem>>) semaphore(%arg10 : memref<!tpu.dma_semaphore, #tpu.memory_space<semaphore_mem>>)
      } else {
      }
      %dma_wait3A = arith.constant 0 : i32
      %dma_wait3A_55 = arith.constant 0 : i32
      %dma_wait3A_56 = arith.constant 0 : i32
      %dma_wait3A_57 = arith.constant 0 : i32
      %dma_wait3A_58 = tpu.memref_slice %arg7[%dma_wait3A, %dma_wait3A_55, %dma_wait3A_56, %dma_wait3A_57] : memref<2x3x50x128xf32, #tpu.memory_space<vmem>> -> memref<1x1x50x128xf32, #tpu.memory_space<vmem>>
      %dma_wait3A_59 = tpu.memref_squeeze %dma_wait3A_58 : memref<1x1x50x128xf32, #tpu.memory_space<vmem>> -> memref<50x128xf32, #tpu.memory_space<vmem>>
      %dma_wait3A_60 = arith.constant 0 : i32
      %dma_wait3A_61 = tpu.memref_slice %arg6[%add3A_50, %dma_wait3A_60] : memref<128x50xi32, #tpu.memory_space<vmem>> -> memref<1x50xi32, #tpu.memory_space<vmem>>
      %dma_wait3A_62 = tpu.memref_squeeze %dma_wait3A_61 : memref<1x50xi32, #tpu.memory_space<vmem>> -> memref<50xi32, #tpu.memory_space<vmem>>
      %dma_wait3A_63 = arith.constant 0 : i32
      %dma_wait3A_64 = arith.constant 0 : i32
      %dma_wait3A_65 = tpu.memref_slice %arg3[%dma_wait3A_63, %dma_wait3A_64] : memref<100000x300xf32, #tpu.memory_space<hbm>> -> memref<100000x128xf32, #tpu.memory_space<hbm>>
      tpu.wait_indirect_dma semaphore(%arg9 : memref<!tpu.dma_semaphore, #tpu.memory_space<semaphore_mem>>) src(%dma_wait3A_65 : memref<100000x128xf32, #tpu.memory_space<hbm>>) dst(%dma_wait3A_59 : memref<50x128xf32, #tpu.memory_space<vmem>>)
      %dma_wait3A_66 = arith.constant 0 : i32
      %dma_wait3A_67 = arith.constant 1 : i32
      %dma_wait3A_68 = arith.constant 0 : i32
      %dma_wait3A_69 = arith.constant 0 : i32
      %dma_wait3A_70 = tpu.memref_slice %arg7[%dma_wait3A_66, %dma_wait3A_67, %dma_wait3A_68, %dma_wait3A_69] : memref<2x3x50x128xf32, #tpu.memory_space<vmem>> -> memref<1x1x50x128xf32, #tpu.memory_space<vmem>>
      %dma_wait3A_71 = tpu.memref_squeeze %dma_wait3A_70 : memref<1x1x50x128xf32, #tpu.memory_space<vmem>> -> memref<50x128xf32, #tpu.memory_space<vmem>>
      %dma_wait3A_72 = arith.constant 0 : i32
      %dma_wait3A_73 = tpu.memref_slice %arg6[%add3A_50, %dma_wait3A_72] : memref<128x50xi32, #tpu.memory_space<vmem>> -> memref<1x50xi32, #tpu.memory_space<vmem>>
      %dma_wait3A_74 = tpu.memref_squeeze %dma_wait3A_73 : memref<1x50xi32, #tpu.memory_space<vmem>> -> memref<50xi32, #tpu.memory_space<vmem>>
      %dma_wait3A_75 = arith.constant 0 : i32
      %dma_wait3A_76 = arith.constant 128 : i32
      %dma_wait3A_77 = tpu.memref_slice %arg3[%dma_wait3A_75, %dma_wait3A_76] : memref<100000x300xf32, #tpu.memory_space<hbm>> -> memref<100000x128xf32, #tpu.memory_space<hbm>>
      tpu.wait_indirect_dma semaphore(%arg9 : memref<!tpu.dma_semaphore, #tpu.memory_space<semaphore_mem>>) src(%dma_wait3A_77 : memref<100000x128xf32, #tpu.memory_space<hbm>>) dst(%dma_wait3A_71 : memref<50x128xf32, #tpu.memory_space<vmem>>)
      %dma_wait3A_78 = arith.constant 0 : i32
      %dma_wait3A_79 = arith.constant 2 : i32
      %dma_wait3A_80 = arith.constant 0 : i32
      %dma_wait3A_81 = arith.constant 0 : i32
      %dma_wait3A_82 = tpu.memref_slice %arg7[%dma_wait3A_78, %dma_wait3A_79, %dma_wait3A_80, %dma_wait3A_81] : memref<2x3x50x128xf32, #tpu.memory_space<vmem>> -> memref<1x1x50x128xf32, #tpu.memory_space<vmem>>
      %dma_wait3A_83 = tpu.memref_squeeze %dma_wait3A_82 : memref<1x1x50x128xf32, #tpu.memory_space<vmem>> -> memref<50x128xf32, #tpu.memory_space<vmem>>
      %dma_wait3A_84 = arith.constant 0 : i32
      %dma_wait3A_85 = tpu.memref_slice %arg6[%add3A_50, %dma_wait3A_84] : memref<128x50xi32, #tpu.memory_space<vmem>> -> memref<1x50xi32, #tpu.memory_space<vmem>>
      %dma_wait3A_86 = tpu.memref_squeeze %dma_wait3A_85 : memref<1x50xi32, #tpu.memory_space<vmem>> -> memref<50xi32, #tpu.memory_space<vmem>>
      %dma_wait3A_87 = arith.constant 0 : i32
      %dma_wait3A_88 = arith.constant 0 : i32
      %dma_wait3A_89 = tpu.memref_slice %arg4[%dma_wait3A_87, %dma_wait3A_88] : memref<100000x128xf32, #tpu.memory_space<hbm>> -> memref<100000x128xf32, #tpu.memory_space<hbm>>
      tpu.wait_indirect_dma semaphore(%arg9 : memref<!tpu.dma_semaphore, #tpu.memory_space<semaphore_mem>>) src(%dma_wait3A_89 : memref<100000x128xf32, #tpu.memory_space<hbm>>) dst(%dma_wait3A_83 : memref<50x128xf32, #tpu.memory_space<vmem>>)
      %broadcast_in_dim3A = arith.constant 0.000000e+00 : f32
      %broadcast_in_dim3A_90 = vector.broadcast %broadcast_in_dim3A : f32 to vector<16xf32>
      %scan3A_91 = arith.constant 0 : i32
      %scan3A_92 = arith.constant 50 : i32
      %scan3A_93 = arith.addi %scan3A_91, %scan3A_92 : i32
      %scan3A_94 = arith.constant 1 : i32
      %scan3A_95:19 = scf.for %scan3A_455 = %scan3A_91 to %scan3A_93 step %scan3A_94 iter_args(%scan3A_456 = %broadcast_in_dim3A_90, %scan3A_457 = %broadcast_in_dim3A_90, %scan3A_458 = %broadcast_in_dim3A_90, %scan3A_459 = %broadcast_in_dim3A_90, %scan3A_460 = %broadcast_in_dim3A_90, %scan3A_461 = %broadcast_in_dim3A_90, %scan3A_462 = %broadcast_in_dim3A_90, %scan3A_463 = %broadcast_in_dim3A_90, %scan3A_464 = %broadcast_in_dim3A_90, %scan3A_465 = %broadcast_in_dim3A_90, %scan3A_466 = %broadcast_in_dim3A_90, %scan3A_467 = %broadcast_in_dim3A_90, %scan3A_468 = %broadcast_in_dim3A_90, %scan3A_469 = %broadcast_in_dim3A_90, %scan3A_470 = %broadcast_in_dim3A_90, %scan3A_471 = %broadcast_in_dim3A_90, %scan3A_472 = %broadcast_in_dim3A_90, %scan3A_473 = %broadcast_in_dim3A_90, %scan3A_474 = %broadcast_in_dim3A_90) -> (vector<16xf32>, vector<16xf32>, vector<16xf32>, vector<16xf32>, vector<16xf32>, vector<16xf32>, vector<16xf32>, vector<16xf32>, vector<16xf32>, vector<16xf32>, vector<16xf32>, vector<16xf32>, vector<16xf32>, vector<16xf32>, vector<16xf32>, vector<16xf32>, vector<16xf32>, vector<16xf32>, vector<16xf32>)  : i32 {
        %get3A = arith.constant 0 : i32
        %get3A_475 = arith.constant 0 : i32
        %get3A_476 = arith.index_cast %get3A : i32 to index
        %get3A_477 = arith.index_cast %get3A_475 : i32 to index
        %get3A_478 = arith.index_cast %scan3A_455 : i32 to index
        %get3A_479 = arith.constant 0 : index
        %get3A_480 = tpu.vector_load %arg7[%get3A_476, %get3A_477, %get3A_478, %get3A_479] {strides = array<i32>} : memref<2x3x50x128xf32, #tpu.memory_space<vmem>>, vector<1x1x1x16xf32>,
        %get3A_481 = vector.shape_cast %get3A_480 : vector<1x1x1x16xf32> to vector<16xf32>
        %add3A_482 = arith.addf %scan3A_456, %get3A_481 : vector<16xf32>
        %get3A_483 = arith.constant 0 : i32
        %get3A_484 = arith.constant 0 : i32
        %get3A_485 = arith.index_cast %get3A_483 : i32 to index
        %get3A_486 = arith.index_cast %get3A_484 : i32 to index
        %get3A_487 = arith.index_cast %scan3A_455 : i32 to index
        %get3A_488 = arith.constant 16 : index
        %get3A_489 = tpu.vector_load %arg7[%get3A_485, %get3A_486, %get3A_487, %get3A_488] {strides = array<i32>} : memref<2x3x50x128xf32, #tpu.memory_space<vmem>>, vector<1x1x1x16xf32>,
        %get3A_490 = vector.shape_cast %get3A_489 : vector<1x1x1x16xf32> to vector<16xf32>
        %add3A_491 = arith.addf %scan3A_457, %get3A_490 : vector<16xf32>
        %get3A_492 = arith.constant 0 : i32
        %get3A_493 = arith.constant 0 : i32
        %get3A_494 = arith.index_cast %get3A_492 : i32 to index
        %get3A_495 = arith.index_cast %get3A_493 : i32 to index
        %get3A_496 = arith.index_cast %scan3A_455 : i32 to index
        %get3A_497 = arith.constant 32 : index
        %get3A_498 = tpu.vector_load %arg7[%get3A_494, %get3A_495, %get3A_496, %get3A_497] {strides = array<i32>} : memref<2x3x50x128xf32, #tpu.memory_space<vmem>>, vector<1x1x1x16xf32>,
        %get3A_499 = vector.shape_cast %get3A_498 : vector<1x1x1x16xf32> to vector<16xf32>
        %add3A_500 = arith.addf %scan3A_458, %get3A_499 : vector<16xf32>
        %get3A_501 = arith.constant 0 : i32
        %get3A_502 = arith.constant 0 : i32
        %get3A_503 = arith.index_cast %get3A_501 : i32 to index
        %get3A_504 = arith.index_cast %get3A_502 : i32 to index
        %get3A_505 = arith.index_cast %scan3A_455 : i32 to index
        %get3A_506 = arith.constant 48 : index
        %get3A_507 = tpu.vector_load %arg7[%get3A_503, %get3A_504, %get3A_505, %get3A_506] {strides = array<i32>} : memref<2x3x50x128xf32, #tpu.memory_space<vmem>>, vector<1x1x1x16xf32>,
        %get3A_508 = vector.shape_cast %get3A_507 : vector<1x1x1x16xf32> to vector<16xf32>
        %add3A_509 = arith.addf %scan3A_459, %get3A_508 : vector<16xf32>
        %get3A_510 = arith.constant 0 : i32
        %get3A_511 = arith.constant 0 : i32
        %get3A_512 = arith.index_cast %get3A_510 : i32 to index
        %get3A_513 = arith.index_cast %get3A_511 : i32 to index
        %get3A_514 = arith.index_cast %scan3A_455 : i32 to index
        %get3A_515 = arith.constant 64 : index
        %get3A_516 = tpu.vector_load %arg7[%get3A_512, %get3A_513, %get3A_514, %get3A_515] {strides = array<i32>} : memref<2x3x50x128xf32, #tpu.memory_space<vmem>>, vector<1x1x1x16xf32>,
        %get3A_517 = vector.shape_cast %get3A_516 : vector<1x1x1x16xf32> to vector<16xf32>
        %add3A_518 = arith.addf %scan3A_460, %get3A_517 : vector<16xf32>
        %get3A_519 = arith.constant 0 : i32
        %get3A_520 = arith.constant 0 : i32
        %get3A_521 = arith.index_cast %get3A_519 : i32 to index
        %get3A_522 = arith.index_cast %get3A_520 : i32 to index
        %get3A_523 = arith.index_cast %scan3A_455 : i32 to index
        %get3A_524 = arith.constant 80 : index
        %get3A_525 = tpu.vector_load %arg7[%get3A_521, %get3A_522, %get3A_523, %get3A_524] {strides = array<i32>} : memref<2x3x50x128xf32, #tpu.memory_space<vmem>>, vector<1x1x1x16xf32>,
        %get3A_526 = vector.shape_cast %get3A_525 : vector<1x1x1x16xf32> to vector<16xf32>
        %add3A_527 = arith.addf %scan3A_461, %get3A_526 : vector<16xf32>
        %get3A_528 = arith.constant 0 : i32
        %get3A_529 = arith.constant 0 : i32
        %get3A_530 = arith.index_cast %get3A_528 : i32 to index
        %get3A_531 = arith.index_cast %get3A_529 : i32 to index
        %get3A_532 = arith.index_cast %scan3A_455 : i32 to index
        %get3A_533 = arith.constant 96 : index
        %get3A_534 = tpu.vector_load %arg7[%get3A_530, %get3A_531, %get3A_532, %get3A_533] {strides = array<i32>} : memref<2x3x50x128xf32, #tpu.memory_space<vmem>>, vector<1x1x1x16xf32>,
        %get3A_535 = vector.shape_cast %get3A_534 : vector<1x1x1x16xf32> to vector<16xf32>
        %add3A_536 = arith.addf %scan3A_462, %get3A_535 : vector<16xf32>
        %get3A_537 = arith.constant 0 : i32
        %get3A_538 = arith.constant 0 : i32
        %get3A_539 = arith.index_cast %get3A_537 : i32 to index
        %get3A_540 = arith.index_cast %get3A_538 : i32 to index
        %get3A_541 = arith.index_cast %scan3A_455 : i32 to index
        %get3A_542 = arith.constant 112 : index
        %get3A_543 = tpu.vector_load %arg7[%get3A_539, %get3A_540, %get3A_541, %get3A_542] {strides = array<i32>} : memref<2x3x50x128xf32, #tpu.memory_space<vmem>>, vector<1x1x1x16xf32>,
        %get3A_544 = vector.shape_cast %get3A_543 : vector<1x1x1x16xf32> to vector<16xf32>
        %add3A_545 = arith.addf %scan3A_463, %get3A_544 : vector<16xf32>
        %get3A_546 = arith.constant 0 : i32
        %get3A_547 = arith.constant 1 : i32
        %get3A_548 = arith.index_cast %get3A_546 : i32 to index
        %get3A_549 = arith.index_cast %get3A_547 : i32 to index
        %get3A_550 = arith.index_cast %scan3A_455 : i32 to index
        %get3A_551 = arith.constant 0 : index
        %get3A_552 = tpu.vector_load %arg7[%get3A_548, %get3A_549, %get3A_550, %get3A_551] {strides = array<i32>} : memref<2x3x50x128xf32, #tpu.memory_space<vmem>>, vector<1x1x1x16xf32>,
        %get3A_553 = vector.shape_cast %get3A_552 : vector<1x1x1x16xf32> to vector<16xf32>
        %add3A_554 = arith.addf %scan3A_464, %get3A_553 : vector<16xf32>
        %get3A_555 = arith.constant 0 : i32
        %get3A_556 = arith.constant 1 : i32
        %get3A_557 = arith.index_cast %get3A_555 : i32 to index
        %get3A_558 = arith.index_cast %get3A_556 : i32 to index
        %get3A_559 = arith.index_cast %scan3A_455 : i32 to index
        %get3A_560 = arith.constant 16 : index
        %get3A_561 = tpu.vector_load %arg7[%get3A_557, %get3A_558, %get3A_559, %get3A_560] {strides = array<i32>} : memref<2x3x50x128xf32, #tpu.memory_space<vmem>>, vector<1x1x1x16xf32>,
        %get3A_562 = vector.shape_cast %get3A_561 : vector<1x1x1x16xf32> to vector<16xf32>
        %add3A_563 = arith.addf %scan3A_465, %get3A_562 : vector<16xf32>
        %get3A_564 = arith.constant 0 : i32
        %get3A_565 = arith.constant 1 : i32
        %get3A_566 = arith.index_cast %get3A_564 : i32 to index
        %get3A_567 = arith.index_cast %get3A_565 : i32 to index
        %get3A_568 = arith.index_cast %scan3A_455 : i32 to index
        %get3A_569 = arith.constant 32 : index
        %get3A_570 = tpu.vector_load %arg7[%get3A_566, %get3A_567, %get3A_568, %get3A_569] {strides = array<i32>} : memref<2x3x50x128xf32, #tpu.memory_space<vmem>>, vector<1x1x1x16xf32>,
        %get3A_571 = vector.shape_cast %get3A_570 : vector<1x1x1x16xf32> to vector<16xf32>
        %add3A_572 = arith.addf %scan3A_466, %get3A_571 : vector<16xf32>
        %get3A_573 = arith.constant 0 : i32
        %get3A_574 = arith.constant 1 : i32
        %get3A_575 = arith.index_cast %get3A_573 : i32 to index
        %get3A_576 = arith.index_cast %get3A_574 : i32 to index
        %get3A_577 = arith.index_cast %scan3A_455 : i32 to index
        %get3A_578 = arith.constant 48 : index
        %get3A_579 = tpu.vector_load %arg7[%get3A_575, %get3A_576, %get3A_577, %get3A_578] {strides = array<i32>} : memref<2x3x50x128xf32, #tpu.memory_space<vmem>>, vector<1x1x1x16xf32>,
        %get3A_580 = vector.shape_cast %get3A_579 : vector<1x1x1x16xf32> to vector<16xf32>
        %add3A_581 = arith.addf %scan3A_467, %get3A_580 : vector<16xf32>
        %get3A_582 = arith.constant 0 : i32
        %get3A_583 = arith.constant 1 : i32
        %get3A_584 = arith.index_cast %get3A_582 : i32 to index
        %get3A_585 = arith.index_cast %get3A_583 : i32 to index
        %get3A_586 = arith.index_cast %scan3A_455 : i32 to index
        %get3A_587 = arith.constant 64 : index
        %get3A_588 = tpu.vector_load %arg7[%get3A_584, %get3A_585, %get3A_586, %get3A_587] {strides = array<i32>} : memref<2x3x50x128xf32, #tpu.memory_space<vmem>>, vector<1x1x1x16xf32>,
        %get3A_589 = vector.shape_cast %get3A_588 : vector<1x1x1x16xf32> to vector<16xf32>
        %add3A_590 = arith.addf %scan3A_468, %get3A_589 : vector<16xf32>
        %get3A_591 = arith.constant 0 : i32
        %get3A_592 = arith.constant 1 : i32
        %get3A_593 = arith.index_cast %get3A_591 : i32 to index
        %get3A_594 = arith.index_cast %get3A_592 : i32 to index
        %get3A_595 = arith.index_cast %scan3A_455 : i32 to index
        %get3A_596 = arith.constant 80 : index
        %get3A_597 = tpu.vector_load %arg7[%get3A_593, %get3A_594, %get3A_595, %get3A_596] {strides = array<i32>} : memref<2x3x50x128xf32, #tpu.memory_space<vmem>>, vector<1x1x1x16xf32>,
        %get3A_598 = vector.shape_cast %get3A_597 : vector<1x1x1x16xf32> to vector<16xf32>
        %add3A_599 = arith.addf %scan3A_469, %get3A_598 : vector<16xf32>
        %get3A_600 = arith.constant 0 : i32
        %get3A_601 = arith.constant 1 : i32
        %get3A_602 = arith.index_cast %get3A_600 : i32 to index
        %get3A_603 = arith.index_cast %get3A_601 : i32 to index
        %get3A_604 = arith.index_cast %scan3A_455 : i32 to index
        %get3A_605 = arith.constant 96 : index
        %get3A_606 = tpu.vector_load %arg7[%get3A_602, %get3A_603, %get3A_604, %get3A_605] {strides = array<i32>} : memref<2x3x50x128xf32, #tpu.memory_space<vmem>>, vector<1x1x1x16xf32>,
        %get3A_607 = vector.shape_cast %get3A_606 : vector<1x1x1x16xf32> to vector<16xf32>
        %add3A_608 = arith.addf %scan3A_470, %get3A_607 : vector<16xf32>
        %get3A_609 = arith.constant 0 : i32
        %get3A_610 = arith.constant 1 : i32
        %get3A_611 = arith.index_cast %get3A_609 : i32 to index
        %get3A_612 = arith.index_cast %get3A_610 : i32 to index
        %get3A_613 = arith.index_cast %scan3A_455 : i32 to index
        %get3A_614 = arith.constant 112 : index
        %get3A_615 = tpu.vector_load %arg7[%get3A_611, %get3A_612, %get3A_613, %get3A_614] {strides = array<i32>} : memref<2x3x50x128xf32, #tpu.memory_space<vmem>>, vector<1x1x1x16xf32>,
        %get3A_616 = vector.shape_cast %get3A_615 : vector<1x1x1x16xf32> to vector<16xf32>
        %add3A_617 = arith.addf %scan3A_471, %get3A_616 : vector<16xf32>
        %get3A_618 = arith.constant 0 : i32
        %get3A_619 = arith.constant 2 : i32
        %get3A_620 = arith.index_cast %get3A_618 : i32 to index
        %get3A_621 = arith.index_cast %get3A_619 : i32 to index
        %get3A_622 = arith.index_cast %scan3A_455 : i32 to index
        %get3A_623 = arith.constant 0 : index
        %get3A_624 = tpu.vector_load %arg7[%get3A_620, %get3A_621, %get3A_622, %get3A_623] {strides = array<i32>} : memref<2x3x50x128xf32, #tpu.memory_space<vmem>>, vector<1x1x1x16xf32>,
        %get3A_625 = vector.shape_cast %get3A_624 : vector<1x1x1x16xf32> to vector<16xf32>
        %add3A_626 = arith.addf %scan3A_472, %get3A_625 : vector<16xf32>
        %get3A_627 = arith.constant 0 : i32
        %get3A_628 = arith.constant 2 : i32
        %get3A_629 = arith.index_cast %get3A_627 : i32 to index
        %get3A_630 = arith.index_cast %get3A_628 : i32 to index
        %get3A_631 = arith.index_cast %scan3A_455 : i32 to index
        %get3A_632 = arith.constant 16 : index
        %get3A_633 = tpu.vector_load %arg7[%get3A_629, %get3A_630, %get3A_631, %get3A_632] {strides = array<i32>} : memref<2x3x50x128xf32, #tpu.memory_space<vmem>>, vector<1x1x1x16xf32>,
        %get3A_634 = vector.shape_cast %get3A_633 : vector<1x1x1x16xf32> to vector<16xf32>
        %add3A_635 = arith.addf %scan3A_473, %get3A_634 : vector<16xf32>
        %get3A_636 = arith.constant 0 : i32
        %get3A_637 = arith.constant 2 : i32
        %get3A_638 = arith.index_cast %get3A_636 : i32 to index
        %get3A_639 = arith.index_cast %get3A_637 : i32 to index
        %get3A_640 = arith.index_cast %scan3A_455 : i32 to index
        %get3A_641 = arith.constant 32 : index
        %get3A_642 = tpu.vector_load %arg7[%get3A_638, %get3A_639, %get3A_640, %get3A_641] {strides = array<i32>} : memref<2x3x50x128xf32, #tpu.memory_space<vmem>>, vector<1x1x1x16xf32>,
        %get3A_643 = vector.shape_cast %get3A_642 : vector<1x1x1x16xf32> to vector<16xf32>
        %add3A_644 = arith.addf %scan3A_474, %get3A_643 : vector<16xf32>
        scf.yield %add3A_482, %add3A_491, %add3A_500, %add3A_509, %add3A_518, %add3A_527, %add3A_536, %add3A_545, %add3A_554, %add3A_563, %add3A_572, %add3A_581, %add3A_590, %add3A_599, %add3A_608, %add3A_617, %add3A_626, %add3A_635, %add3A_644 : vector<16xf32>, vector<16xf32>, vector<16xf32>, vector<16xf32>, vector<16xf32>, vector<16xf32>, vector<16xf32>, vector<16xf32>, vector<16xf32>, vector<16xf32>, vector<16xf32>, vector<16xf32>, vector<16xf32>, vector<16xf32>, vector<16xf32>, vector<16xf32>, vector<16xf32>, vector<16xf32>, vector<16xf32>
      }
      %scan3A_96 = arith.constant 50 : i32
      %mul3A_97 = arith.constant 2.000000e-02 : f32
      %mul3A_98 = vector.broadcast %mul3A_97 : f32 to vector<16xf32>
      %mul3A_99 = arith.mulf %scan3A_95#0, %mul3A_98 : vector<16xf32>
      %swap3A = arith.index_cast %add3A_50 : i32 to index
      %swap3A_100 = arith.constant 0 : index
      %swap3A_101 = tpu.vector_load %arg8[%swap3A, %swap3A_100] {strides = array<i32>} : memref<128x384xf32, #tpu.memory_space<vmem>>, vector<1x16xf32>,
      %swap3A_102 = vector.shape_cast %swap3A_101 : vector<1x16xf32> to vector<16xf32>
      %swap3A_103 = vector.shape_cast %mul3A_99 : vector<16xf32> to vector<1x16xf32>
      tpu.vector_store %arg8[%swap3A, %swap3A_100], %swap3A_103 {strides = array<i32>} : memref<128x384xf32, #tpu.memory_space<vmem>>, vector<1x16xf32>,
      %mul3A_104 = arith.constant 2.000000e-02 : f32
      %mul3A_105 = vector.broadcast %mul3A_104 : f32 to vector<16xf32>
      %mul3A_106 = arith.mulf %scan3A_95#1, %mul3A_105 : vector<16xf32>
      %swap3A_107 = arith.index_cast %add3A_50 : i32 to index
      %swap3A_108 = arith.constant 16 : index
      %swap3A_109 = tpu.vector_load %arg8[%swap3A_107, %swap3A_108] {strides = array<i32>} : memref<128x384xf32, #tpu.memory_space<vmem>>, vector<1x16xf32>,
      %swap3A_110 = vector.shape_cast %swap3A_109 : vector<1x16xf32> to vector<16xf32>
      %swap3A_111 = vector.shape_cast %mul3A_106 : vector<16xf32> to vector<1x16xf32>
      tpu.vector_store %arg8[%swap3A_107, %swap3A_108], %swap3A_111 {strides = array<i32>} : memref<128x384xf32, #tpu.memory_space<vmem>>, vector<1x16xf32>,
      %mul3A_112 = arith.constant 2.000000e-02 : f32
      %mul3A_113 = vector.broadcast %mul3A_112 : f32 to vector<16xf32>
      %mul3A_114 = arith.mulf %scan3A_95#2, %mul3A_113 : vector<16xf32>
      %swap3A_115 = arith.index_cast %add3A_50 : i32 to index
      %swap3A_116 = arith.constant 32 : index
      %swap3A_117 = tpu.vector_load %arg8[%swap3A_115, %swap3A_116] {strides = array<i32>} : memref<128x384xf32, #tpu.memory_space<vmem>>, vector<1x16xf32>,
      %swap3A_118 = vector.shape_cast %swap3A_117 : vector<1x16xf32> to vector<16xf32>
      %swap3A_119 = vector.shape_cast %mul3A_114 : vector<16xf32> to vector<1x16xf32>
      tpu.vector_store %arg8[%swap3A_115, %swap3A_116], %swap3A_119 {strides = array<i32>} : memref<128x384xf32, #tpu.memory_space<vmem>>, vector<1x16xf32>,
      %mul3A_120 = arith.constant 2.000000e-02 : f32
      %mul3A_121 = vector.broadcast %mul3A_120 : f32 to vector<16xf32>
      %mul3A_122 = arith.mulf %scan3A_95#3, %mul3A_121 : vector<16xf32>
      %swap3A_123 = arith.index_cast %add3A_50 : i32 to index
      %swap3A_124 = arith.constant 48 : index
      %swap3A_125 = tpu.vector_load %arg8[%swap3A_123, %swap3A_124] {strides = array<i32>} : memref<128x384xf32, #tpu.memory_space<vmem>>, vector<1x16xf32>,
      %swap3A_126 = vector.shape_cast %swap3A_125 : vector<1x16xf32> to vector<16xf32>
      %swap3A_127 = vector.shape_cast %mul3A_122 : vector<16xf32> to vector<1x16xf32>
      tpu.vector_store %arg8[%swap3A_123, %swap3A_124], %swap3A_127 {strides = array<i32>} : memref<128x384xf32, #tpu.memory_space<vmem>>, vector<1x16xf32>,
      %mul3A_128 = arith.constant 2.000000e-02 : f32
      %mul3A_129 = vector.broadcast %mul3A_128 : f32 to vector<16xf32>
      %mul3A_130 = arith.mulf %scan3A_95#4, %mul3A_129 : vector<16xf32>
      %swap3A_131 = arith.index_cast %add3A_50 : i32 to index
      %swap3A_132 = arith.constant 64 : index
      %swap3A_133 = tpu.vector_load %arg8[%swap3A_131, %swap3A_132] {strides = array<i32>} : memref<128x384xf32, #tpu.memory_space<vmem>>, vector<1x16xf32>,
      %swap3A_134 = vector.shape_cast %swap3A_133 : vector<1x16xf32> to vector<16xf32>
      %swap3A_135 = vector.shape_cast %mul3A_130 : vector<16xf32> to vector<1x16xf32>
      tpu.vector_store %arg8[%swap3A_131, %swap3A_132], %swap3A_135 {strides = array<i32>} : memref<128x384xf32, #tpu.memory_space<vmem>>, vector<1x16xf32>,
      %mul3A_136 = arith.constant 2.000000e-02 : f32
      %mul3A_137 = vector.broadcast %mul3A_136 : f32 to vector<16xf32>
      %mul3A_138 = arith.mulf %scan3A_95#5, %mul3A_137 : vector<16xf32>
      %swap3A_139 = arith.index_cast %add3A_50 : i32 to index
      %swap3A_140 = arith.constant 80 : index
      %swap3A_141 = tpu.vector_load %arg8[%swap3A_139, %swap3A_140] {strides = array<i32>} : memref<128x384xf32, #tpu.memory_space<vmem>>, vector<1x16xf32>,
      %swap3A_142 = vector.shape_cast %swap3A_141 : vector<1x16xf32> to vector<16xf32>
      %swap3A_143 = vector.shape_cast %mul3A_138 : vector<16xf32> to vector<1x16xf32>
      tpu.vector_store %arg8[%swap3A_139, %swap3A_140], %swap3A_143 {strides = array<i32>} : memref<128x384xf32, #tpu.memory_space<vmem>>, vector<1x16xf32>,
      %mul3A_144 = arith.constant 2.000000e-02 : f32
      %mul3A_145 = vector.broadcast %mul3A_144 : f32 to vector<16xf32>
      %mul3A_146 = arith.mulf %scan3A_95#6, %mul3A_145 : vector<16xf32>
      %swap3A_147 = arith.index_cast %add3A_50 : i32 to index
      %swap3A_148 = arith.constant 96 : index
      %swap3A_149 = tpu.vector_load %arg8[%swap3A_147, %swap3A_148] {strides = array<i32>} : memref<128x384xf32, #tpu.memory_space<vmem>>, vector<1x16xf32>,
      %swap3A_150 = vector.shape_cast %swap3A_149 : vector<1x16xf32> to vector<16xf32>
      %swap3A_151 = vector.shape_cast %mul3A_146 : vector<16xf32> to vector<1x16xf32>
      tpu.vector_store %arg8[%swap3A_147, %swap3A_148], %swap3A_151 {strides = array<i32>} : memref<128x384xf32, #tpu.memory_space<vmem>>, vector<1x16xf32>,
      %mul3A_152 = arith.constant 2.000000e-02 : f32
      %mul3A_153 = vector.broadcast %mul3A_152 : f32 to vector<16xf32>
      %mul3A_154 = arith.mulf %scan3A_95#7, %mul3A_153 : vector<16xf32>
      %swap3A_155 = arith.index_cast %add3A_50 : i32 to index
      %swap3A_156 = arith.constant 112 : index
      %swap3A_157 = tpu.vector_load %arg8[%swap3A_155, %swap3A_156] {strides = array<i32>} : memref<128x384xf32, #tpu.memory_space<vmem>>, vector<1x16xf32>,
      %swap3A_158 = vector.shape_cast %swap3A_157 : vector<1x16xf32> to vector<16xf32>
      %swap3A_159 = vector.shape_cast %mul3A_154 : vector<16xf32> to vector<1x16xf32>
      tpu.vector_store %arg8[%swap3A_155, %swap3A_156], %swap3A_159 {strides = array<i32>} : memref<128x384xf32, #tpu.memory_space<vmem>>, vector<1x16xf32>,
      %mul3A_160 = arith.constant 2.000000e-02 : f32
      %mul3A_161 = vector.broadcast %mul3A_160 : f32 to vector<16xf32>
      %mul3A_162 = arith.mulf %scan3A_95#8, %mul3A_161 : vector<16xf32>
      %swap3A_163 = arith.index_cast %add3A_50 : i32 to index
      %swap3A_164 = arith.constant 128 : index
      %swap3A_165 = tpu.vector_load %arg8[%swap3A_163, %swap3A_164] {strides = array<i32>} : memref<128x384xf32, #tpu.memory_space<vmem>>, vector<1x16xf32>,
      %swap3A_166 = vector.shape_cast %swap3A_165 : vector<1x16xf32> to vector<16xf32>
      %swap3A_167 = vector.shape_cast %mul3A_162 : vector<16xf32> to vector<1x16xf32>
      tpu.vector_store %arg8[%swap3A_163, %swap3A_164], %swap3A_167 {strides = array<i32>} : memref<128x384xf32, #tpu.memory_space<vmem>>, vector<1x16xf32>,
      %mul3A_168 = arith.constant 2.000000e-02 : f32
      %mul3A_169 = vector.broadcast %mul3A_168 : f32 to vector<16xf32>
      %mul3A_170 = arith.mulf %scan3A_95#9, %mul3A_169 : vector<16xf32>
      %swap3A_171 = arith.index_cast %add3A_50 : i32 to index
      %swap3A_172 = arith.constant 144 : index
      %swap3A_173 = tpu.vector_load %arg8[%swap3A_171, %swap3A_172] {strides = array<i32>} : memref<128x384xf32, #tpu.memory_space<vmem>>, vector<1x16xf32>,
      %swap3A_174 = vector.shape_cast %swap3A_173 : vector<1x16xf32> to vector<16xf32>
      %swap3A_175 = vector.shape_cast %mul3A_170 : vector<16xf32> to vector<1x16xf32>
      tpu.vector_store %arg8[%swap3A_171, %swap3A_172], %swap3A_175 {strides = array<i32>} : memref<128x384xf32, #tpu.memory_space<vmem>>, vector<1x16xf32>,
      %mul3A_176 = arith.constant 2.000000e-02 : f32
      %mul3A_177 = vector.broadcast %mul3A_176 : f32 to vector<16xf32>
      %mul3A_178 = arith.mulf %scan3A_95#10, %mul3A_177 : vector<16xf32>
      %swap3A_179 = arith.index_cast %add3A_50 : i32 to index
      %swap3A_180 = arith.constant 160 : index
      %swap3A_181 = tpu.vector_load %arg8[%swap3A_179, %swap3A_180] {strides = array<i32>} : memref<128x384xf32, #tpu.memory_space<vmem>>, vector<1x16xf32>,
      %swap3A_182 = vector.shape_cast %swap3A_181 : vector<1x16xf32> to vector<16xf32>
      %swap3A_183 = vector.shape_cast %mul3A_178 : vector<16xf32> to vector<1x16xf32>
      tpu.vector_store %arg8[%swap3A_179, %swap3A_180], %swap3A_183 {strides = array<i32>} : memref<128x384xf32, #tpu.memory_space<vmem>>, vector<1x16xf32>,
      %mul3A_184 = arith.constant 2.000000e-02 : f32
      %mul3A_185 = vector.broadcast %mul3A_184 : f32 to vector<16xf32>
      %mul3A_186 = arith.mulf %scan3A_95#11, %mul3A_185 : vector<16xf32>
      %swap3A_187 = arith.index_cast %add3A_50 : i32 to index
      %swap3A_188 = arith.constant 176 : index
      %swap3A_189 = tpu.vector_load %arg8[%swap3A_187, %swap3A_188] {strides = array<i32>} : memref<128x384xf32, #tpu.memory_space<vmem>>, vector<1x16xf32>,
      %swap3A_190 = vector.shape_cast %swap3A_189 : vector<1x16xf32> to vector<16xf32>
      %swap3A_191 = vector.shape_cast %mul3A_186 : vector<16xf32> to vector<1x16xf32>
      tpu.vector_store %arg8[%swap3A_187, %swap3A_188], %swap3A_191 {strides = array<i32>} : memref<128x384xf32, #tpu.memory_space<vmem>>, vector<1x16xf32>,
      %mul3A_192 = arith.constant 2.000000e-02 : f32
      %mul3A_193 = vector.broadcast %mul3A_192 : f32 to vector<16xf32>
      %mul3A_194 = arith.mulf %scan3A_95#12, %mul3A_193 : vector<16xf32>
      %swap3A_195 = arith.index_cast %add3A_50 : i32 to index
      %swap3A_196 = arith.constant 192 : index
      %swap3A_197 = tpu.vector_load %arg8[%swap3A_195, %swap3A_196] {strides = array<i32>} : memref<128x384xf32, #tpu.memory_space<vmem>>, vector<1x16xf32>,
      %swap3A_198 = vector.shape_cast %swap3A_197 : vector<1x16xf32> to vector<16xf32>
      %swap3A_199 = vector.shape_cast %mul3A_194 : vector<16xf32> to vector<1x16xf32>
      tpu.vector_store %arg8[%swap3A_195, %swap3A_196], %swap3A_199 {strides = array<i32>} : memref<128x384xf32, #tpu.memory_space<vmem>>, vector<1x16xf32>,
      %mul3A_200 = arith.constant 2.000000e-02 : f32
      %mul3A_201 = vector.broadcast %mul3A_200 : f32 to vector<16xf32>
      %mul3A_202 = arith.mulf %scan3A_95#13, %mul3A_201 : vector<16xf32>
      %swap3A_203 = arith.index_cast %add3A_50 : i32 to index
      %swap3A_204 = arith.constant 208 : index
      %swap3A_205 = tpu.vector_load %arg8[%swap3A_203, %swap3A_204] {strides = array<i32>} : memref<128x384xf32, #tpu.memory_space<vmem>>, vector<1x16xf32>,
      %swap3A_206 = vector.shape_cast %swap3A_205 : vector<1x16xf32> to vector<16xf32>
      %swap3A_207 = vector.shape_cast %mul3A_202 : vector<16xf32> to vector<1x16xf32>
      tpu.vector_store %arg8[%swap3A_203, %swap3A_204], %swap3A_207 {strides = array<i32>} : memref<128x384xf32, #tpu.memory_space<vmem>>, vector<1x16xf32>,
      %mul3A_208 = arith.constant 2.000000e-02 : f32
      %mul3A_209 = vector.broadcast %mul3A_208 : f32 to vector<16xf32>
      %mul3A_210 = arith.mulf %scan3A_95#14, %mul3A_209 : vector<16xf32>
      %swap3A_211 = arith.index_cast %add3A_50 : i32 to index
      %swap3A_212 = arith.constant 224 : index
      %swap3A_213 = tpu.vector_load %arg8[%swap3A_211, %swap3A_212] {strides = array<i32>} : memref<128x384xf32, #tpu.memory_space<vmem>>, vector<1x16xf32>,
      %swap3A_214 = vector.shape_cast %swap3A_213 : vector<1x16xf32> to vector<16xf32>
      %swap3A_215 = vector.shape_cast %mul3A_210 : vector<16xf32> to vector<1x16xf32>
      tpu.vector_store %arg8[%swap3A_211, %swap3A_212], %swap3A_215 {strides = array<i32>} : memref<128x384xf32, #tpu.memory_space<vmem>>, vector<1x16xf32>,
      %mul3A_216 = arith.constant 2.000000e-02 : f32
      %mul3A_217 = vector.broadcast %mul3A_216 : f32 to vector<16xf32>
      %mul3A_218 = arith.mulf %scan3A_95#15, %mul3A_217 : vector<16xf32>
      %swap3A_219 = arith.index_cast %add3A_50 : i32 to index
      %swap3A_220 = arith.constant 240 : index
      %swap3A_221 = tpu.vector_load %arg8[%swap3A_219, %swap3A_220] {strides = array<i32>} : memref<128x384xf32, #tpu.memory_space<vmem>>, vector<1x16xf32>,
      %swap3A_222 = vector.shape_cast %swap3A_221 : vector<1x16xf32> to vector<16xf32>
      %swap3A_223 = vector.shape_cast %mul3A_218 : vector<16xf32> to vector<1x16xf32>
      tpu.vector_store %arg8[%swap3A_219, %swap3A_220], %swap3A_223 {strides = array<i32>} : memref<128x384xf32, #tpu.memory_space<vmem>>, vector<1x16xf32>,
      %mul3A_224 = arith.constant 2.000000e-02 : f32
      %mul3A_225 = vector.broadcast %mul3A_224 : f32 to vector<16xf32>
      %mul3A_226 = arith.mulf %scan3A_95#16, %mul3A_225 : vector<16xf32>
      %swap3A_227 = arith.index_cast %add3A_50 : i32 to index
      %swap3A_228 = arith.constant 256 : index
      %swap3A_229 = tpu.vector_load %arg8[%swap3A_227, %swap3A_228] {strides = array<i32>} : memref<128x384xf32, #tpu.memory_space<vmem>>, vector<1x16xf32>,
      %swap3A_230 = vector.shape_cast %swap3A_229 : vector<1x16xf32> to vector<16xf32>
      %swap3A_231 = vector.shape_cast %mul3A_226 : vector<16xf32> to vector<1x16xf32>
      tpu.vector_store %arg8[%swap3A_227, %swap3A_228], %swap3A_231 {strides = array<i32>} : memref<128x384xf32, #tpu.memory_space<vmem>>, vector<1x16xf32>,
      %mul3A_232 = arith.constant 2.000000e-02 : f32
      %mul3A_233 = vector.broadcast %mul3A_232 : f32 to vector<16xf32>
      %mul3A_234 = arith.mulf %scan3A_95#17, %mul3A_233 : vector<16xf32>
      %swap3A_235 = arith.index_cast %add3A_50 : i32 to index
      %swap3A_236 = arith.constant 272 : index
      %swap3A_237 = tpu.vector_load %arg8[%swap3A_235, %swap3A_236] {strides = array<i32>} : memref<128x384xf32, #tpu.memory_space<vmem>>, vector<1x16xf32>,
      %swap3A_238 = vector.shape_cast %swap3A_237 : vector<1x16xf32> to vector<16xf32>
      %swap3A_239 = vector.shape_cast %mul3A_234 : vector<16xf32> to vector<1x16xf32>
      tpu.vector_store %arg8[%swap3A_235, %swap3A_236], %swap3A_239 {strides = array<i32>} : memref<128x384xf32, #tpu.memory_space<vmem>>, vector<1x16xf32>,
      %mul3A_240 = arith.constant 2.000000e-02 : f32
      %mul3A_241 = vector.broadcast %mul3A_240 : f32 to vector<16xf32>
      %mul3A_242 = arith.mulf %scan3A_95#18, %mul3A_241 : vector<16xf32>
      %swap3A_243 = arith.index_cast %add3A_50 : i32 to index
      %swap3A_244 = arith.constant 288 : index
      %swap3A_245 = tpu.vector_load %arg8[%swap3A_243, %swap3A_244] {strides = array<i32>} : memref<128x384xf32, #tpu.memory_space<vmem>>, vector<1x16xf32>,
      %swap3A_246 = vector.shape_cast %swap3A_245 : vector<1x16xf32> to vector<16xf32>
      %swap3A_247 = vector.shape_cast %mul3A_242 : vector<16xf32> to vector<1x16xf32>
      tpu.vector_store %arg8[%swap3A_243, %swap3A_244], %swap3A_247 {strides = array<i32>} : memref<128x384xf32, #tpu.memory_space<vmem>>, vector<1x16xf32>,
      %mul3A_248 = arith.constant 2 : i32
      %mul3A_249 = arith.muli %scan3A_46, %mul3A_248 : i32
      %add3A_250 = arith.constant 1 : i32
      %add3A_251 = arith.addi %mul3A_249, %add3A_250 : i32
      %add3A_252 = arith.constant 1 : i32
      %add3A_253 = arith.addi %add3A_251, %add3A_252 : i32
      %lt3A_254 = arith.constant 128 : i32
      %lt3A_255 = arith.cmpi slt, %add3A_253, %lt3A_254 : i32
      %convert_element_type3A_256 = arith.extui %lt3A_255 : i1 to i32
      %cond3A_257 = arith.constant 0 : i32
      %cond3A_258 = arith.cmpi ne, %convert_element_type3A_256, %cond3A_257 : i32
      scf.if %cond3A_258 {
        %add3A_455 = arith.constant 1 : i32
        %add3A_456 = arith.addi %add3A_251, %add3A_455 : i32
        %dma_start3A_457 = arith.constant 0 : i32
        %dma_start3A_458 = arith.constant 0 : i32
        %dma_start3A_459 = arith.constant 0 : i32
        %dma_start3A_460 = arith.constant 0 : i32
        %dma_start3A_461 = tpu.memref_slice %arg7[%dma_start3A_457, %dma_start3A_458, %dma_start3A_459, %dma_start3A_460] : memref<2x3x50x128xf32, #tpu.memory_space<vmem>> -> memref<1x1x50x128xf32, #tpu.memory_space<vmem>>
        %dma_start3A_462 = tpu.memref_squeeze %dma_start3A_461 : memref<1x1x50x128xf32, #tpu.memory_space<vmem>> -> memref<50x128xf32, #tpu.memory_space<vmem>>
        %dma_start3A_463 = arith.constant 0 : i32
        %dma_start3A_464 = tpu.memref_slice %arg6[%add3A_456, %dma_start3A_463] : memref<128x50xi32, #tpu.memory_space<vmem>> -> memref<1x50xi32, #tpu.memory_space<vmem>>
        %dma_start3A_465 = tpu.memref_squeeze %dma_start3A_464 : memref<1x50xi32, #tpu.memory_space<vmem>> -> memref<50xi32, #tpu.memory_space<vmem>>
        %dma_start3A_466 = arith.constant 0 : i32
        %dma_start3A_467 = arith.constant 0 : i32
        %dma_start3A_468 = tpu.memref_slice %arg3[%dma_start3A_466, %dma_start3A_467] : memref<100000x300xf32, #tpu.memory_space<hbm>> -> memref<100000x128xf32, #tpu.memory_space<hbm>>
        tpu.enqueue_indirect_dma source(%dma_start3A_468 : memref<100000x128xf32, #tpu.memory_space<hbm>>) target(%dma_start3A_462 : memref<50x128xf32, #tpu.memory_space<vmem>>) offsets(%dma_start3A_465 : memref<50xi32, #tpu.memory_space<vmem>>) semaphore(%arg9 : memref<!tpu.dma_semaphore, #tpu.memory_space<semaphore_mem>>)
        %dma_start3A_469 = arith.constant 0 : i32
        %dma_start3A_470 = arith.constant 1 : i32
        %dma_start3A_471 = arith.constant 0 : i32
        %dma_start3A_472 = arith.constant 0 : i32
        %dma_start3A_473 = tpu.memref_slice %arg7[%dma_start3A_469, %dma_start3A_470, %dma_start3A_471, %dma_start3A_472] : memref<2x3x50x128xf32, #tpu.memory_space<vmem>> -> memref<1x1x50x128xf32, #tpu.memory_space<vmem>>
        %dma_start3A_474 = tpu.memref_squeeze %dma_start3A_473 : memref<1x1x50x128xf32, #tpu.memory_space<vmem>> -> memref<50x128xf32, #tpu.memory_space<vmem>>
        %dma_start3A_475 = arith.constant 0 : i32
        %dma_start3A_476 = tpu.memref_slice %arg6[%add3A_456, %dma_start3A_475] : memref<128x50xi32, #tpu.memory_space<vmem>> -> memref<1x50xi32, #tpu.memory_space<vmem>>
        %dma_start3A_477 = tpu.memref_squeeze %dma_start3A_476 : memref<1x50xi32, #tpu.memory_space<vmem>> -> memref<50xi32, #tpu.memory_space<vmem>>
        %dma_start3A_478 = arith.constant 0 : i32
        %dma_start3A_479 = arith.constant 128 : i32
        %dma_start3A_480 = tpu.memref_slice %arg3[%dma_start3A_478, %dma_start3A_479] : memref<100000x300xf32, #tpu.memory_space<hbm>> -> memref<100000x128xf32, #tpu.memory_space<hbm>>
        tpu.enqueue_indirect_dma source(%dma_start3A_480 : memref<100000x128xf32, #tpu.memory_space<hbm>>) target(%dma_start3A_474 : memref<50x128xf32, #tpu.memory_space<vmem>>) offsets(%dma_start3A_477 : memref<50xi32, #tpu.memory_space<vmem>>) semaphore(%arg9 : memref<!tpu.dma_semaphore, #tpu.memory_space<semaphore_mem>>)
        %dma_start3A_481 = arith.constant 0 : i32
        %dma_start3A_482 = arith.constant 2 : i32
        %dma_start3A_483 = arith.constant 0 : i32
        %dma_start3A_484 = arith.constant 0 : i32
        %dma_start3A_485 = tpu.memref_slice %arg7[%dma_start3A_481, %dma_start3A_482, %dma_start3A_483, %dma_start3A_484] : memref<2x3x50x128xf32, #tpu.memory_space<vmem>> -> memref<1x1x50x128xf32, #tpu.memory_space<vmem>>
        %dma_start3A_486 = tpu.memref_squeeze %dma_start3A_485 : memref<1x1x50x128xf32, #tpu.memory_space<vmem>> -> memref<50x128xf32, #tpu.memory_space<vmem>>
        %dma_start3A_487 = arith.constant 0 : i32
        %dma_start3A_488 = tpu.memref_slice %arg6[%add3A_456, %dma_start3A_487] : memref<128x50xi32, #tpu.memory_space<vmem>> -> memref<1x50xi32, #tpu.memory_space<vmem>>
        %dma_start3A_489 = tpu.memref_squeeze %dma_start3A_488 : memref<1x50xi32, #tpu.memory_space<vmem>> -> memref<50xi32, #tpu.memory_space<vmem>>
        %dma_start3A_490 = arith.constant 0 : i32
        %dma_start3A_491 = arith.constant 0 : i32
        %dma_start3A_492 = tpu.memref_slice %arg4[%dma_start3A_490, %dma_start3A_491] : memref<100000x128xf32, #tpu.memory_space<hbm>> -> memref<100000x128xf32, #tpu.memory_space<hbm>>
        tpu.enqueue_indirect_dma source(%dma_start3A_492 : memref<100000x128xf32, #tpu.memory_space<hbm>>) target(%dma_start3A_486 : memref<50x128xf32, #tpu.memory_space<vmem>>) offsets(%dma_start3A_489 : memref<50xi32, #tpu.memory_space<vmem>>) semaphore(%arg9 : memref<!tpu.dma_semaphore, #tpu.memory_space<semaphore_mem>>)
      } else {
      }
      %dma_wait3A_259 = arith.constant 1 : i32
      %dma_wait3A_260 = arith.constant 0 : i32
      %dma_wait3A_261 = arith.constant 0 : i32
      %dma_wait3A_262 = arith.constant 0 : i32
      %dma_wait3A_263 = tpu.memref_slice %arg7[%dma_wait3A_259, %dma_wait3A_260, %dma_wait3A_261, %dma_wait3A_262] : memref<2x3x50x128xf32, #tpu.memory_space<vmem>> -> memref<1x1x50x128xf32, #tpu.memory_space<vmem>>
      %dma_wait3A_264 = tpu.memref_squeeze %dma_wait3A_263 : memref<1x1x50x128xf32, #tpu.memory_space<vmem>> -> memref<50x128xf32, #tpu.memory_space<vmem>>
      %dma_wait3A_265 = arith.constant 0 : i32
      %dma_wait3A_266 = tpu.memref_slice %arg6[%add3A_251, %dma_wait3A_265] : memref<128x50xi32, #tpu.memory_space<vmem>> -> memref<1x50xi32, #tpu.memory_space<vmem>>
      %dma_wait3A_267 = tpu.memref_squeeze %dma_wait3A_266 : memref<1x50xi32, #tpu.memory_space<vmem>> -> memref<50xi32, #tpu.memory_space<vmem>>
      %dma_wait3A_268 = arith.constant 0 : i32
      %dma_wait3A_269 = arith.constant 0 : i32
      %dma_wait3A_270 = tpu.memref_slice %arg3[%dma_wait3A_268, %dma_wait3A_269] : memref<100000x300xf32, #tpu.memory_space<hbm>> -> memref<100000x128xf32, #tpu.memory_space<hbm>>
      tpu.wait_indirect_dma semaphore(%arg10 : memref<!tpu.dma_semaphore, #tpu.memory_space<semaphore_mem>>) src(%dma_wait3A_270 : memref<100000x128xf32, #tpu.memory_space<hbm>>) dst(%dma_wait3A_264 : memref<50x128xf32, #tpu.memory_space<vmem>>)
      %dma_wait3A_271 = arith.constant 1 : i32
      %dma_wait3A_272 = arith.constant 1 : i32
      %dma_wait3A_273 = arith.constant 0 : i32
      %dma_wait3A_274 = arith.constant 0 : i32
      %dma_wait3A_275 = tpu.memref_slice %arg7[%dma_wait3A_271, %dma_wait3A_272, %dma_wait3A_273, %dma_wait3A_274] : memref<2x3x50x128xf32, #tpu.memory_space<vmem>> -> memref<1x1x50x128xf32, #tpu.memory_space<vmem>>
      %dma_wait3A_276 = tpu.memref_squeeze %dma_wait3A_275 : memref<1x1x50x128xf32, #tpu.memory_space<vmem>> -> memref<50x128xf32, #tpu.memory_space<vmem>>
      %dma_wait3A_277 = arith.constant 0 : i32
      %dma_wait3A_278 = tpu.memref_slice %arg6[%add3A_251, %dma_wait3A_277] : memref<128x50xi32, #tpu.memory_space<vmem>> -> memref<1x50xi32, #tpu.memory_space<vmem>>
      %dma_wait3A_279 = tpu.memref_squeeze %dma_wait3A_278 : memref<1x50xi32, #tpu.memory_space<vmem>> -> memref<50xi32, #tpu.memory_space<vmem>>
      %dma_wait3A_280 = arith.constant 0 : i32
      %dma_wait3A_281 = arith.constant 128 : i32
      %dma_wait3A_282 = tpu.memref_slice %arg3[%dma_wait3A_280, %dma_wait3A_281] : memref<100000x300xf32, #tpu.memory_space<hbm>> -> memref<100000x128xf32, #tpu.memory_space<hbm>>
      tpu.wait_indirect_dma semaphore(%arg10 : memref<!tpu.dma_semaphore, #tpu.memory_space<semaphore_mem>>) src(%dma_wait3A_282 : memref<100000x128xf32, #tpu.memory_space<hbm>>) dst(%dma_wait3A_276 : memref<50x128xf32, #tpu.memory_space<vmem>>)
      %dma_wait3A_283 = arith.constant 1 : i32
      %dma_wait3A_284 = arith.constant 2 : i32
      %dma_wait3A_285 = arith.constant 0 : i32
      %dma_wait3A_286 = arith.constant 0 : i32
      %dma_wait3A_287 = tpu.memref_slice %arg7[%dma_wait3A_283, %dma_wait3A_284, %dma_wait3A_285, %dma_wait3A_286] : memref<2x3x50x128xf32, #tpu.memory_space<vmem>> -> memref<1x1x50x128xf32, #tpu.memory_space<vmem>>
      %dma_wait3A_288 = tpu.memref_squeeze %dma_wait3A_287 : memref<1x1x50x128xf32, #tpu.memory_space<vmem>> -> memref<50x128xf32, #tpu.memory_space<vmem>>
      %dma_wait3A_289 = arith.constant 0 : i32
      %dma_wait3A_290 = tpu.memref_slice %arg6[%add3A_251, %dma_wait3A_289] : memref<128x50xi32, #tpu.memory_space<vmem>> -> memref<1x50xi32, #tpu.memory_space<vmem>>
      %dma_wait3A_291 = tpu.memref_squeeze %dma_wait3A_290 : memref<1x50xi32, #tpu.memory_space<vmem>> -> memref<50xi32, #tpu.memory_space<vmem>>
      %dma_wait3A_292 = arith.constant 0 : i32
      %dma_wait3A_293 = arith.constant 0 : i32
      %dma_wait3A_294 = tpu.memref_slice %arg4[%dma_wait3A_292, %dma_wait3A_293] : memref<100000x128xf32, #tpu.memory_space<hbm>> -> memref<100000x128xf32, #tpu.memory_space<hbm>>
      tpu.wait_indirect_dma semaphore(%arg10 : memref<!tpu.dma_semaphore, #tpu.memory_space<semaphore_mem>>) src(%dma_wait3A_294 : memref<100000x128xf32, #tpu.memory_space<hbm>>) dst(%dma_wait3A_288 : memref<50x128xf32, #tpu.memory_space<vmem>>)
      %broadcast_in_dim3A_295 = arith.constant 0.000000e+00 : f32
      %broadcast_in_dim3A_296 = vector.broadcast %broadcast_in_dim3A_295 : f32 to vector<16xf32>
      %scan3A_297 = arith.constant 0 : i32
      %scan3A_298 = arith.constant 50 : i32
      %scan3A_299 = arith.addi %scan3A_297, %scan3A_298 : i32
      %scan3A_300 = arith.constant 1 : i32
      %scan3A_301:19 = scf.for %scan3A_455 = %scan3A_297 to %scan3A_299 step %scan3A_300 iter_args(%scan3A_456 = %broadcast_in_dim3A_296, %scan3A_457 = %broadcast_in_dim3A_296, %scan3A_458 = %broadcast_in_dim3A_296, %scan3A_459 = %broadcast_in_dim3A_296, %scan3A_460 = %broadcast_in_dim3A_296, %scan3A_461 = %broadcast_in_dim3A_296, %scan3A_462 = %broadcast_in_dim3A_296, %scan3A_463 = %broadcast_in_dim3A_296, %scan3A_464 = %broadcast_in_dim3A_296, %scan3A_465 = %broadcast_in_dim3A_296, %scan3A_466 = %broadcast_in_dim3A_296, %scan3A_467 = %broadcast_in_dim3A_296, %scan3A_468 = %broadcast_in_dim3A_296, %scan3A_469 = %broadcast_in_dim3A_296, %scan3A_470 = %broadcast_in_dim3A_296, %scan3A_471 = %broadcast_in_dim3A_296, %scan3A_472 = %broadcast_in_dim3A_296, %scan3A_473 = %broadcast_in_dim3A_296, %scan3A_474 = %broadcast_in_dim3A_296) -> (vector<16xf32>, vector<16xf32>, vector<16xf32>, vector<16xf32>, vector<16xf32>, vector<16xf32>, vector<16xf32>, vector<16xf32>, vector<16xf32>, vector<16xf32>, vector<16xf32>, vector<16xf32>, vector<16xf32>, vector<16xf32>, vector<16xf32>, vector<16xf32>, vector<16xf32>, vector<16xf32>, vector<16xf32>)  : i32 {
        %get3A = arith.constant 1 : i32
        %get3A_475 = arith.constant 0 : i32
        %get3A_476 = arith.index_cast %get3A : i32 to index
        %get3A_477 = arith.index_cast %get3A_475 : i32 to index
        %get3A_478 = arith.index_cast %scan3A_455 : i32 to index
        %get3A_479 = arith.constant 0 : index
        %get3A_480 = tpu.vector_load %arg7[%get3A_476, %get3A_477, %get3A_478, %get3A_479] {strides = array<i32>} : memref<2x3x50x128xf32, #tpu.memory_space<vmem>>, vector<1x1x1x16xf32>,
        %get3A_481 = vector.shape_cast %get3A_480 : vector<1x1x1x16xf32> to vector<16xf32>
        %add3A_482 = arith.addf %scan3A_456, %get3A_481 : vector<16xf32>
        %get3A_483 = arith.constant 1 : i32
        %get3A_484 = arith.constant 0 : i32
        %get3A_485 = arith.index_cast %get3A_483 : i32 to index
        %get3A_486 = arith.index_cast %get3A_484 : i32 to index
        %get3A_487 = arith.index_cast %scan3A_455 : i32 to index
        %get3A_488 = arith.constant 16 : index
        %get3A_489 = tpu.vector_load %arg7[%get3A_485, %get3A_486, %get3A_487, %get3A_488] {strides = array<i32>} : memref<2x3x50x128xf32, #tpu.memory_space<vmem>>, vector<1x1x1x16xf32>,
        %get3A_490 = vector.shape_cast %get3A_489 : vector<1x1x1x16xf32> to vector<16xf32>
        %add3A_491 = arith.addf %scan3A_457, %get3A_490 : vector<16xf32>
        %get3A_492 = arith.constant 1 : i32
        %get3A_493 = arith.constant 0 : i32
        %get3A_494 = arith.index_cast %get3A_492 : i32 to index
        %get3A_495 = arith.index_cast %get3A_493 : i32 to index
        %get3A_496 = arith.index_cast %scan3A_455 : i32 to index
        %get3A_497 = arith.constant 32 : index
        %get3A_498 = tpu.vector_load %arg7[%get3A_494, %get3A_495, %get3A_496, %get3A_497] {strides = array<i32>} : memref<2x3x50x128xf32, #tpu.memory_space<vmem>>, vector<1x1x1x16xf32>,
        %get3A_499 = vector.shape_cast %get3A_498 : vector<1x1x1x16xf32> to vector<16xf32>
        %add3A_500 = arith.addf %scan3A_458, %get3A_499 : vector<16xf32>
        %get3A_501 = arith.constant 1 : i32
        %get3A_502 = arith.constant 0 : i32
        %get3A_503 = arith.index_cast %get3A_501 : i32 to index
        %get3A_504 = arith.index_cast %get3A_502 : i32 to index
        %get3A_505 = arith.index_cast %scan3A_455 : i32 to index
        %get3A_506 = arith.constant 48 : index
        %get3A_507 = tpu.vector_load %arg7[%get3A_503, %get3A_504, %get3A_505, %get3A_506] {strides = array<i32>} : memref<2x3x50x128xf32, #tpu.memory_space<vmem>>, vector<1x1x1x16xf32>,
        %get3A_508 = vector.shape_cast %get3A_507 : vector<1x1x1x16xf32> to vector<16xf32>
        %add3A_509 = arith.addf %scan3A_459, %get3A_508 : vector<16xf32>
        %get3A_510 = arith.constant 1 : i32
        %get3A_511 = arith.constant 0 : i32
        %get3A_512 = arith.index_cast %get3A_510 : i32 to index
        %get3A_513 = arith.index_cast %get3A_511 : i32 to index
        %get3A_514 = arith.index_cast %scan3A_455 : i32 to index
        %get3A_515 = arith.constant 64 : index
        %get3A_516 = tpu.vector_load %arg7[%get3A_512, %get3A_513, %get3A_514, %get3A_515] {strides = array<i32>} : memref<2x3x50x128xf32, #tpu.memory_space<vmem>>, vector<1x1x1x16xf32>,
        %get3A_517 = vector.shape_cast %get3A_516 : vector<1x1x1x16xf32> to vector<16xf32>
        %add3A_518 = arith.addf %scan3A_460, %get3A_517 : vector<16xf32>
        %get3A_519 = arith.constant 1 : i32
        %get3A_520 = arith.constant 0 : i32
        %get3A_521 = arith.index_cast %get3A_519 : i32 to index
        %get3A_522 = arith.index_cast %get3A_520 : i32 to index
        %get3A_523 = arith.index_cast %scan3A_455 : i32 to index
        %get3A_524 = arith.constant 80 : index
        %get3A_525 = tpu.vector_load %arg7[%get3A_521, %get3A_522, %get3A_523, %get3A_524] {strides = array<i32>} : memref<2x3x50x128xf32, #tpu.memory_space<vmem>>, vector<1x1x1x16xf32>,
        %get3A_526 = vector.shape_cast %get3A_525 : vector<1x1x1x16xf32> to vector<16xf32>
        %add3A_527 = arith.addf %scan3A_461, %get3A_526 : vector<16xf32>
        %get3A_528 = arith.constant 1 : i32
        %get3A_529 = arith.constant 0 : i32
        %get3A_530 = arith.index_cast %get3A_528 : i32 to index
        %get3A_531 = arith.index_cast %get3A_529 : i32 to index
        %get3A_532 = arith.index_cast %scan3A_455 : i32 to index
        %get3A_533 = arith.constant 96 : index
        %get3A_534 = tpu.vector_load %arg7[%get3A_530, %get3A_531, %get3A_532, %get3A_533] {strides = array<i32>} : memref<2x3x50x128xf32, #tpu.memory_space<vmem>>, vector<1x1x1x16xf32>,
        %get3A_535 = vector.shape_cast %get3A_534 : vector<1x1x1x16xf32> to vector<16xf32>
        %add3A_536 = arith.addf %scan3A_462, %get3A_535 : vector<16xf32>
        %get3A_537 = arith.constant 1 : i32
        %get3A_538 = arith.constant 0 : i32
        %get3A_539 = arith.index_cast %get3A_537 : i32 to index
        %get3A_540 = arith.index_cast %get3A_538 : i32 to index
        %get3A_541 = arith.index_cast %scan3A_455 : i32 to index
        %get3A_542 = arith.constant 112 : index
        %get3A_543 = tpu.vector_load %arg7[%get3A_539, %get3A_540, %get3A_541, %get3A_542] {strides = array<i32>} : memref<2x3x50x128xf32, #tpu.memory_space<vmem>>, vector<1x1x1x16xf32>,
        %get3A_544 = vector.shape_cast %get3A_543 : vector<1x1x1x16xf32> to vector<16xf32>
        %add3A_545 = arith.addf %scan3A_463, %get3A_544 : vector<16xf32>
        %get3A_546 = arith.constant 1 : i32
        %get3A_547 = arith.constant 1 : i32
        %get3A_548 = arith.index_cast %get3A_546 : i32 to index
        %get3A_549 = arith.index_cast %get3A_547 : i32 to index
        %get3A_550 = arith.index_cast %scan3A_455 : i32 to index
        %get3A_551 = arith.constant 0 : index
        %get3A_552 = tpu.vector_load %arg7[%get3A_548, %get3A_549, %get3A_550, %get3A_551] {strides = array<i32>} : memref<2x3x50x128xf32, #tpu.memory_space<vmem>>, vector<1x1x1x16xf32>,
        %get3A_553 = vector.shape_cast %get3A_552 : vector<1x1x1x16xf32> to vector<16xf32>
        %add3A_554 = arith.addf %scan3A_464, %get3A_553 : vector<16xf32>
        %get3A_555 = arith.constant 1 : i32
        %get3A_556 = arith.constant 1 : i32
        %get3A_557 = arith.index_cast %get3A_555 : i32 to index
        %get3A_558 = arith.index_cast %get3A_556 : i32 to index
        %get3A_559 = arith.index_cast %scan3A_455 : i32 to index
        %get3A_560 = arith.constant 16 : index
        %get3A_561 = tpu.vector_load %arg7[%get3A_557, %get3A_558, %get3A_559, %get3A_560] {strides = array<i32>} : memref<2x3x50x128xf32, #tpu.memory_space<vmem>>, vector<1x1x1x16xf32>,
        %get3A_562 = vector.shape_cast %get3A_561 : vector<1x1x1x16xf32> to vector<16xf32>
        %add3A_563 = arith.addf %scan3A_465, %get3A_562 : vector<16xf32>
        %get3A_564 = arith.constant 1 : i32
        %get3A_565 = arith.constant 1 : i32
        %get3A_566 = arith.index_cast %get3A_564 : i32 to index
        %get3A_567 = arith.index_cast %get3A_565 : i32 to index
        %get3A_568 = arith.index_cast %scan3A_455 : i32 to index
        %get3A_569 = arith.constant 32 : index
        %get3A_570 = tpu.vector_load %arg7[%get3A_566, %get3A_567, %get3A_568, %get3A_569] {strides = array<i32>} : memref<2x3x50x128xf32, #tpu.memory_space<vmem>>, vector<1x1x1x16xf32>,
        %get3A_571 = vector.shape_cast %get3A_570 : vector<1x1x1x16xf32> to vector<16xf32>
        %add3A_572 = arith.addf %scan3A_466, %get3A_571 : vector<16xf32>
        %get3A_573 = arith.constant 1 : i32
        %get3A_574 = arith.constant 1 : i32
        %get3A_575 = arith.index_cast %get3A_573 : i32 to index
        %get3A_576 = arith.index_cast %get3A_574 : i32 to index
        %get3A_577 = arith.index_cast %scan3A_455 : i32 to index
        %get3A_578 = arith.constant 48 : index
        %get3A_579 = tpu.vector_load %arg7[%get3A_575, %get3A_576, %get3A_577, %get3A_578] {strides = array<i32>} : memref<2x3x50x128xf32, #tpu.memory_space<vmem>>, vector<1x1x1x16xf32>,
        %get3A_580 = vector.shape_cast %get3A_579 : vector<1x1x1x16xf32> to vector<16xf32>
        %add3A_581 = arith.addf %scan3A_467, %get3A_580 : vector<16xf32>
        %get3A_582 = arith.constant 1 : i32
        %get3A_583 = arith.constant 1 : i32
        %get3A_584 = arith.index_cast %get3A_582 : i32 to index
        %get3A_585 = arith.index_cast %get3A_583 : i32 to index
        %get3A_586 = arith.index_cast %scan3A_455 : i32 to index
        %get3A_587 = arith.constant 64 : index
        %get3A_588 = tpu.vector_load %arg7[%get3A_584, %get3A_585, %get3A_586, %get3A_587] {strides = array<i32>} : memref<2x3x50x128xf32, #tpu.memory_space<vmem>>, vector<1x1x1x16xf32>,
        %get3A_589 = vector.shape_cast %get3A_588 : vector<1x1x1x16xf32> to vector<16xf32>
        %add3A_590 = arith.addf %scan3A_468, %get3A_589 : vector<16xf32>
        %get3A_591 = arith.constant 1 : i32
        %get3A_592 = arith.constant 1 : i32
        %get3A_593 = arith.index_cast %get3A_591 : i32 to index
        %get3A_594 = arith.index_cast %get3A_592 : i32 to index
        %get3A_595 = arith.index_cast %scan3A_455 : i32 to index
        %get3A_596 = arith.constant 80 : index
        %get3A_597 = tpu.vector_load %arg7[%get3A_593, %get3A_594, %get3A_595, %get3A_596] {strides = array<i32>} : memref<2x3x50x128xf32, #tpu.memory_space<vmem>>, vector<1x1x1x16xf32>,
        %get3A_598 = vector.shape_cast %get3A_597 : vector<1x1x1x16xf32> to vector<16xf32>
        %add3A_599 = arith.addf %scan3A_469, %get3A_598 : vector<16xf32>
        %get3A_600 = arith.constant 1 : i32
        %get3A_601 = arith.constant 1 : i32
        %get3A_602 = arith.index_cast %get3A_600 : i32 to index
        %get3A_603 = arith.index_cast %get3A_601 : i32 to index
        %get3A_604 = arith.index_cast %scan3A_455 : i32 to index
        %get3A_605 = arith.constant 96 : index
        %get3A_606 = tpu.vector_load %arg7[%get3A_602, %get3A_603, %get3A_604, %get3A_605] {strides = array<i32>} : memref<2x3x50x128xf32, #tpu.memory_space<vmem>>, vector<1x1x1x16xf32>,
        %get3A_607 = vector.shape_cast %get3A_606 : vector<1x1x1x16xf32> to vector<16xf32>
        %add3A_608 = arith.addf %scan3A_470, %get3A_607 : vector<16xf32>
        %get3A_609 = arith.constant 1 : i32
        %get3A_610 = arith.constant 1 : i32
        %get3A_611 = arith.index_cast %get3A_609 : i32 to index
        %get3A_612 = arith.index_cast %get3A_610 : i32 to index
        %get3A_613 = arith.index_cast %scan3A_455 : i32 to index
        %get3A_614 = arith.constant 112 : index
        %get3A_615 = tpu.vector_load %arg7[%get3A_611, %get3A_612, %get3A_613, %get3A_614] {strides = array<i32>} : memref<2x3x50x128xf32, #tpu.memory_space<vmem>>, vector<1x1x1x16xf32>,
        %get3A_616 = vector.shape_cast %get3A_615 : vector<1x1x1x16xf32> to vector<16xf32>
        %add3A_617 = arith.addf %scan3A_471, %get3A_616 : vector<16xf32>
        %get3A_618 = arith.constant 1 : i32
        %get3A_619 = arith.constant 2 : i32
        %get3A_620 = arith.index_cast %get3A_618 : i32 to index
        %get3A_621 = arith.index_cast %get3A_619 : i32 to index
        %get3A_622 = arith.index_cast %scan3A_455 : i32 to index
        %get3A_623 = arith.constant 0 : index
        %get3A_624 = tpu.vector_load %arg7[%get3A_620, %get3A_621, %get3A_622, %get3A_623] {strides = array<i32>} : memref<2x3x50x128xf32, #tpu.memory_space<vmem>>, vector<1x1x1x16xf32>,
        %get3A_625 = vector.shape_cast %get3A_624 : vector<1x1x1x16xf32> to vector<16xf32>
        %add3A_626 = arith.addf %scan3A_472, %get3A_625 : vector<16xf32>
        %get3A_627 = arith.constant 1 : i32
        %get3A_628 = arith.constant 2 : i32
        %get3A_629 = arith.index_cast %get3A_627 : i32 to index
        %get3A_630 = arith.index_cast %get3A_628 : i32 to index
        %get3A_631 = arith.index_cast %scan3A_455 : i32 to index
        %get3A_632 = arith.constant 16 : index
        %get3A_633 = tpu.vector_load %arg7[%get3A_629, %get3A_630, %get3A_631, %get3A_632] {strides = array<i32>} : memref<2x3x50x128xf32, #tpu.memory_space<vmem>>, vector<1x1x1x16xf32>,
        %get3A_634 = vector.shape_cast %get3A_633 : vector<1x1x1x16xf32> to vector<16xf32>
        %add3A_635 = arith.addf %scan3A_473, %get3A_634 : vector<16xf32>
        %get3A_636 = arith.constant 1 : i32
        %get3A_637 = arith.constant 2 : i32
        %get3A_638 = arith.index_cast %get3A_636 : i32 to index
        %get3A_639 = arith.index_cast %get3A_637 : i32 to index
        %get3A_640 = arith.index_cast %scan3A_455 : i32 to index
        %get3A_641 = arith.constant 32 : index
        %get3A_642 = tpu.vector_load %arg7[%get3A_638, %get3A_639, %get3A_640, %get3A_641] {strides = array<i32>} : memref<2x3x50x128xf32, #tpu.memory_space<vmem>>, vector<1x1x1x16xf32>,
        %get3A_643 = vector.shape_cast %get3A_642 : vector<1x1x1x16xf32> to vector<16xf32>
        %add3A_644 = arith.addf %scan3A_474, %get3A_643 : vector<16xf32>
        scf.yield %add3A_482, %add3A_491, %add3A_500, %add3A_509, %add3A_518, %add3A_527, %add3A_536, %add3A_545, %add3A_554, %add3A_563, %add3A_572, %add3A_581, %add3A_590, %add3A_599, %add3A_608, %add3A_617, %add3A_626, %add3A_635, %add3A_644 : vector<16xf32>, vector<16xf32>, vector<16xf32>, vector<16xf32>, vector<16xf32>, vector<16xf32>, vector<16xf32>, vector<16xf32>, vector<16xf32>, vector<16xf32>, vector<16xf32>, vector<16xf32>, vector<16xf32>, vector<16xf32>, vector<16xf32>, vector<16xf32>, vector<16xf32>, vector<16xf32>, vector<16xf32>
      }
      %scan3A_302 = arith.constant 50 : i32
      %mul3A_303 = arith.constant 2.000000e-02 : f32
      %mul3A_304 = vector.broadcast %mul3A_303 : f32 to vector<16xf32>
      %mul3A_305 = arith.mulf %scan3A_301#0, %mul3A_304 : vector<16xf32>
      %swap3A_306 = arith.index_cast %add3A_251 : i32 to index
      %swap3A_307 = arith.constant 0 : index
      %swap3A_308 = tpu.vector_load %arg8[%swap3A_306, %swap3A_307] {strides = array<i32>} : memref<128x384xf32, #tpu.memory_space<vmem>>, vector<1x16xf32>,
      %swap3A_309 = vector.shape_cast %swap3A_308 : vector<1x16xf32> to vector<16xf32>
      %swap3A_310 = vector.shape_cast %mul3A_305 : vector<16xf32> to vector<1x16xf32>
      tpu.vector_store %arg8[%swap3A_306, %swap3A_307], %swap3A_310 {strides = array<i32>} : memref<128x384xf32, #tpu.memory_space<vmem>>, vector<1x16xf32>,
      %mul3A_311 = arith.constant 2.000000e-02 : f32
      %mul3A_312 = vector.broadcast %mul3A_311 : f32 to vector<16xf32>
      %mul3A_313 = arith.mulf %scan3A_301#1, %mul3A_312 : vector<16xf32>
      %swap3A_314 = arith.index_cast %add3A_251 : i32 to index
      %swap3A_315 = arith.constant 16 : index
      %swap3A_316 = tpu.vector_load %arg8[%swap3A_314, %swap3A_315] {strides = array<i32>} : memref<128x384xf32, #tpu.memory_space<vmem>>, vector<1x16xf32>,
      %swap3A_317 = vector.shape_cast %swap3A_316 : vector<1x16xf32> to vector<16xf32>
      %swap3A_318 = vector.shape_cast %mul3A_313 : vector<16xf32> to vector<1x16xf32>
      tpu.vector_store %arg8[%swap3A_314, %swap3A_315], %swap3A_318 {strides = array<i32>} : memref<128x384xf32, #tpu.memory_space<vmem>>, vector<1x16xf32>,
      %mul3A_319 = arith.constant 2.000000e-02 : f32
      %mul3A_320 = vector.broadcast %mul3A_319 : f32 to vector<16xf32>
      %mul3A_321 = arith.mulf %scan3A_301#2, %mul3A_320 : vector<16xf32>
      %swap3A_322 = arith.index_cast %add3A_251 : i32 to index
      %swap3A_323 = arith.constant 32 : index
      %swap3A_324 = tpu.vector_load %arg8[%swap3A_322, %swap3A_323] {strides = array<i32>} : memref<128x384xf32, #tpu.memory_space<vmem>>, vector<1x16xf32>,
      %swap3A_325 = vector.shape_cast %swap3A_324 : vector<1x16xf32> to vector<16xf32>
      %swap3A_326 = vector.shape_cast %mul3A_321 : vector<16xf32> to vector<1x16xf32>
      tpu.vector_store %arg8[%swap3A_322, %swap3A_323], %swap3A_326 {strides = array<i32>} : memref<128x384xf32, #tpu.memory_space<vmem>>, vector<1x16xf32>,
      %mul3A_327 = arith.constant 2.000000e-02 : f32
      %mul3A_328 = vector.broadcast %mul3A_327 : f32 to vector<16xf32>
      %mul3A_329 = arith.mulf %scan3A_301#3, %mul3A_328 : vector<16xf32>
      %swap3A_330 = arith.index_cast %add3A_251 : i32 to index
      %swap3A_331 = arith.constant 48 : index
      %swap3A_332 = tpu.vector_load %arg8[%swap3A_330, %swap3A_331] {strides = array<i32>} : memref<128x384xf32, #tpu.memory_space<vmem>>, vector<1x16xf32>,
      %swap3A_333 = vector.shape_cast %swap3A_332 : vector<1x16xf32> to vector<16xf32>
      %swap3A_334 = vector.shape_cast %mul3A_329 : vector<16xf32> to vector<1x16xf32>
      tpu.vector_store %arg8[%swap3A_330, %swap3A_331], %swap3A_334 {strides = array<i32>} : memref<128x384xf32, #tpu.memory_space<vmem>>, vector<1x16xf32>,
      %mul3A_335 = arith.constant 2.000000e-02 : f32
      %mul3A_336 = vector.broadcast %mul3A_335 : f32 to vector<16xf32>
      %mul3A_337 = arith.mulf %scan3A_301#4, %mul3A_336 : vector<16xf32>
      %swap3A_338 = arith.index_cast %add3A_251 : i32 to index
      %swap3A_339 = arith.constant 64 : index
      %swap3A_340 = tpu.vector_load %arg8[%swap3A_338, %swap3A_339] {strides = array<i32>} : memref<128x384xf32, #tpu.memory_space<vmem>>, vector<1x16xf32>,
      %swap3A_341 = vector.shape_cast %swap3A_340 : vector<1x16xf32> to vector<16xf32>
      %swap3A_342 = vector.shape_cast %mul3A_337 : vector<16xf32> to vector<1x16xf32>
      tpu.vector_store %arg8[%swap3A_338, %swap3A_339], %swap3A_342 {strides = array<i32>} : memref<128x384xf32, #tpu.memory_space<vmem>>, vector<1x16xf32>,
      %mul3A_343 = arith.constant 2.000000e-02 : f32
      %mul3A_344 = vector.broadcast %mul3A_343 : f32 to vector<16xf32>
      %mul3A_345 = arith.mulf %scan3A_301#5, %mul3A_344 : vector<16xf32>
      %swap3A_346 = arith.index_cast %add3A_251 : i32 to index
      %swap3A_347 = arith.constant 80 : index
      %swap3A_348 = tpu.vector_load %arg8[%swap3A_346, %swap3A_347] {strides = array<i32>} : memref<128x384xf32, #tpu.memory_space<vmem>>, vector<1x16xf32>,
      %swap3A_349 = vector.shape_cast %swap3A_348 : vector<1x16xf32> to vector<16xf32>
      %swap3A_350 = vector.shape_cast %mul3A_345 : vector<16xf32> to vector<1x16xf32>
      tpu.vector_store %arg8[%swap3A_346, %swap3A_347], %swap3A_350 {strides = array<i32>} : memref<128x384xf32, #tpu.memory_space<vmem>>, vector<1x16xf32>,
      %mul3A_351 = arith.constant 2.000000e-02 : f32
      %mul3A_352 = vector.broadcast %mul3A_351 : f32 to vector<16xf32>
      %mul3A_353 = arith.mulf %scan3A_301#6, %mul3A_352 : vector<16xf32>
      %swap3A_354 = arith.index_cast %add3A_251 : i32 to index
      %swap3A_355 = arith.constant 96 : index
      %swap3A_356 = tpu.vector_load %arg8[%swap3A_354, %swap3A_355] {strides = array<i32>} : memref<128x384xf32, #tpu.memory_space<vmem>>, vector<1x16xf32>,
      %swap3A_357 = vector.shape_cast %swap3A_356 : vector<1x16xf32> to vector<16xf32>
      %swap3A_358 = vector.shape_cast %mul3A_353 : vector<16xf32> to vector<1x16xf32>
      tpu.vector_store %arg8[%swap3A_354, %swap3A_355], %swap3A_358 {strides = array<i32>} : memref<128x384xf32, #tpu.memory_space<vmem>>, vector<1x16xf32>,
      %mul3A_359 = arith.constant 2.000000e-02 : f32
      %mul3A_360 = vector.broadcast %mul3A_359 : f32 to vector<16xf32>
      %mul3A_361 = arith.mulf %scan3A_301#7, %mul3A_360 : vector<16xf32>
      %swap3A_362 = arith.index_cast %add3A_251 : i32 to index
      %swap3A_363 = arith.constant 112 : index
      %swap3A_364 = tpu.vector_load %arg8[%swap3A_362, %swap3A_363] {strides = array<i32>} : memref<128x384xf32, #tpu.memory_space<vmem>>, vector<1x16xf32>,
      %swap3A_365 = vector.shape_cast %swap3A_364 : vector<1x16xf32> to vector<16xf32>
      %swap3A_366 = vector.shape_cast %mul3A_361 : vector<16xf32> to vector<1x16xf32>
      tpu.vector_store %arg8[%swap3A_362, %swap3A_363], %swap3A_366 {strides = array<i32>} : memref<128x384xf32, #tpu.memory_space<vmem>>, vector<1x16xf32>,
      %mul3A_367 = arith.constant 2.000000e-02 : f32
      %mul3A_368 = vector.broadcast %mul3A_367 : f32 to vector<16xf32>
      %mul3A_369 = arith.mulf %scan3A_301#8, %mul3A_368 : vector<16xf32>
      %swap3A_370 = arith.index_cast %add3A_251 : i32 to index
      %swap3A_371 = arith.constant 128 : index
      %swap3A_372 = tpu.vector_load %arg8[%swap3A_370, %swap3A_371] {strides = array<i32>} : memref<128x384xf32, #tpu.memory_space<vmem>>, vector<1x16xf32>,
      %swap3A_373 = vector.shape_cast %swap3A_372 : vector<1x16xf32> to vector<16xf32>
      %swap3A_374 = vector.shape_cast %mul3A_369 : vector<16xf32> to vector<1x16xf32>
      tpu.vector_store %arg8[%swap3A_370, %swap3A_371], %swap3A_374 {strides = array<i32>} : memref<128x384xf32, #tpu.memory_space<vmem>>, vector<1x16xf32>,
      %mul3A_375 = arith.constant 2.000000e-02 : f32
      %mul3A_376 = vector.broadcast %mul3A_375 : f32 to vector<16xf32>
      %mul3A_377 = arith.mulf %scan3A_301#9, %mul3A_376 : vector<16xf32>
      %swap3A_378 = arith.index_cast %add3A_251 : i32 to index
      %swap3A_379 = arith.constant 144 : index
      %swap3A_380 = tpu.vector_load %arg8[%swap3A_378, %swap3A_379] {strides = array<i32>} : memref<128x384xf32, #tpu.memory_space<vmem>>, vector<1x16xf32>,
      %swap3A_381 = vector.shape_cast %swap3A_380 : vector<1x16xf32> to vector<16xf32>
      %swap3A_382 = vector.shape_cast %mul3A_377 : vector<16xf32> to vector<1x16xf32>
      tpu.vector_store %arg8[%swap3A_378, %swap3A_379], %swap3A_382 {strides = array<i32>} : memref<128x384xf32, #tpu.memory_space<vmem>>, vector<1x16xf32>,
      %mul3A_383 = arith.constant 2.000000e-02 : f32
      %mul3A_384 = vector.broadcast %mul3A_383 : f32 to vector<16xf32>
      %mul3A_385 = arith.mulf %scan3A_301#10, %mul3A_384 : vector<16xf32>
      %swap3A_386 = arith.index_cast %add3A_251 : i32 to index
      %swap3A_387 = arith.constant 160 : index
      %swap3A_388 = tpu.vector_load %arg8[%swap3A_386, %swap3A_387] {strides = array<i32>} : memref<128x384xf32, #tpu.memory_space<vmem>>, vector<1x16xf32>,
      %swap3A_389 = vector.shape_cast %swap3A_388 : vector<1x16xf32> to vector<16xf32>
      %swap3A_390 = vector.shape_cast %mul3A_385 : vector<16xf32> to vector<1x16xf32>
      tpu.vector_store %arg8[%swap3A_386, %swap3A_387], %swap3A_390 {strides = array<i32>} : memref<128x384xf32, #tpu.memory_space<vmem>>, vector<1x16xf32>,
      %mul3A_391 = arith.constant 2.000000e-02 : f32
      %mul3A_392 = vector.broadcast %mul3A_391 : f32 to vector<16xf32>
      %mul3A_393 = arith.mulf %scan3A_301#11, %mul3A_392 : vector<16xf32>
      %swap3A_394 = arith.index_cast %add3A_251 : i32 to index
      %swap3A_395 = arith.constant 176 : index
      %swap3A_396 = tpu.vector_load %arg8[%swap3A_394, %swap3A_395] {strides = array<i32>} : memref<128x384xf32, #tpu.memory_space<vmem>>, vector<1x16xf32>,
      %swap3A_397 = vector.shape_cast %swap3A_396 : vector<1x16xf32> to vector<16xf32>
      %swap3A_398 = vector.shape_cast %mul3A_393 : vector<16xf32> to vector<1x16xf32>
      tpu.vector_store %arg8[%swap3A_394, %swap3A_395], %swap3A_398 {strides = array<i32>} : memref<128x384xf32, #tpu.memory_space<vmem>>, vector<1x16xf32>,
      %mul3A_399 = arith.constant 2.000000e-02 : f32
      %mul3A_400 = vector.broadcast %mul3A_399 : f32 to vector<16xf32>
      %mul3A_401 = arith.mulf %scan3A_301#12, %mul3A_400 : vector<16xf32>
      %swap3A_402 = arith.index_cast %add3A_251 : i32 to index
      %swap3A_403 = arith.constant 192 : index
      %swap3A_404 = tpu.vector_load %arg8[%swap3A_402, %swap3A_403] {strides = array<i32>} : memref<128x384xf32, #tpu.memory_space<vmem>>, vector<1x16xf32>,
      %swap3A_405 = vector.shape_cast %swap3A_404 : vector<1x16xf32> to vector<16xf32>
      %swap3A_406 = vector.shape_cast %mul3A_401 : vector<16xf32> to vector<1x16xf32>
      tpu.vector_store %arg8[%swap3A_402, %swap3A_403], %swap3A_406 {strides = array<i32>} : memref<128x384xf32, #tpu.memory_space<vmem>>, vector<1x16xf32>,
      %mul3A_407 = arith.constant 2.000000e-02 : f32
      %mul3A_408 = vector.broadcast %mul3A_407 : f32 to vector<16xf32>
      %mul3A_409 = arith.mulf %scan3A_301#13, %mul3A_408 : vector<16xf32>
      %swap3A_410 = arith.index_cast %add3A_251 : i32 to index
      %swap3A_411 = arith.constant 208 : index
      %swap3A_412 = tpu.vector_load %arg8[%swap3A_410, %swap3A_411] {strides = array<i32>} : memref<128x384xf32, #tpu.memory_space<vmem>>, vector<1x16xf32>,
      %swap3A_413 = vector.shape_cast %swap3A_412 : vector<1x16xf32> to vector<16xf32>
      %swap3A_414 = vector.shape_cast %mul3A_409 : vector<16xf32> to vector<1x16xf32>
      tpu.vector_store %arg8[%swap3A_410, %swap3A_411], %swap3A_414 {strides = array<i32>} : memref<128x384xf32, #tpu.memory_space<vmem>>, vector<1x16xf32>,
      %mul3A_415 = arith.constant 2.000000e-02 : f32
      %mul3A_416 = vector.broadcast %mul3A_415 : f32 to vector<16xf32>
      %mul3A_417 = arith.mulf %scan3A_301#14, %mul3A_416 : vector<16xf32>
      %swap3A_418 = arith.index_cast %add3A_251 : i32 to index
      %swap3A_419 = arith.constant 224 : index
      %swap3A_420 = tpu.vector_load %arg8[%swap3A_418, %swap3A_419] {strides = array<i32>} : memref<128x384xf32, #tpu.memory_space<vmem>>, vector<1x16xf32>,
      %swap3A_421 = vector.shape_cast %swap3A_420 : vector<1x16xf32> to vector<16xf32>
      %swap3A_422 = vector.shape_cast %mul3A_417 : vector<16xf32> to vector<1x16xf32>
      tpu.vector_store %arg8[%swap3A_418, %swap3A_419], %swap3A_422 {strides = array<i32>} : memref<128x384xf32, #tpu.memory_space<vmem>>, vector<1x16xf32>,
      %mul3A_423 = arith.constant 2.000000e-02 : f32
      %mul3A_424 = vector.broadcast %mul3A_423 : f32 to vector<16xf32>
      %mul3A_425 = arith.mulf %scan3A_301#15, %mul3A_424 : vector<16xf32>
      %swap3A_426 = arith.index_cast %add3A_251 : i32 to index
      %swap3A_427 = arith.constant 240 : index
      %swap3A_428 = tpu.vector_load %arg8[%swap3A_426, %swap3A_427] {strides = array<i32>} : memref<128x384xf32, #tpu.memory_space<vmem>>, vector<1x16xf32>,
      %swap3A_429 = vector.shape_cast %swap3A_428 : vector<1x16xf32> to vector<16xf32>
      %swap3A_430 = vector.shape_cast %mul3A_425 : vector<16xf32> to vector<1x16xf32>
      tpu.vector_store %arg8[%swap3A_426, %swap3A_427], %swap3A_430 {strides = array<i32>} : memref<128x384xf32, #tpu.memory_space<vmem>>, vector<1x16xf32>,
      %mul3A_431 = arith.constant 2.000000e-02 : f32
      %mul3A_432 = vector.broadcast %mul3A_431 : f32 to vector<16xf32>
      %mul3A_433 = arith.mulf %scan3A_301#16, %mul3A_432 : vector<16xf32>
      %swap3A_434 = arith.index_cast %add3A_251 : i32 to index
      %swap3A_435 = arith.constant 256 : index
      %swap3A_436 = tpu.vector_load %arg8[%swap3A_434, %swap3A_435] {strides = array<i32>} : memref<128x384xf32, #tpu.memory_space<vmem>>, vector<1x16xf32>,
      %swap3A_437 = vector.shape_cast %swap3A_436 : vector<1x16xf32> to vector<16xf32>
      %swap3A_438 = vector.shape_cast %mul3A_433 : vector<16xf32> to vector<1x16xf32>
      tpu.vector_store %arg8[%swap3A_434, %swap3A_435], %swap3A_438 {strides = array<i32>} : memref<128x384xf32, #tpu.memory_space<vmem>>, vector<1x16xf32>,
      %mul3A_439 = arith.constant 2.000000e-02 : f32
      %mul3A_440 = vector.broadcast %mul3A_439 : f32 to vector<16xf32>
      %mul3A_441 = arith.mulf %scan3A_301#17, %mul3A_440 : vector<16xf32>
      %swap3A_442 = arith.index_cast %add3A_251 : i32 to index
      %swap3A_443 = arith.constant 272 : index
      %swap3A_444 = tpu.vector_load %arg8[%swap3A_442, %swap3A_443] {strides = array<i32>} : memref<128x384xf32, #tpu.memory_space<vmem>>, vector<1x16xf32>,
      %swap3A_445 = vector.shape_cast %swap3A_444 : vector<1x16xf32> to vector<16xf32>
      %swap3A_446 = vector.shape_cast %mul3A_441 : vector<16xf32> to vector<1x16xf32>
      tpu.vector_store %arg8[%swap3A_442, %swap3A_443], %swap3A_446 {strides = array<i32>} : memref<128x384xf32, #tpu.memory_space<vmem>>, vector<1x16xf32>,
      %mul3A_447 = arith.constant 2.000000e-02 : f32
      %mul3A_448 = vector.broadcast %mul3A_447 : f32 to vector<16xf32>
      %mul3A_449 = arith.mulf %scan3A_301#18, %mul3A_448 : vector<16xf32>
      %swap3A_450 = arith.index_cast %add3A_251 : i32 to index
      %swap3A_451 = arith.constant 288 : index
      %swap3A_452 = tpu.vector_load %arg8[%swap3A_450, %swap3A_451] {strides = array<i32>} : memref<128x384xf32, #tpu.memory_space<vmem>>, vector<1x16xf32>,
      %swap3A_453 = vector.shape_cast %swap3A_452 : vector<1x16xf32> to vector<16xf32>
      %swap3A_454 = vector.shape_cast %mul3A_449 : vector<16xf32> to vector<1x16xf32>
      tpu.vector_store %arg8[%swap3A_450, %swap3A_451], %swap3A_454 {strides = array<i32>} : memref<128x384xf32, #tpu.memory_space<vmem>>, vector<1x16xf32>,
    }
    %scan3A_45 = arith.constant 64 : i32
    "tpu.region"() ({
      %run_scoped3A = tpu.sem_alloc : memref<!tpu.dma_semaphore, #tpu.memory_space<semaphore_mem>>
      %dma_start3A_46 = arith.constant 0 : i32
      %dma_start3A_47 = tpu.memref_slice %arg5[%mul3A_2, %dma_start3A_46] : memref<4096x384xf32, #tpu.memory_space<hbm>> -> memref<128x384xf32, #tpu.memory_space<hbm>>
      %dma_start3A_48 = arith.constant 0 : i32
      %dma_start3A_49 = tpu.memref_slice %arg5[%mul3A_2, %dma_start3A_48] : memref<4096x384xf32, #tpu.memory_space<hbm>> -> memref<128x384xf32, #tpu.memory_space<hbm>>
      tpu.enqueue_dma source(%arg8 : memref<128x384xf32, #tpu.memory_space<vmem>>) target(%dma_start3A_49 : memref<128x384xf32, #tpu.memory_space<hbm>>) target_semaphore(%run_scoped3A : memref<!tpu.dma_semaphore, #tpu.memory_space<semaphore_mem>>)
      %dma_wait3A = arith.constant 0 : i32
      %dma_wait3A_50 = tpu.memref_slice %arg5[%mul3A_2, %dma_wait3A] : memref<4096x384xf32, #tpu.memory_space<hbm>> -> memref<128x384xf32, #tpu.memory_space<hbm>>
      %dma_wait3A_51 = arith.constant 0 : i32
      %dma_wait3A_52 = tpu.memref_slice %arg5[%mul3A_2, %dma_wait3A_51] : memref<4096x384xf32, #tpu.memory_space<hbm>> -> memref<128x384xf32, #tpu.memory_space<hbm>>
      tpu.wait_dma2 semaphore(%run_scoped3A : memref<!tpu.dma_semaphore, #tpu.memory_space<semaphore_mem>>) src(%arg8 : memref<128x384xf32, #tpu.memory_space<vmem>>) dst(%dma_wait3A_52 : memref<128x384xf32, #tpu.memory_space<hbm>>)
      tpu.yield
    }) : () -> ()
    return
  }
}

</mosaic_0001>

<sc_bundles>
// kernel: kernel.3.cloned.1.call-start
scs
__scs_entry_jumppad:
0x0: {  	(pc) =	sbr.rel $0x88, $3  }
0x1: {  	(tag) =	ssettag $0x0;
	lr =	simm.s32 $0x1  }
0x2: {  	[smem:$0x3F9F] =	sst lr;
	_ =	strace $0xD0000000  }
0x3: {  	_ = 	snop  }
0x4: {  	_ = 	snop  }
0x5: {  	_ = 	snop  }
0x6: {  	_ = 	snop  }
0x7: {  	_ = 	snop  }
__scs_overlays_trampoline_lowered:
0x8: {  	[smem:$0x3FAE] =	sst s0  }
0x9: {  	[smem:$0x3FAF] =	sst s1  }
0xa: {  	[smem:$0x3FB0] =	sst s2  }
0xb: {  	[smem:$0x3FB1] =	sst s3  }
0xc: {  	[smem:$0x3FB2] =	sst s4  }
0xd: {  	[smem:$0x3FB3] =	sst s5  }
0xe: {  	[smem:$0x3FB4] =	sst s6  }
0xf: {  	[smem:$0x3FB5] =	sst s7  }
0x10: {  	[smem:$0x3FB6] =	sst s8  }
0x11: {  	[smem:$0x3FB7] =	sst s9;
	s0 =	simm.s32 @!p0 $0x0  }
0x12: {  	s1 =	sld [smem:$0x3F9D];
	s0 =	simm.s32 @p0 $0x1  }
0x13: {  	[smem:$0x3FB8] =	sst s0;
	s0 =	simm.s32 @!p1 $0x0  }
0x14: {  	s2 =	sld [smem:$0x3F9C];
	s0 =	simm.s32 @p1 $0x1  }
0x15: {  	[smem:$0x3FB9] =	sst s0;
	s0 =	simm.s32 @!p2 $0x0  }
0x16: {  	s3 =	sld [smem:$0x3FDB];
	s0 =	simm.s32 @p2 $0x1  }
0x17: {  	s4 =	simm.s32 $0x1BF5;
	[smem:$0x3FBB] =	sst s0  }
0x18: {  	s0 =	sld [smem:$0x3F9E];
	_ =	swait.ge [sflag:s4], $0x0  }
0x19: {  	s7 =	sld [smem:$0x3F9F]  }
0x1a: {  	s8 =	sadd.s32 $0xFFFFE003, lr  }
0x1b: {  	s9 =	sadd.s32 $0xFFFFFEF7, lr;
	s5 =	simm.s32 $0xFFFFFFFF;
	p2 =	slt.u32 s8, $0xFFFFF086  }
0x1c: {  	p1 =	slt.u32 s9, $0xF7A;
	s5 =	simm.s32 @!p2 $0x0  }
0x1d: {  	s5 =	simm.s32 @p1 $0x1;
	p0 =	seq.s32 s7, s2  }
0x1e: {  	s7 =	smul.u32 @!p0 $0xF7A, s2;
	p2 =	seq.s32 @!p0 s5, $0x0  }
0x1f: {  	s9 =	smul.u32 $0xF7A, s1;
	s8 =	simm.s32 @!p0 $0x1BF5;
	p2 =	por !p2, p0  }
0x20: {  	[sflag:s8] =	ssyncset.s32 @!p0 $0xFFFFF086;
	s6 =	sadd.s32 @!p0 s3, s7;
	s7 =	simm.s32 @!p0 $0x108  }
0x21: {  	s3 =	sadd.s32 s3, s9;
	s6 =	sadd.s32 @!p0 $0x88, s6;
	s7 =	simm.s32 @p2 $0x1082  }
0x22: {  	[simem:s7], [sflag:s8] =	dma.local @!p0 [hbm:s6], $0xF7A  }
0x23: {  	s9 =	sor.u32 $0xD0000000, s2;
	s6 =	simm.s32 $0x108;
	_ =	swait.ge @!p0 [sflag:s8], $0x0  }
0x24: {  	s3 =	sadd.s32 $0x88, s3;
	s6 =	simm.s32 @!p1 $0x1082;
	[sflag:s4] =	ssyncset.s32 $0xFFFFF086  }
0x25: {  	[simem:s6], [sflag:s4] =	dma.local [hbm:s3], $0xF7A  }
0x26: {  	[smem:$0x3F9F] =	sst s1;
	(tag) =	ssettag s2;
	_ =	strace s9  }
0x27: {  	s1 =	sld [smem:$0x3FAF]  }
0x28: {  	s2 =	sld [smem:$0x3FB0]  }
0x29: {  	s4 =	sld [smem:$0x3FB2]  }
0x2a: {  	p0 =	seq.s32 s5, $0x0;
	s5 =	sld [smem:$0x3FB3]  }
0x2b: {  	s6 =	sld [smem:$0x3FB4]  }
0x2c: {  	s7 =	sld [smem:$0x3FB5]  }
0x2d: {  	s3 =	simm.s32 $0x108;
	s8 =	sld [smem:$0x3FB6]  }
0x2e: {  	s3 =	simm.s32 @!p0 $0x1082;
	s9 =	sld [smem:$0x3FB7]  }
0x2f: {  	lr =	sadd.s32 s0, s3;
	s0 =	sld [smem:$0x3FAE]  }
0x30: {  	s3 =	sld [smem:$0x3FB1]  }
0x31: {  	[smem:$0x3FBA] =	sst s10  }
0x32: {  	s10 =	sld [smem:$0x3FB8];
	_ =	sdelay $0x3  }
0x33: {  	p0 =	seq.s32 s10, $0x1;
	s10 =	sld [smem:$0x3FBA];
	_ =	sdelay $0x3  }
0x34: {  	[smem:$0x3FBA] =	sst s10  }
0x35: {  	s10 =	sld [smem:$0x3FB9];
	_ =	sdelay $0x3  }
0x36: {  	p1 =	seq.s32 s10, $0x1;
	s10 =	sld [smem:$0x3FBA];
	_ =	sdelay $0x3  }
0x37: {  	[smem:$0x3FBA] =	sst s10  }
0x38: {  	s10 =	sld [smem:$0x3FBB]  }
0x39: {  	_ = 	snop;
	(pc) =	sbr.ind lr, $3  }
0x3a: {  	_ = 	snop  }
0x3b: {  	_ = 	snop  }
0x3c: {  	p2 =	seq.s32 s10, $0x1;
	s10 =	sld [smem:$0x3FBA]  }
0x3d: {  	_ =	shalt  }
0x3e: {  	_ =	shalt  }
0x3f: {  	_ =	shalt  }
0x40: {  	_ =	shalt  }
0x41: {  	_ =	shalt  }
0x42: {  	_ =	shalt  }
0x43: {  	_ =	shalt  }
0x44: {  	_ =	shalt  }
0x45: {  	_ =	shalt  }
0x46: {  	_ =	shalt  }
0x47: {  	_ =	shalt  }
0x48: {  	_ =	shalt  }
0x49: {  	_ =	shalt  }
0x4a: {  	_ =	shalt  }
0x4b: {  	_ =	shalt  }
0x4c: {  	_ =	shalt  }
0x4d: {  	_ =	shalt  }
0x4e: {  	_ =	shalt  }
0x4f: {  	_ =	shalt  }
0x50: {  	_ =	shalt  }
0x51: {  	_ =	shalt  }
0x52: {  	_ =	shalt  }
0x53: {  	_ =	shalt  }
0x54: {  	_ =	shalt  }
0x55: {  	_ =	shalt  }
0x56: {  	_ =	shalt  }
0x57: {  	_ =	shalt  }
0x58: {  	_ =	shalt  }
0x59: {  	_ =	shalt  }
0x5a: {  	_ =	shalt  }
0x5b: {  	_ =	shalt  }
0x5c: {  	_ =	shalt  }
0x5d: {  	_ =	shalt  }
0x5e: {  	_ =	shalt  }
0x5f: {  	_ =	shalt  }
0x60: {  	_ =	shalt  }
0x61: {  	_ =	shalt  }
0x62: {  	_ =	shalt  }
0x63: {  	_ =	shalt  }
0x64: {  	_ =	shalt  }
0x65: {  	_ =	shalt  }
0x66: {  	_ =	shalt  }
0x67: {  	_ =	shalt  }
0x68: {  	_ =	shalt  }
0x69: {  	_ =	shalt  }
0x6a: {  	_ =	shalt  }
0x6b: {  	_ =	shalt  }
0x6c: {  	_ =	shalt  }
0x6d: {  	_ =	shalt  }
0x6e: {  	_ =	shalt  }
0x6f: {  	_ =	shalt  }
0x70: {  	_ =	shalt  }
0x71: {  	_ =	shalt  }
0x72: {  	_ =	shalt  }
0x73: {  	_ =	shalt  }
0x74: {  	_ =	shalt  }
0x75: {  	_ =	shalt  }
0x76: {  	_ =	shalt  }
0x77: {  	_ =	shalt  }
0x78: {  	_ =	shalt  }
0x79: {  	_ =	shalt  }
0x7a: {  	_ =	shalt  }
0x7b: {  	_ =	shalt  }
0x7c: {  	_ =	shalt  }
0x7d: {  	_ =	shalt  }
0x7e: {  	_ =	shalt  }
0x7f: {  	_ =	shalt  }
0x80: {  	_ =	shalt  }
0x81: {  	_ =	shalt  }
0x82: {  	_ =	shalt  }
0x83: {  	_ =	shalt  }
0x84: {  	_ =	shalt  }
0x85: {  	_ =	shalt  }
0x86: {  	_ =	shalt  }
0x87: {  	_ =	shalt  }
.Lfunc_end0:
.L_simem_size_0:
called_computation_lowered:
.L_overlay_start_0:
0x88: {  	s2 =	sld [smem:$0x3FD9]  }
0x89: {  	s3 =	sld [smem:$0x3FFE];
	_ =	sdelay $0x1  }
0x8a: {  	s1 =	srdreg.scid  }
0x8b: {  	s0 =	sand.u32 $0x1, s1  }
0x8c: {  	s17 =	sshll.u32 s0, $0xA;
	s2 =	sadd.s32 s3, s2  }
0x8d: {  	s2 =	sadd.s32 s2, s17  }
0x8e: {  	[smem:$0x3FC6] =	sst s2  }
0x8f: {  	_ = 	snop  }
0x90: {  	s2 =	sld [smem:$0x3FD0];
	(tm) =	ssettm $0x1  }
0x91: {  	s18 =	sld [smem:$0x3FFB];
	_ =	sdelay $0x3  }
0x92: {  	_ =	strace s18  }
0x93: {  	s3 =	sld [smem:$0x3FFC];
	_ =	sdelay $0x3  }
0x94: {  	_ =	strace s3  }
0x95: {  	s3 =	sld [smem:$0x3FFD];
	_ =	sdelay $0x3  }
0x96: {  	_ =	strace s3  }
0x97: {  	_ =	strace $0x8FFFFFFF  }
0x98: {  	s19 =	sld [smem:$0x3FDB];
	_ =	sdelay $0x1  }
0x99: {  	s4 =	simm.s32 $_scs_section_size  }
0x9a: {  	s5 =	simm.s32 $_size__tile_overlayer_lowered;
	s6 =	simm.s32 $_tile_overlayer_lowered  }
0x9b: {  	s22 =	simm.s32 $0x1BFF;
	s21 =	sshll.u32 s6, $0x1;
	s3 =	sadd.s32 s4, s19  }
0x9c: {  	s7 =	simm.s32 $0x0;
	s20 =	sshll.u32 s5, $0x1;
	s5 =	sadd.s32 s21, s3  }
0x9d: {  	[timem:s7], [sflag:s22] =	dma.local [hbm:s5], s20  }
0x9e: {  	_ =	swait.ge [sflag:s22], s20  }
0x9f: {  	s4 =	ssub.s32 $0x0, s20;
	[sflag:s22] =	ssyncset.done $0x0  }
0xa0: {  	[sflag:s22] =	ssyncadd.s32 s4;
	_ =	sdelay $0x1  }
0xa1: {  	s23 =	simm.s32 $0x1B8B  }
0xa2: {  	_ =	swait.ge [sflag:s23], $0x1  }
0xa3: {  	[sflag:s23] =	ssyncset.done $0x0  }
0xa4: {  	s25 =	simm.s32 $0x1B8E;
	s24 =	sld [smem:$0x3FFE];
	[sflag:s23] =	ssyncadd.s32 $0xFFFFFFFF  }
0xa5: {  	s26 =	simm.s32 $execute0_lowered;
	[smem:$0x3FD2] =	sst s25  }
0xa6: {  	s5 =	sshll.u32 s26, $0x1;
	_ =	strace $0x80000046;
	[dreg:$0x1] =	wrdreg $0xFFFFFFFF  }
0xa7: {  	s28 =	simm.s32 $_size_execute0_lowered;
	s3 =	sadd.s32 s3, s5;
	[dreg:$0x0] =	wrdreg $0x0  }
0xa8: {  	s5 =	sshll.u32 s28, $0x1;
	[dreg:$0x2] =	wrdreg s3  }
0xa9: {  	[dreg:$0x3] =	wrdreg s5  }
0xaa: {  	[dreg:$0x4] =	wrdreg $0xC0  }
0xab: {  	_ =	task [dreg:s7], $0x5FFFF  }
0xac: {  	[dreg:$0x1] =	wrdreg $0xFFFFFFFF  }
0xad: {  	[dreg:$0x0] =	wrdreg $0x60  }
0xae: {  	[dreg:$0x2] =	wrdreg s2  }
0xaf: {  	[dreg:$0x3] =	wrdreg s24  }
0xb0: {  	[dreg:$0x4] =	wrdreg $0x9  }
0xb1: {  	_ =	task.clear_ibuf [dreg:s7], $0x5FFFF;
	_ =	strace $0x90000046  }
0xb2: {  	s29 =	simm.s32 $0x9;
	_ =	strace $0x80000048  }
0xb3: {  	_ =	swait.ge [sflag:s29], $0x1  }
0xb4: {  	[sflag:s29] =	ssyncadd.s32 $0xFFFFFFFF  }
0xb5: {  	_ =	strace $0x90000048  }
0xb6: {  	_ =	sfence  }
0xb7: {  	s30 =	sld [smem:$0x0];
	_ =	sdelay $0x2  }
0xb8: {  	s31 =	sshll.u32 s1, $0xD;
	s1 =	sshrl.u32 s1, $0x2  }
0xb9: {  	s3 =	sand.u32 $0x4000, s31;
	s1 =	sadd.s32 s1, s30  }
0xba: {  	s0 =	sor.u32 s3, s0;
	s1 =	sshll.u32 s1, $0x11  }
0xbb: {  	s0 =	sor.u32 s1, s0  }
0xbc: {  	s0 =	sadd.s32 $0x8F2B, s0  }
0xbd: {  	[sflag:s0] =	ssyncadd.remote.s32 $0x1  }
0xbe: {  	_ =	sfence.sel $0xFFFF  }
0xbf: {  	[dreg:$0x0] =	wrdreg $0xFFFFFFFF;
	(pc) =	sbr.abs _section_cstart, $3  }
0xc0: {  	[dreg:$0x1] =	wrdreg $0xFFFFFFFF  }
0xc1: {  	_ =	task.clear_ibuf [dreg:s7], $0x2FFFF;
	_ =	strace $0x9FFFFFFF  }
0xc2: {  	(tm) =	ssettm $0x7FFFFFFF  }
0xc3: {  	_ =	shalt  }
tec
execute0_lowered:
.L_overlay_start_1:
0x0: {  	(tag) =	ssettag $0x1  }
0x1: {  	s0 =	srdreg.scid  }
0x2: {  	s1 =	rddreg [dreg:$0x0];
	s2 =	stileid.u32  }
0x3: {  	s5 =	rddreg [dreg:$0x1];
	s30 =	simm.s32 $0x32;
	s11 =	simm.s32 $0xC180  }
0x4: {  	s12 =	simm.s32 $0xC200;
	s13 =	simm.s32 $0xC280;
	s14 =	simm.s32 $0xC300  }
0x5: {  	s15 =	simm.s32 $0xC380;
	s16 =	simm.s32 $0xC400;
	s17 =	simm.s32 $0xC480  }
0x6: {  	s18 =	simm.s32 $0xC500;
	s19 =	simm.s32 $0xC580;
	s20 =	simm.s32 $0xC600  }
0x7: {  	s21 =	simm.s32 $0xC680;
	s22 =	simm.s32 $0xC700;
	s23 =	simm.s32 $0xC780  }
0x8: {  	s24 =	simm.s32 $0xC800;
	s25 =	simm.s32 $0xC880;
	s26 =	simm.s32 $0xCC00  }
0x9: {  	s28 =	simm.s32 $0x1;
	s29 =	simm.s32 $0x2;
	s0 =	sand.u32 $0x1, s0  }
0xa: {  	s3 =	sshll.u32 s2, $0x8;
	s2 =	simm.s32 $0x0;
	s4 =	sshll.u32 s0, $0x7  }
0xb: {  	v0 =	vimm.s32 $0x3;
	[smem:$0x7FF] =	sst s2;
	s0 =	ssub.s32 $0x2, s0;
	s6 =	sor.u32 s4, s3  }
0xc: {  	v1 =	vimm.s32 $0x7;
	v2 =	vimm.s32 $0x0;
	v3 =	vlaneseq.u32;
	_ =	strace $0x80000047;
	s4 =	sadd.s32 $0x61AE00, s5;
	s3 =	sshrl.u32 s6, $0x3  }
0xd: {  	vm0 =	vmmov $0x1;
	v4 =	vimm.s32 $0x1;
	v5 =	vimm.s32 $0x2;
	s8 =	sshrl.u32 s0, $0x1;
	s6 =	sshll.u32 s6, $0x4;
	s7 =	smul.u32 $0x180, s3  }
0xe: {  	v6 =	vimm.s32 $0x4;
	v7 =	vimm.s32 $0x5;
	v8 =	vimm.s32 $0x6;
	s0 =	ssub.s32 s0, s8;
	s3 =	sadd.s32 $0x600, s5;
	s1 =	sadd.s32 s1, s6  }
0xf: {  	v9 =	vimm.s32 $0x8;
	v10 =	vimm.s32 $0x9;
	v11 =	vimm.s32 $0xA;
	s0 =	smax.u32 s0, $0x1;
	[dreg:$0x3] =	wrdreg s1;
	s7 =	sadd.s32 s7, s5  }
0x10: {  	v12 =	vimm.s32 $0xB;
	v13 =	vimm.s32 $0xC;
	v14 =	vimm.s32 $0xD;
	s6 =	sadd.s32 $0x680, s5;
	[dreg:$0x5] =	wrdreg s0;
	s31 =	sadd.s32 $0x494400, s7  }
0x11: {  	v15 =	vimm.s32 $0xE;
	v16 =	vimm.s32 $0xF;
	v3 =	vmul.u32 $0x8, v3;
	s1 =	simm.s32 $0x3;
	s5 =	simm.s32 $0x0;
	[dreg:$0x4] =	wrdreg s31  }
.LBB2_1:
0x12: {  	[dreg:$0x6] =	wrdreg s5  }
0x13: {  	s0 =	rddreg [dreg:$0x3]  }
0x14: {  	[tilespmem:s2], [sflag:$0x3] =	stream.linear.gather [hbm4b:s0+s2], $0x4000, $0x38;
	[tilespmem:$0x1A800] =	vst v63  }
0x15: {  	_ =	swait.ge [sflag:s1], $0x4000  }
0x16: {  	[sflag:s1] =	ssyncset.done $0x0  }
0x17: {  	[sflag:s1] =	ssyncadd.s32 $0xFFFFC000  }
0x18: {  	v17 =	vld [tilespmem:$0x0];
	_ =	sdelay $0x4  }
0x19: {  	v18 =	vshrl.u32 v17, $0x3  }
0x1a: {  	v18 =	vmul.u32 $0x18, v18  }
0x1b: {  	v17 =	vand.u32 $0x7, v17  }
0x1c: {  	v17 =	vor.u32 v17, v18  }
0x1d: {  	v18 =	vperm.xlane v17, v2;
	_ =	sdelay $0x1  }
0x1e: {  	v19 =	vperm.xlane v17, v4;
	v18 =	vadd.s32 v3, v18;
	_ =	sdelay $0x1  }
0x1f: {  	v20 =	vperm.xlane v17, v5;
	v19 =	vadd.s32 v3, v19;
	_ =	sdelay $0x1  }
0x20: {  	s5 =	simm.s32 $0x4000;
	v21 =	vperm.xlane v17, v0;
	v20 =	vadd.s32 v3, v20  }
0x21: {  	[tilespmem:s5], [sflag:$0x1] =	stream.indirect_vreg.gather [hbm4b:s3+s2], $0x80, v18, vm0, $0xb8;
	[tilespmem:$0x1A800] =	vst v63  }
0x22: {  	s7 =	simm.s32 $0x4080;
	v44 =	vperm.xlane v17, v6;
	v18 =	vadd.s32 v3, v21  }
0x23: {  	[tilespmem:s7], [sflag:$0x1] =	stream.indirect_vreg.gather [hbm4b:s3+s2], $0x80, v19, vm0, $0xb8;
	[tilespmem:$0x1A800] =	vst v63  }
0x24: {  	s8 =	simm.s32 $0x4100;
	v45 =	vperm.xlane v17, v7;
	v19 =	vadd.s32 v3, v44  }
0x25: {  	[tilespmem:s8], [sflag:$0x1] =	stream.indirect_vreg.gather [hbm4b:s3+s2], $0x80, v20, vm0, $0xb8;
	[tilespmem:$0x1A800] =	vst v63  }
0x26: {  	s9 =	simm.s32 $0x4180;
	v47 =	vperm.xlane v17, v8;
	v46 =	vadd.s32 v3, v45  }
0x27: {  	[tilespmem:s9], [sflag:$0x1] =	stream.indirect_vreg.gather [hbm4b:s3+s2], $0x80, v18, vm0, $0xb8;
	[tilespmem:$0x1A800] =	vst v63  }
0x28: {  	s10 =	simm.s32 $0x4200;
	v48 =	vperm.xlane v17, v1;
	v18 =	vadd.s32 v3, v47  }
0x29: {  	[tilespmem:s10], [sflag:$0x1] =	stream.indirect_vreg.gather [hbm4b:s3+s2], $0x80, v19, vm0, $0xb8;
	[tilespmem:$0x1A800] =	vst v63  }
0x2a: {  	s1 =	simm.s32 $0x4280;
	v49 =	vperm.xlane v17, v9;
	v19 =	vadd.s32 v3, v48  }
0x2b: {  	[tilespmem:s1], [sflag:$0x1] =	stream.indirect_vreg.gather [hbm4b:s3+s2], $0x80, v46, vm0, $0xb8;
	[tilespmem:$0x1A800] =	vst v63  }
0x2c: {  	v51 =	vperm.xlane v17, v10;
	v50 =	vadd.s32 v3, v49;
	s5 =	simm.s32 $0x4300  }
0x2d: {  	[tilespmem:s5], [sflag:$0x1] =	stream.indirect_vreg.gather [hbm4b:s3+s2], $0x80, v18, vm0, $0xb8;
	[tilespmem:$0x1A800] =	vst v63  }
0x2e: {  	v52 =	vperm.xlane v17, v11;
	s7 =	simm.s32 $0x4380;
	v18 =	vadd.s32 v3, v51  }
0x2f: {  	[tilespmem:s7], [sflag:$0x1] =	stream.indirect_vreg.gather [hbm4b:s3+s2], $0x80, v19, vm0, $0xb8;
	[tilespmem:$0x1A800] =	vst v63  }
0x30: {  	v53 =	vperm.xlane v17, v12;
	s8 =	simm.s32 $0x4400;
	v19 =	vadd.s32 v3, v52  }
0x31: {  	[tilespmem:s8], [sflag:$0x1] =	stream.indirect_vreg.gather [hbm4b:s3+s2], $0x80, v50, vm0, $0xb8;
	[tilespmem:$0x1A800] =	vst v63  }
0x32: {  	v55 =	vperm.xlane v17, v13;
	v54 =	vadd.s32 v3, v53;
	s9 =	simm.s32 $0x4480  }
0x33: {  	[tilespmem:s9], [sflag:$0x1] =	stream.indirect_vreg.gather [hbm4b:s3+s2], $0x80, v18, vm0, $0xb8;
	[tilespmem:$0x1A800] =	vst v63  }
0x34: {  	v56 =	vperm.xlane v17, v14;
	s10 =	simm.s32 $0x4500;
	v18 =	vadd.s32 v3, v55  }
0x35: {  	[tilespmem:s10], [sflag:$0x1] =	stream.indirect_vreg.gather [hbm4b:s3+s2], $0x80, v19, vm0, $0xb8;
	[tilespmem:$0x1A800] =	vst v63  }
0x36: {  	v57 =	vperm.xlane v17, v15;
	s1 =	simm.s32 $0x4580;
	v19 =	vadd.s32 v3, v56  }
0x37: {  	[tilespmem:s1], [sflag:$0x1] =	stream.indirect_vreg.gather [hbm4b:s3+s2], $0x80, v54, vm0, $0xb8;
	[tilespmem:$0x1A800] =	vst v63  }
0x38: {  	v17 =	vperm.xlane v17, v16;
	v58 =	vadd.s32 v3, v57;
	s5 =	simm.s32 $0x4600  }
0x39: {  	[tilespmem:s5], [sflag:$0x1] =	stream.indirect_vreg.gather [hbm4b:s3+s2], $0x80, v18, vm0, $0xb8;
	[tilespmem:$0x1A800] =	vst v63  }
0x3a: {  	v17 =	vadd.s32 v3, v17;
	s7 =	simm.s32 $0x4680  }
0x3b: {  	[tilespmem:s7], [sflag:$0x1] =	stream.indirect_vreg.gather [hbm4b:s3+s2], $0x80, v19, vm0, $0xb8;
	[tilespmem:$0x1A800] =	vst v63  }
0x3c: {  	s8 =	simm.s32 $0x4700  }
0x3d: {  	[tilespmem:s8], [sflag:$0x1] =	stream.indirect_vreg.gather [hbm4b:s3+s2], $0x80, v58, vm0, $0xb8;
	[tilespmem:$0x1A800] =	vst v63  }
0x3e: {  	s9 =	simm.s32 $0x4780  }
0x3f: {  	[tilespmem:s9], [sflag:$0x1] =	stream.indirect_vreg.gather [hbm4b:s3+s2], $0x80, v17, vm0, $0xb8;
	[tilespmem:$0x1A800] =	vst v63  }
0x40: {  	v17 =	vld [tilespmem:$0x10];
	_ =	sdelay $0x4  }
0x41: {  	v18 =	vshrl.u32 v17, $0x3  }
0x42: {  	v18 =	vmul.u32 $0x18, v18  }
0x43: {  	v17 =	vand.u32 $0x7, v17  }
0x44: {  	v17 =	vor.u32 v17, v18  }
0x45: {  	v18 =	vperm.xlane v17, v2;
	_ =	sdelay $0x1  }
0x46: {  	v19 =	vperm.xlane v17, v4;
	v18 =	vadd.s32 v3, v18;
	_ =	sdelay $0x1  }
0x47: {  	v59 =	vperm.xlane v17, v5;
	v19 =	vadd.s32 v3, v19;
	_ =	sdelay $0x1  }
0x48: {  	s10 =	simm.s32 $0x4800;
	v60 =	vperm.xlane v17, v0;
	v20 =	vadd.s32 v3, v59  }
0x49: {  	[tilespmem:s10], [sflag:$0x1] =	stream.indirect_vreg.gather [hbm4b:s3+s2], $0x80, v18, vm0, $0xb8;
	[tilespmem:$0x1A800] =	vst v63  }
0x4a: {  	s1 =	simm.s32 $0x4880;
	v61 =	vperm.xlane v17, v6;
	v18 =	vadd.s32 v3, v60  }
0x4b: {  	[tilespmem:s1], [sflag:$0x1] =	stream.indirect_vreg.gather [hbm4b:s3+s2], $0x80, v19, vm0, $0xb8;
	[tilespmem:$0x1A800] =	vst v63  }
0x4c: {  	s5 =	simm.s32 $0x4900;
	v62 =	vperm.xlane v17, v7;
	v19 =	vadd.s32 v3, v61  }
0x4d: {  	[tilespmem:s5], [sflag:$0x1] =	stream.indirect_vreg.gather [hbm4b:s3+s2], $0x80, v20, vm0, $0xb8;
	[tilespmem:$0x1A800] =	vst v63  }
0x4e: {  	s7 =	simm.s32 $0x4980;
	v24 =	vperm.xlane v17, v8;
	v63 =	vadd.s32 v3, v62  }
0x4f: {  	[tilespmem:s7], [sflag:$0x1] =	stream.indirect_vreg.gather [hbm4b:s3+s2], $0x80, v18, vm0, $0xb8;
	[tilespmem:$0x1A800] =	vst v63  }
0x50: {  	s8 =	simm.s32 $0x4A00;
	v25 =	vperm.xlane v17, v1;
	v18 =	vadd.s32 v3, v24  }
0x51: {  	[tilespmem:s8], [sflag:$0x1] =	stream.indirect_vreg.gather [hbm4b:s3+s2], $0x80, v19, vm0, $0xb8;
	[tilespmem:$0x1A800] =	vst v63  }
0x52: {  	s9 =	simm.s32 $0x4A80;
	v26 =	vperm.xlane v17, v9;
	v19 =	vadd.s32 v3, v25  }
0x53: {  	[tilespmem:s9], [sflag:$0x1] =	stream.indirect_vreg.gather [hbm4b:s3+s2], $0x80, v63, vm0, $0xb8;
	[tilespmem:$0x1A800] =	vst v63  }
0x54: {  	v28 =	vperm.xlane v17, v10;
	v27 =	vadd.s32 v3, v26;
	s10 =	simm.s32 $0x4B00  }
0x55: {  	[tilespmem:s10], [sflag:$0x1] =	stream.indirect_vreg.gather [hbm4b:s3+s2], $0x80, v18, vm0, $0xb8;
	[tilespmem:$0x1A800] =	vst v63  }
0x56: {  	v29 =	vperm.xlane v17, v11;
	s1 =	simm.s32 $0x4B80;
	v18 =	vadd.s32 v3, v28  }
0x57: {  	[tilespmem:s1], [sflag:$0x1] =	stream.indirect_vreg.gather [hbm4b:s3+s2], $0x80, v19, vm0, $0xb8;
	[tilespmem:$0x1A800] =	vst v63  }
0x58: {  	v30 =	vperm.xlane v17, v12;
	s5 =	simm.s32 $0x4C00;
	v19 =	vadd.s32 v3, v29  }
0x59: {  	[tilespmem:s5], [sflag:$0x1] =	stream.indirect_vreg.gather [hbm4b:s3+s2], $0x80, v27, vm0, $0xb8;
	[tilespmem:$0x1A800] =	vst v63  }
0x5a: {  	v32 =	vperm.xlane v17, v13;
	v31 =	vadd.s32 v3, v30;
	s7 =	simm.s32 $0x4C80  }
0x5b: {  	[tilespmem:s7], [sflag:$0x1] =	stream.indirect_vreg.gather [hbm4b:s3+s2], $0x80, v18, vm0, $0xb8;
	[tilespmem:$0x1A800] =	vst v63  }
0x5c: {  	v33 =	vperm.xlane v17, v14;
	s8 =	simm.s32 $0x4D00;
	v18 =	vadd.s32 v3, v32  }
0x5d: {  	[tilespmem:s8], [sflag:$0x1] =	stream.indirect_vreg.gather [hbm4b:s3+s2], $0x80, v19, vm0, $0xb8;
	[tilespmem:$0x1A800] =	vst v63  }
0x5e: {  	v34 =	vperm.xlane v17, v15;
	s9 =	simm.s32 $0x4D80;
	v19 =	vadd.s32 v3, v33  }
0x5f: {  	[tilespmem:s9], [sflag:$0x1] =	stream.indirect_vreg.gather [hbm4b:s3+s2], $0x80, v31, vm0, $0xb8;
	[tilespmem:$0x1A800] =	vst v63  }
0x60: {  	v17 =	vperm.xlane v17, v16;
	v35 =	vadd.s32 v3, v34;
	s10 =	simm.s32 $0x4E00  }
0x61: {  	[tilespmem:s10], [sflag:$0x1] =	stream.indirect_vreg.gather [hbm4b:s3+s2], $0x80, v18, vm0, $0xb8;
	[tilespmem:$0x1A800] =	vst v63  }
0x62: {  	v17 =	vadd.s32 v3, v17;
	s1 =	simm.s32 $0x4E80  }
0x63: {  	[tilespmem:s1], [sflag:$0x1] =	stream.indirect_vreg.gather [hbm4b:s3+s2], $0x80, v19, vm0, $0xb8;
	[tilespmem:$0x1A800] =	vst v63  }
0x64: {  	s5 =	simm.s32 $0x4F00  }
0x65: {  	[tilespmem:s5], [sflag:$0x1] =	stream.indirect_vreg.gather [hbm4b:s3+s2], $0x80, v35, vm0, $0xb8;
	[tilespmem:$0x1A800] =	vst v63  }
0x66: {  	s7 =	simm.s32 $0x4F80  }
0x67: {  	[tilespmem:s7], [sflag:$0x1] =	stream.indirect_vreg.gather [hbm4b:s3+s2], $0x80, v17, vm0, $0xb8;
	[tilespmem:$0x1A800] =	vst v63  }
0x68: {  	v17 =	vld [tilespmem:$0x20];
	_ =	sdelay $0x4  }
0x69: {  	v18 =	vshrl.u32 v17, $0x3  }
0x6a: {  	v18 =	vmul.u32 $0x18, v18  }
0x6b: {  	v17 =	vand.u32 $0x7, v17  }
0x6c: {  	v17 =	vor.u32 v17, v18  }
0x6d: {  	v18 =	vperm.xlane v17, v2;
	_ =	sdelay $0x1  }
0x6e: {  	v19 =	vperm.xlane v17, v4;
	v18 =	vadd.s32 v3, v18;
	_ =	sdelay $0x1  }
0x6f: {  	v36 =	vperm.xlane v17, v5;
	v19 =	vadd.s32 v3, v19;
	_ =	sdelay $0x1  }
0x70: {  	s8 =	simm.s32 $0x5000;
	v37 =	vperm.xlane v17, v0;
	v20 =	vadd.s32 v3, v36  }
0x71: {  	[tilespmem:s8], [sflag:$0x1] =	stream.indirect_vreg.gather [hbm4b:s3+s2], $0x80, v18, vm0, $0xb8;
	[tilespmem:$0x1A800] =	vst v63  }
0x72: {  	s9 =	simm.s32 $0x5080;
	v38 =	vperm.xlane v17, v6;
	v18 =	vadd.s32 v3, v37  }
0x73: {  	[tilespmem:s9], [sflag:$0x1] =	stream.indirect_vreg.gather [hbm4b:s3+s2], $0x80, v19, vm0, $0xb8;
	[tilespmem:$0x1A800] =	vst v63  }
0x74: {  	s10 =	simm.s32 $0x5100;
	v39 =	vperm.xlane v17, v7;
	v19 =	vadd.s32 v3, v38  }
0x75: {  	[tilespmem:s10], [sflag:$0x1] =	stream.indirect_vreg.gather [hbm4b:s3+s2], $0x80, v20, vm0, $0xb8;
	[tilespmem:$0x1A800] =	vst v63  }
0x76: {  	s1 =	simm.s32 $0x5180;
	v41 =	vperm.xlane v17, v8;
	v40 =	vadd.s32 v3, v39  }
0x77: {  	[tilespmem:s1], [sflag:$0x1] =	stream.indirect_vreg.gather [hbm4b:s3+s2], $0x80, v18, vm0, $0xb8;
	[tilespmem:$0x1A800] =	vst v63  }
0x78: {  	s5 =	simm.s32 $0x5200;
	v42 =	vperm.xlane v17, v1;
	v18 =	vadd.s32 v3, v41  }
0x79: {  	[tilespmem:s5], [sflag:$0x1] =	stream.indirect_vreg.gather [hbm4b:s3+s2], $0x80, v19, vm0, $0xb8;
	[tilespmem:$0x1A800] =	vst v63  }
0x7a: {  	s7 =	simm.s32 $0x5280;
	v43 =	vperm.xlane v17, v9;
	v19 =	vadd.s32 v3, v42  }
0x7b: {  	[tilespmem:s7], [sflag:$0x1] =	stream.indirect_vreg.gather [hbm4b:s3+s2], $0x80, v40, vm0, $0xb8;
	[tilespmem:$0x1A800] =	vst v63  }
0x7c: {  	v45 =	vperm.xlane v17, v10;
	v44 =	vadd.s32 v3, v43;
	s8 =	simm.s32 $0x5300  }
0x7d: {  	[tilespmem:s8], [sflag:$0x1] =	stream.indirect_vreg.gather [hbm4b:s3+s2], $0x80, v18, vm0, $0xb8;
	[tilespmem:$0x1A800] =	vst v63  }
0x7e: {  	v46 =	vperm.xlane v17, v11;
	s9 =	simm.s32 $0x5380;
	v18 =	vadd.s32 v3, v45  }
0x7f: {  	[tilespmem:s9], [sflag:$0x1] =	stream.indirect_vreg.gather [hbm4b:s3+s2], $0x80, v19, vm0, $0xb8;
	[tilespmem:$0x1A800] =	vst v63  }
0x80: {  	v47 =	vperm.xlane v17, v12;
	s10 =	simm.s32 $0x5400;
	v19 =	vadd.s32 v3, v46  }
0x81: {  	[tilespmem:s10], [sflag:$0x1] =	stream.indirect_vreg.gather [hbm4b:s3+s2], $0x80, v44, vm0, $0xb8;
	[tilespmem:$0x1A800] =	vst v63  }
0x82: {  	v49 =	vperm.xlane v17, v13;
	v48 =	vadd.s32 v3, v47;
	s1 =	simm.s32 $0x5480  }
0x83: {  	[tilespmem:s1], [sflag:$0x1] =	stream.indirect_vreg.gather [hbm4b:s3+s2], $0x80, v18, vm0, $0xb8;
	[tilespmem:$0x1A800] =	vst v63  }
0x84: {  	v50 =	vperm.xlane v17, v14;
	s5 =	simm.s32 $0x5500;
	v18 =	vadd.s32 v3, v49  }
0x85: {  	[tilespmem:s5], [sflag:$0x1] =	stream.indirect_vreg.gather [hbm4b:s3+s2], $0x80, v19, vm0, $0xb8;
	[tilespmem:$0x1A800] =	vst v63  }
0x86: {  	v51 =	vperm.xlane v17, v15;
	s7 =	simm.s32 $0x5580;
	v19 =	vadd.s32 v3, v50  }
0x87: {  	[tilespmem:s7], [sflag:$0x1] =	stream.indirect_vreg.gather [hbm4b:s3+s2], $0x80, v48, vm0, $0xb8;
	[tilespmem:$0x1A800] =	vst v63  }
0x88: {  	v17 =	vperm.xlane v17, v16;
	v52 =	vadd.s32 v3, v51;
	s8 =	simm.s32 $0x5600  }
0x89: {  	[tilespmem:s8], [sflag:$0x1] =	stream.indirect_vreg.gather [hbm4b:s3+s2], $0x80, v18, vm0, $0xb8;
	[tilespmem:$0x1A800] =	vst v63  }
0x8a: {  	v17 =	vadd.s32 v3, v17;
	s9 =	simm.s32 $0x5680  }
0x8b: {  	[tilespmem:s9], [sflag:$0x1] =	stream.indirect_vreg.gather [hbm4b:s3+s2], $0x80, v19, vm0, $0xb8;
	[tilespmem:$0x1A800] =	vst v63  }
0x8c: {  	s10 =	simm.s32 $0x5700  }
0x8d: {  	[tilespmem:s10], [sflag:$0x1] =	stream.indirect_vreg.gather [hbm4b:s3+s2], $0x80, v52, vm0, $0xb8;
	[tilespmem:$0x1A800] =	vst v63  }
0x8e: {  	s1 =	simm.s32 $0x5780  }
0x8f: {  	[tilespmem:s1], [sflag:$0x1] =	stream.indirect_vreg.gather [hbm4b:s3+s2], $0x80, v17, vm0, $0xb8;
	[tilespmem:$0x1A800] =	vst v63  }
0x90: {  	v17 =	vld.msk [tilespmem:$0x30], $0x3;
	_ =	sdelay $0x4  }
0x91: {  	v18 =	vshrl.u32 v17, $0x3  }
0x92: {  	v18 =	vmul.u32 $0x18, v18  }
0x93: {  	v17 =	vand.u32 $0x7, v17  }
0x94: {  	v17 =	vor.u32 v17, v18  }
0x95: {  	v18 =	vperm.xlane v17, v2;
	_ =	sdelay $0x1  }
0x96: {  	v17 =	vperm.xlane v17, v4;
	v18 =	vadd.s32 v3, v18;
	_ =	sdelay $0x1  }
0x97: {  	v17 =	vadd.s32 v3, v17;
	_ =	sdelay $0x1  }
0x98: {  	s5 =	simm.s32 $0x5800  }
0x99: {  	[tilespmem:s5], [sflag:$0x1] =	stream.indirect_vreg.gather [hbm4b:s3+s2], $0x80, v18, vm0, $0xb8;
	[tilespmem:$0x1A800] =	vst v63  }
0x9a: {  	s7 =	simm.s32 $0x5880  }
0x9b: {  	[tilespmem:s7], [sflag:$0x1] =	stream.indirect_vreg.gather [hbm4b:s3+s2], $0x80, v17, vm0, $0xb8;
	[tilespmem:$0x1A800] =	vst v63  }
0x9c: {  	v17 =	vld [tilespmem:$0x0];
	_ =	sdelay $0x4  }
0x9d: {  	v18 =	vshrl.u32 v17, $0x3  }
0x9e: {  	v18 =	vmul.u32 $0x18, v18  }
0x9f: {  	v17 =	vand.u32 $0x7, v17  }
0xa0: {  	v17 =	vor.u32 v17, v18  }
0xa1: {  	v18 =	vperm.xlane v17, v2;
	_ =	sdelay $0x1  }
0xa2: {  	v19 =	vperm.xlane v17, v4;
	v18 =	vadd.s32 v3, v18;
	_ =	sdelay $0x1  }
0xa3: {  	v53 =	vperm.xlane v17, v5;
	v19 =	vadd.s32 v3, v19;
	_ =	sdelay $0x1  }
0xa4: {  	s8 =	simm.s32 $0x5C00;
	v54 =	vperm.xlane v17, v0;
	v20 =	vadd.s32 v3, v53  }
0xa5: {  	[tilespmem:s8], [sflag:$0x1] =	stream.indirect_vreg.gather [hbm4b:s6+s2], $0x80, v18, vm0, $0xb8;
	[tilespmem:$0x1A800] =	vst v63  }
0xa6: {  	s9 =	simm.s32 $0x5C80;
	v55 =	vperm.xlane v17, v6;
	v18 =	vadd.s32 v3, v54  }
0xa7: {  	[tilespmem:s9], [sflag:$0x1] =	stream.indirect_vreg.gather [hbm4b:s6+s2], $0x80, v19, vm0, $0xb8;
	[tilespmem:$0x1A800] =	vst v63  }
0xa8: {  	s10 =	simm.s32 $0x5D00;
	v56 =	vperm.xlane v17, v7;
	v19 =	vadd.s32 v3, v55  }
0xa9: {  	[tilespmem:s10], [sflag:$0x1] =	stream.indirect_vreg.gather [hbm4b:s6+s2], $0x80, v20, vm0, $0xb8;
	[tilespmem:$0x1A800] =	vst v63  }
0xaa: {  	s1 =	simm.s32 $0x5D80;
	v58 =	vperm.xlane v17, v8;
	v57 =	vadd.s32 v3, v56  }
0xab: {  	[tilespmem:s1], [sflag:$0x1] =	stream.indirect_vreg.gather [hbm4b:s6+s2], $0x80, v18, vm0, $0xb8;
	[tilespmem:$0x1A800] =	vst v63  }
0xac: {  	s5 =	simm.s32 $0x5E00;
	v59 =	vperm.xlane v17, v1;
	v18 =	vadd.s32 v3, v58  }
0xad: {  	[tilespmem:s5], [sflag:$0x1] =	stream.indirect_vreg.gather [hbm4b:s6+s2], $0x80, v19, vm0, $0xb8;
	[tilespmem:$0x1A800] =	vst v63  }
0xae: {  	s7 =	simm.s32 $0x5E80;
	v60 =	vperm.xlane v17, v9;
	v19 =	vadd.s32 v3, v59  }
0xaf: {  	[tilespmem:s7], [sflag:$0x1] =	stream.indirect_vreg.gather [hbm4b:s6+s2], $0x80, v57, vm0, $0xb8;
	[tilespmem:$0x1A800] =	vst v63  }
0xb0: {  	v62 =	vperm.xlane v17, v10;
	v61 =	vadd.s32 v3, v60;
	s8 =	simm.s32 $0x5F00  }
0xb1: {  	[tilespmem:s8], [sflag:$0x1] =	stream.indirect_vreg.gather [hbm4b:s6+s2], $0x80, v18, vm0, $0xb8;
	[tilespmem:$0x1A800] =	vst v63  }
0xb2: {  	v63 =	vperm.xlane v17, v11;
	s9 =	simm.s32 $0x5F80;
	v18 =	vadd.s32 v3, v62  }
0xb3: {  	[tilespmem:s9], [sflag:$0x1] =	stream.indirect_vreg.gather [hbm4b:s6+s2], $0x80, v19, vm0, $0xb8;
	[tilespmem:$0x1A800] =	vst v63  }
0xb4: {  	v24 =	vperm.xlane v17, v12;
	s10 =	simm.s32 $0x6000;
	v19 =	vadd.s32 v3, v63  }
0xb5: {  	[tilespmem:s10], [sflag:$0x1] =	stream.indirect_vreg.gather [hbm4b:s6+s2], $0x80, v61, vm0, $0xb8;
	[tilespmem:$0x1A800] =	vst v63  }
0xb6: {  	v26 =	vperm.xlane v17, v13;
	v25 =	vadd.s32 v3, v24;
	s1 =	simm.s32 $0x6080  }
0xb7: {  	[tilespmem:s1], [sflag:$0x1] =	stream.indirect_vreg.gather [hbm4b:s6+s2], $0x80, v18, vm0, $0xb8;
	[tilespmem:$0x1A800] =	vst v63  }
0xb8: {  	v27 =	vperm.xlane v17, v14;
	s5 =	simm.s32 $0x6100;
	v18 =	vadd.s32 v3, v26  }
0xb9: {  	[tilespmem:s5], [sflag:$0x1] =	stream.indirect_vreg.gather [hbm4b:s6+s2], $0x80, v19, vm0, $0xb8;
	[tilespmem:$0x1A800] =	vst v63  }
0xba: {  	v28 =	vperm.xlane v17, v15;
	s7 =	simm.s32 $0x6180;
	v19 =	vadd.s32 v3, v27  }
0xbb: {  	[tilespmem:s7], [sflag:$0x1] =	stream.indirect_vreg.gather [hbm4b:s6+s2], $0x80, v25, vm0, $0xb8;
	[tilespmem:$0x1A800] =	vst v63  }
0xbc: {  	v17 =	vperm.xlane v17, v16;
	v29 =	vadd.s32 v3, v28;
	s8 =	simm.s32 $0x6200  }
0xbd: {  	[tilespmem:s8], [sflag:$0x1] =	stream.indirect_vreg.gather [hbm4b:s6+s2], $0x80, v18, vm0, $0xb8;
	[tilespmem:$0x1A800] =	vst v63  }
0xbe: {  	v17 =	vadd.s32 v3, v17;
	s9 =	simm.s32 $0x6280  }
0xbf: {  	[tilespmem:s9], [sflag:$0x1] =	stream.indirect_vreg.gather [hbm4b:s6+s2], $0x80, v19, vm0, $0xb8;
	[tilespmem:$0x1A800] =	vst v63  }
0xc0: {  	s10 =	simm.s32 $0x6300  }
0xc1: {  	[tilespmem:s10], [sflag:$0x1] =	stream.indirect_vreg.gather [hbm4b:s6+s2], $0x80, v29, vm0, $0xb8;
	[tilespmem:$0x1A800] =	vst v63  }
0xc2: {  	s1 =	simm.s32 $0x6380  }
0xc3: {  	[tilespmem:s1], [sflag:$0x1] =	stream.indirect_vreg.gather [hbm4b:s6+s2], $0x80, v17, vm0, $0xb8;
	[tilespmem:$0x1A800] =	vst v63  }
0xc4: {  	v17 =	vld [tilespmem:$0x10];
	_ =	sdelay $0x4  }
0xc5: {  	v18 =	vshrl.u32 v17, $0x3  }
0xc6: {  	v18 =	vmul.u32 $0x18, v18  }
0xc7: {  	v17 =	vand.u32 $0x7, v17  }
0xc8: {  	v17 =	vor.u32 v17, v18  }
0xc9: {  	v18 =	vperm.xlane v17, v2;
	_ =	sdelay $0x1  }
0xca: {  	v19 =	vperm.xlane v17, v4;
	v18 =	vadd.s32 v3, v18;
	_ =	sdelay $0x1  }
0xcb: {  	v30 =	vperm.xlane v17, v5;
	v19 =	vadd.s32 v3, v19;
	_ =	sdelay $0x1  }
0xcc: {  	s5 =	simm.s32 $0x6400;
	v31 =	vperm.xlane v17, v0;
	v20 =	vadd.s32 v3, v30  }
0xcd: {  	[tilespmem:s5], [sflag:$0x1] =	stream.indirect_vreg.gather [hbm4b:s6+s2], $0x80, v18, vm0, $0xb8;
	[tilespmem:$0x1A800] =	vst v63  }
0xce: {  	s7 =	simm.s32 $0x6480;
	v32 =	vperm.xlane v17, v6;
	v18 =	vadd.s32 v3, v31  }
0xcf: {  	[tilespmem:s7], [sflag:$0x1] =	stream.indirect_vreg.gather [hbm4b:s6+s2], $0x80, v19, vm0, $0xb8;
	[tilespmem:$0x1A800] =	vst v63  }
0xd0: {  	s8 =	simm.s32 $0x6500;
	v33 =	vperm.xlane v17, v7;
	v19 =	vadd.s32 v3, v32  }
0xd1: {  	[tilespmem:s8], [sflag:$0x1] =	stream.indirect_vreg.gather [hbm4b:s6+s2], $0x80, v20, vm0, $0xb8;
	[tilespmem:$0x1A800] =	vst v63  }
0xd2: {  	s9 =	simm.s32 $0x6580;
	v35 =	vperm.xlane v17, v8;
	v34 =	vadd.s32 v3, v33  }
0xd3: {  	[tilespmem:s9], [sflag:$0x1] =	stream.indirect_vreg.gather [hbm4b:s6+s2], $0x80, v18, vm0, $0xb8;
	[tilespmem:$0x1A800] =	vst v63  }
0xd4: {  	s10 =	simm.s32 $0x6600;
	v36 =	vperm.xlane v17, v1;
	v18 =	vadd.s32 v3, v35  }
0xd5: {  	[tilespmem:s10], [sflag:$0x1] =	stream.indirect_vreg.gather [hbm4b:s6+s2], $0x80, v19, vm0, $0xb8;
	[tilespmem:$0x1A800] =	vst v63  }
0xd6: {  	s1 =	simm.s32 $0x6680;
	v37 =	vperm.xlane v17, v9;
	v19 =	vadd.s32 v3, v36  }
0xd7: {  	[tilespmem:s1], [sflag:$0x1] =	stream.indirect_vreg.gather [hbm4b:s6+s2], $0x80, v34, vm0, $0xb8;
	[tilespmem:$0x1A800] =	vst v63  }
0xd8: {  	v39 =	vperm.xlane v17, v10;
	v38 =	vadd.s32 v3, v37;
	s5 =	simm.s32 $0x6700  }
0xd9: {  	[tilespmem:s5], [sflag:$0x1] =	stream.indirect_vreg.gather [hbm4b:s6+s2], $0x80, v18, vm0, $0xb8;
	[tilespmem:$0x1A800] =	vst v63  }
0xda: {  	v40 =	vperm.xlane v17, v11;
	s7 =	simm.s32 $0x6780;
	v18 =	vadd.s32 v3, v39  }
0xdb: {  	[tilespmem:s7], [sflag:$0x1] =	stream.indirect_vreg.gather [hbm4b:s6+s2], $0x80, v19, vm0, $0xb8;
	[tilespmem:$0x1A800] =	vst v63  }
0xdc: {  	v41 =	vperm.xlane v17, v12;
	s8 =	simm.s32 $0x6800;
	v19 =	vadd.s32 v3, v40  }
0xdd: {  	[tilespmem:s8], [sflag:$0x1] =	stream.indirect_vreg.gather [hbm4b:s6+s2], $0x80, v38, vm0, $0xb8;
	[tilespmem:$0x1A800] =	vst v63  }
0xde: {  	v43 =	vperm.xlane v17, v13;
	v42 =	vadd.s32 v3, v41;
	s9 =	simm.s32 $0x6880  }
0xdf: {  	[tilespmem:s9], [sflag:$0x1] =	stream.indirect_vreg.gather [hbm4b:s6+s2], $0x80, v18, vm0, $0xb8;
	[tilespmem:$0x1A800] =	vst v63  }
0xe0: {  	v44 =	vperm.xlane v17, v14;
	s10 =	simm.s32 $0x6900;
	v18 =	vadd.s32 v3, v43  }
0xe1: {  	[tilespmem:s10], [sflag:$0x1] =	stream.indirect_vreg.gather [hbm4b:s6+s2], $0x80, v19, vm0, $0xb8;
	[tilespmem:$0x1A800] =	vst v63  }
0xe2: {  	v45 =	vperm.xlane v17, v15;
	s1 =	simm.s32 $0x6980;
	v19 =	vadd.s32 v3, v44  }
0xe3: {  	[tilespmem:s1], [sflag:$0x1] =	stream.indirect_vreg.gather [hbm4b:s6+s2], $0x80, v42, vm0, $0xb8;
	[tilespmem:$0x1A800] =	vst v63  }
0xe4: {  	v17 =	vperm.xlane v17, v16;
	v46 =	vadd.s32 v3, v45;
	s5 =	simm.s32 $0x6A00  }
0xe5: {  	[tilespmem:s5], [sflag:$0x1] =	stream.indirect_vreg.gather [hbm4b:s6+s2], $0x80, v18, vm0, $0xb8;
	[tilespmem:$0x1A800] =	vst v63  }
0xe6: {  	v17 =	vadd.s32 v3, v17;
	s7 =	simm.s32 $0x6A80  }
0xe7: {  	[tilespmem:s7], [sflag:$0x1] =	stream.indirect_vreg.gather [hbm4b:s6+s2], $0x80, v19, vm0, $0xb8;
	[tilespmem:$0x1A800] =	vst v63  }
0xe8: {  	s8 =	simm.s32 $0x6B00  }
0xe9: {  	[tilespmem:s8], [sflag:$0x1] =	stream.indirect_vreg.gather [hbm4b:s6+s2], $0x80, v46, vm0, $0xb8;
	[tilespmem:$0x1A800] =	vst v63  }
0xea: {  	s9 =	simm.s32 $0x6B80  }
0xeb: {  	[tilespmem:s9], [sflag:$0x1] =	stream.indirect_vreg.gather [hbm4b:s6+s2], $0x80, v17, vm0, $0xb8;
	[tilespmem:$0x1A800] =	vst v63  }
0xec: {  	v17 =	vld [tilespmem:$0x20];
	_ =	sdelay $0x4  }
0xed: {  	v18 =	vshrl.u32 v17, $0x3  }
0xee: {  	v18 =	vmul.u32 $0x18, v18  }
0xef: {  	v17 =	vand.u32 $0x7, v17  }
0xf0: {  	v17 =	vor.u32 v17, v18  }
0xf1: {  	v18 =	vperm.xlane v17, v2;
	_ =	sdelay $0x1  }
0xf2: {  	v19 =	vperm.xlane v17, v4;
	v18 =	vadd.s32 v3, v18;
	_ =	sdelay $0x1  }
0xf3: {  	v47 =	vperm.xlane v17, v5;
	v19 =	vadd.s32 v3, v19;
	_ =	sdelay $0x1  }
0xf4: {  	s10 =	simm.s32 $0x6C00;
	v48 =	vperm.xlane v17, v0;
	v20 =	vadd.s32 v3, v47  }
0xf5: {  	[tilespmem:s10], [sflag:$0x1] =	stream.indirect_vreg.gather [hbm4b:s6+s2], $0x80, v18, vm0, $0xb8;
	[tilespmem:$0x1A800] =	vst v63  }
0xf6: {  	s1 =	simm.s32 $0x6C80;
	v49 =	vperm.xlane v17, v6;
	v18 =	vadd.s32 v3, v48  }
0xf7: {  	[tilespmem:s1], [sflag:$0x1] =	stream.indirect_vreg.gather [hbm4b:s6+s2], $0x80, v19, vm0, $0xb8;
	[tilespmem:$0x1A800] =	vst v63  }
0xf8: {  	s5 =	simm.s32 $0x6D00;
	v50 =	vperm.xlane v17, v7;
	v19 =	vadd.s32 v3, v49  }
0xf9: {  	[tilespmem:s5], [sflag:$0x1] =	stream.indirect_vreg.gather [hbm4b:s6+s2], $0x80, v20, vm0, $0xb8;
	[tilespmem:$0x1A800] =	vst v63  }
0xfa: {  	s7 =	simm.s32 $0x6D80;
	v52 =	vperm.xlane v17, v8;
	v51 =	vadd.s32 v3, v50  }
0xfb: {  	[tilespmem:s7], [sflag:$0x1] =	stream.indirect_vreg.gather [hbm4b:s6+s2], $0x80, v18, vm0, $0xb8;
	[tilespmem:$0x1A800] =	vst v63  }
0xfc: {  	s8 =	simm.s32 $0x6E00;
	v53 =	vperm.xlane v17, v1;
	v18 =	vadd.s32 v3, v52  }
0xfd: {  	[tilespmem:s8], [sflag:$0x1] =	stream.indirect_vreg.gather [hbm4b:s6+s2], $0x80, v19, vm0, $0xb8;
	[tilespmem:$0x1A800] =	vst v63  }
0xfe: {  	s9 =	simm.s32 $0x6E80;
	v54 =	vperm.xlane v17, v9;
	v19 =	vadd.s32 v3, v53  }
0xff: {  	[tilespmem:s9], [sflag:$0x1] =	stream.indirect_vreg.gather [hbm4b:s6+s2], $0x80, v51, vm0, $0xb8;
	[tilespmem:$0x1A800] =	vst v63  }
0x100: {  	v56 =	vperm.xlane v17, v10;
	v55 =	vadd.s32 v3, v54;
	s10 =	simm.s32 $0x6F00  }
0x101: {  	[tilespmem:s10], [sflag:$0x1] =	stream.indirect_vreg.gather [hbm4b:s6+s2], $0x80, v18, vm0, $0xb8;
	[tilespmem:$0x1A800] =	vst v63  }
0x102: {  	v57 =	vperm.xlane v17, v11;
	s1 =	simm.s32 $0x6F80;
	v18 =	vadd.s32 v3, v56  }
0x103: {  	[tilespmem:s1], [sflag:$0x1] =	stream.indirect_vreg.gather [hbm4b:s6+s2], $0x80, v19, vm0, $0xb8;
	[tilespmem:$0x1A800] =	vst v63  }
0x104: {  	v58 =	vperm.xlane v17, v12;
	s5 =	simm.s32 $0x7000;
	v19 =	vadd.s32 v3, v57  }
0x105: {  	[tilespmem:s5], [sflag:$0x1] =	stream.indirect_vreg.gather [hbm4b:s6+s2], $0x80, v55, vm0, $0xb8;
	[tilespmem:$0x1A800] =	vst v63  }
0x106: {  	v60 =	vperm.xlane v17, v13;
	v59 =	vadd.s32 v3, v58;
	s7 =	simm.s32 $0x7080  }
0x107: {  	[tilespmem:s7], [sflag:$0x1] =	stream.indirect_vreg.gather [hbm4b:s6+s2], $0x80, v18, vm0, $0xb8;
	[tilespmem:$0x1A800] =	vst v63  }
0x108: {  	v61 =	vperm.xlane v17, v14;
	s8 =	simm.s32 $0x7100;
	v18 =	vadd.s32 v3, v60  }
0x109: {  	[tilespmem:s8], [sflag:$0x1] =	stream.indirect_vreg.gather [hbm4b:s6+s2], $0x80, v19, vm0, $0xb8;
	[tilespmem:$0x1A800] =	vst v63  }
0x10a: {  	v62 =	vperm.xlane v17, v15;
	s9 =	simm.s32 $0x7180;
	v19 =	vadd.s32 v3, v61  }
0x10b: {  	[tilespmem:s9], [sflag:$0x1] =	stream.indirect_vreg.gather [hbm4b:s6+s2], $0x80, v59, vm0, $0xb8;
	[tilespmem:$0x1A800] =	vst v63  }
0x10c: {  	v17 =	vperm.xlane v17, v16;
	v63 =	vadd.s32 v3, v62;
	s10 =	simm.s32 $0x7200  }
0x10d: {  	[tilespmem:s10], [sflag:$0x1] =	stream.indirect_vreg.gather [hbm4b:s6+s2], $0x80, v18, vm0, $0xb8;
	[tilespmem:$0x1A800] =	vst v63  }
0x10e: {  	v17 =	vadd.s32 v3, v17;
	s1 =	simm.s32 $0x7280  }
0x10f: {  	[tilespmem:s1], [sflag:$0x1] =	stream.indirect_vreg.gather [hbm4b:s6+s2], $0x80, v19, vm0, $0xb8;
	[tilespmem:$0x1A800] =	vst v63  }
0x110: {  	s5 =	simm.s32 $0x7300  }
0x111: {  	[tilespmem:s5], [sflag:$0x1] =	stream.indirect_vreg.gather [hbm4b:s6+s2], $0x80, v63, vm0, $0xb8;
	[tilespmem:$0x1A800] =	vst v63  }
0x112: {  	s7 =	simm.s32 $0x7380  }
0x113: {  	[tilespmem:s7], [sflag:$0x1] =	stream.indirect_vreg.gather [hbm4b:s6+s2], $0x80, v17, vm0, $0xb8;
	[tilespmem:$0x1A800] =	vst v63  }
0x114: {  	v17 =	vld.msk [tilespmem:$0x30], $0x3;
	_ =	sdelay $0x4  }
0x115: {  	v18 =	vshrl.u32 v17, $0x3  }
0x116: {  	v18 =	vmul.u32 $0x18, v18  }
0x117: {  	v17 =	vand.u32 $0x7, v17  }
0x118: {  	v17 =	vor.u32 v17, v18  }
0x119: {  	v18 =	vperm.xlane v17, v2;
	_ =	sdelay $0x1  }
0x11a: {  	v17 =	vperm.xlane v17, v4;
	v18 =	vadd.s32 v3, v18;
	_ =	sdelay $0x1  }
0x11b: {  	v17 =	vadd.s32 v3, v17;
	_ =	sdelay $0x1  }
0x11c: {  	s8 =	simm.s32 $0x7400  }
0x11d: {  	[tilespmem:s8], [sflag:$0x1] =	stream.indirect_vreg.gather [hbm4b:s6+s2], $0x80, v18, vm0, $0xb8;
	[tilespmem:$0x1A800] =	vst v63  }
0x11e: {  	s9 =	simm.s32 $0x7480  }
0x11f: {  	[tilespmem:s9], [sflag:$0x1] =	stream.indirect_vreg.gather [hbm4b:s6+s2], $0x80, v17, vm0, $0xb8;
	[tilespmem:$0x1A800] =	vst v63  }
0x120: {  	s31 =	simm.s32 $0x0;
	s10 =	simm.s32 $0x7800  }
0x121: {  	[tilespmem:s10], [sflag:$0x1] =	stream.indirect.gather [hbm4b:s4+s30], $0x80, s2, s30, $0xb8;
	[tilespmem:$0x1A800] =	vst v63  }
.LBB2_2:
0x122: {  	s0 =	sshllo.u32 s31, $0x1  }
0x123: {  	s1 =	sshll.u32 s0, $0x7  }
0x124: {  	s0 =	sand.u32 $0x3FFFFF80, s1  }
0x125: {  	v17 =	vld [tilespmem:s0+$0x0];
	_ =	sdelay $0x4  }
0x126: {  	v18 =	vshrl.u32 v17, $0x3  }
0x127: {  	v18 =	vmul.u32 $0x18, v18  }
0x128: {  	v17 =	vand.u32 $0x7, v17  }
0x129: {  	v17 =	vor.u32 v17, v18  }
0x12a: {  	v18 =	vperm.xlane v17, v2;
	_ =	sdelay $0x1  }
0x12b: {  	v19 =	vperm.xlane v17, v4;
	v18 =	vadd.s32 v3, v18;
	_ =	sdelay $0x1  }
0x12c: {  	v20 =	vperm.xlane v17, v5;
	v19 =	vadd.s32 v3, v19;
	_ =	sdelay $0x1  }
0x12d: {  	s5 =	simm.s32 $0x0;
	s7 =	simm.s32 $0x9400;
	v21 =	vperm.xlane v17, v0;
	v20 =	vadd.s32 v3, v20  }
0x12e: {  	[tilespmem:s7], [sflag:$0x2] =	stream.indirect_vreg.gather [hbm4b:s3+s5], $0x80, v18, vm0, $0xb8;
	[tilespmem:$0x1A800] =	vst v63  }
0x12f: {  	s8 =	simm.s32 $0x9480;
	v18 =	vadd.s32 v3, v21;
	v21 =	vperm.xlane v17, v6  }
0x130: {  	[tilespmem:s8], [sflag:$0x2] =	stream.indirect_vreg.gather [hbm4b:s3+s5], $0x80, v19, vm0, $0xb8;
	[tilespmem:$0x1A800] =	vst v63  }
0x131: {  	s9 =	simm.s32 $0x9500;
	v19 =	vadd.s32 v3, v21;
	v21 =	vperm.xlane v17, v7  }
0x132: {  	[tilespmem:s9], [sflag:$0x2] =	stream.indirect_vreg.gather [hbm4b:s3+s5], $0x80, v20, vm0, $0xb8;
	[tilespmem:$0x1A800] =	vst v63  }
0x133: {  	s10 =	simm.s32 $0x9580;
	v20 =	vadd.s32 v3, v21;
	v21 =	vperm.xlane v17, v8  }
0x134: {  	[tilespmem:s10], [sflag:$0x2] =	stream.indirect_vreg.gather [hbm4b:s3+s5], $0x80, v18, vm0, $0xb8;
	[tilespmem:$0x1A800] =	vst v63  }
0x135: {  	s8 =	simm.s32 $0x9600;
	v18 =	vadd.s32 v3, v21;
	v21 =	vperm.xlane v17, v1  }
0x136: {  	[tilespmem:s8], [sflag:$0x2] =	stream.indirect_vreg.gather [hbm4b:s3+s5], $0x80, v19, vm0, $0xb8;
	[tilespmem:$0x1A800] =	vst v63  }
0x137: {  	s9 =	simm.s32 $0x9680;
	v19 =	vadd.s32 v3, v21;
	v21 =	vperm.xlane v17, v9  }
0x138: {  	[tilespmem:s9], [sflag:$0x2] =	stream.indirect_vreg.gather [hbm4b:s3+s5], $0x80, v20, vm0, $0xb8;
	[tilespmem:$0x1A800] =	vst v63  }
0x139: {  	s10 =	simm.s32 $0x9700;
	v20 =	vadd.s32 v3, v21;
	v21 =	vperm.xlane v17, v10  }
0x13a: {  	[tilespmem:s10], [sflag:$0x2] =	stream.indirect_vreg.gather [hbm4b:s3+s5], $0x80, v18, vm0, $0xb8;
	[tilespmem:$0x1A800] =	vst v63  }
0x13b: {  	s8 =	simm.s32 $0x9780;
	v18 =	vadd.s32 v3, v21;
	v21 =	vperm.xlane v17, v11  }
0x13c: {  	[tilespmem:s8], [sflag:$0x2] =	stream.indirect_vreg.gather [hbm4b:s3+s5], $0x80, v19, vm0, $0xb8;
	[tilespmem:$0x1A800] =	vst v63  }
0x13d: {  	s9 =	simm.s32 $0x9800;
	v19 =	vadd.s32 v3, v21;
	v21 =	vperm.xlane v17, v12  }
0x13e: {  	[tilespmem:s9], [sflag:$0x2] =	stream.indirect_vreg.gather [hbm4b:s3+s5], $0x80, v20, vm0, $0xb8;
	[tilespmem:$0x1A800] =	vst v63  }
0x13f: {  	s10 =	simm.s32 $0x9880;
	v20 =	vadd.s32 v3, v21;
	v21 =	vperm.xlane v17, v13  }
0x140: {  	[tilespmem:s10], [sflag:$0x2] =	stream.indirect_vreg.gather [hbm4b:s3+s5], $0x80, v18, vm0, $0xb8;
	[tilespmem:$0x1A800] =	vst v63  }
0x141: {  	s8 =	simm.s32 $0x9900;
	v18 =	vadd.s32 v3, v21;
	v21 =	vperm.xlane v17, v14  }
0x142: {  	[tilespmem:s8], [sflag:$0x2] =	stream.indirect_vreg.gather [hbm4b:s3+s5], $0x80, v19, vm0, $0xb8;
	[tilespmem:$0x1A800] =	vst v63  }
0x143: {  	s9 =	simm.s32 $0x9980;
	v19 =	vadd.s32 v3, v21;
	v21 =	vperm.xlane v17, v15  }
0x144: {  	[tilespmem:s9], [sflag:$0x2] =	stream.indirect_vreg.gather [hbm4b:s3+s5], $0x80, v20, vm0, $0xb8;
	[tilespmem:$0x1A800] =	vst v63  }
0x145: {  	s10 =	simm.s32 $0x9A00;
	v17 =	vperm.xlane v17, v16;
	v20 =	vadd.s32 v3, v21  }
0x146: {  	[tilespmem:s10], [sflag:$0x2] =	stream.indirect_vreg.gather [hbm4b:s3+s5], $0x80, v18, vm0, $0xb8;
	[tilespmem:$0x1A800] =	vst v63  }
0x147: {  	s8 =	simm.s32 $0x9A80;
	v17 =	vadd.s32 v3, v17  }
0x148: {  	[tilespmem:s8], [sflag:$0x2] =	stream.indirect_vreg.gather [hbm4b:s3+s5], $0x80, v19, vm0, $0xb8;
	[tilespmem:$0x1A800] =	vst v63  }
0x149: {  	s9 =	simm.s32 $0x9B00  }
0x14a: {  	[tilespmem:s9], [sflag:$0x2] =	stream.indirect_vreg.gather [hbm4b:s3+s5], $0x80, v20, vm0, $0xb8;
	[tilespmem:$0x1A800] =	vst v63  }
0x14b: {  	s10 =	simm.s32 $0x9B80  }
0x14c: {  	[tilespmem:s10], [sflag:$0x2] =	stream.indirect_vreg.gather [hbm4b:s3+s5], $0x80, v17, vm0, $0xb8;
	[tilespmem:$0x1A800] =	vst v63  }
0x14d: {  	v17 =	vld [tilespmem:s0+$0x10];
	_ =	sdelay $0x4  }
0x14e: {  	v18 =	vshrl.u32 v17, $0x3  }
0x14f: {  	v18 =	vmul.u32 $0x18, v18  }
0x150: {  	v17 =	vand.u32 $0x7, v17  }
0x151: {  	v17 =	vor.u32 v17, v18  }
0x152: {  	v18 =	vperm.xlane v17, v2;
	_ =	sdelay $0x1  }
0x153: {  	v19 =	vperm.xlane v17, v4;
	v18 =	vadd.s32 v3, v18;
	_ =	sdelay $0x1  }
0x154: {  	v20 =	vperm.xlane v17, v5;
	v19 =	vadd.s32 v3, v19;
	_ =	sdelay $0x1  }
0x155: {  	s8 =	simm.s32 $0x9C00;
	v21 =	vperm.xlane v17, v0;
	v20 =	vadd.s32 v3, v20  }
0x156: {  	[tilespmem:s8], [sflag:$0x2] =	stream.indirect_vreg.gather [hbm4b:s3+s5], $0x80, v18, vm0, $0xb8;
	[tilespmem:$0x1A800] =	vst v63  }
0x157: {  	s9 =	simm.s32 $0x9C80;
	v18 =	vadd.s32 v3, v21;
	v21 =	vperm.xlane v17, v6  }
0x158: {  	[tilespmem:s9], [sflag:$0x2] =	stream.indirect_vreg.gather [hbm4b:s3+s5], $0x80, v19, vm0, $0xb8;
	[tilespmem:$0x1A800] =	vst v63  }
0x159: {  	s10 =	simm.s32 $0x9D00;
	v19 =	vadd.s32 v3, v21;
	v21 =	vperm.xlane v17, v7  }
0x15a: {  	[tilespmem:s10], [sflag:$0x2] =	stream.indirect_vreg.gather [hbm4b:s3+s5], $0x80, v20, vm0, $0xb8;
	[tilespmem:$0x1A800] =	vst v63  }
0x15b: {  	s8 =	simm.s32 $0x9D80;
	v20 =	vadd.s32 v3, v21;
	v21 =	vperm.xlane v17, v8  }
0x15c: {  	[tilespmem:s8], [sflag:$0x2] =	stream.indirect_vreg.gather [hbm4b:s3+s5], $0x80, v18, vm0, $0xb8;
	[tilespmem:$0x1A800] =	vst v63  }
0x15d: {  	s9 =	simm.s32 $0x9E00;
	v18 =	vadd.s32 v3, v21;
	v21 =	vperm.xlane v17, v1  }
0x15e: {  	[tilespmem:s9], [sflag:$0x2] =	stream.indirect_vreg.gather [hbm4b:s3+s5], $0x80, v19, vm0, $0xb8;
	[tilespmem:$0x1A800] =	vst v63  }
0x15f: {  	s10 =	simm.s32 $0x9E80;
	v19 =	vadd.s32 v3, v21;
	v21 =	vperm.xlane v17, v9  }
0x160: {  	[tilespmem:s10], [sflag:$0x2] =	stream.indirect_vreg.gather [hbm4b:s3+s5], $0x80, v20, vm0, $0xb8;
	[tilespmem:$0x1A800] =	vst v63  }
0x161: {  	s8 =	simm.s32 $0x9F00;
	v20 =	vadd.s32 v3, v21;
	v21 =	vperm.xlane v17, v10  }
0x162: {  	[tilespmem:s8], [sflag:$0x2] =	stream.indirect_vreg.gather [hbm4b:s3+s5], $0x80, v18, vm0, $0xb8;
	[tilespmem:$0x1A800] =	vst v63  }
0x163: {  	s9 =	simm.s32 $0x9F80;
	v18 =	vadd.s32 v3, v21;
	v21 =	vperm.xlane v17, v11  }
0x164: {  	[tilespmem:s9], [sflag:$0x2] =	stream.indirect_vreg.gather [hbm4b:s3+s5], $0x80, v19, vm0, $0xb8;
	[tilespmem:$0x1A800] =	vst v63  }
0x165: {  	s10 =	simm.s32 $0xA000;
	v19 =	vadd.s32 v3, v21;
	v21 =	vperm.xlane v17, v12  }
0x166: {  	[tilespmem:s10], [sflag:$0x2] =	stream.indirect_vreg.gather [hbm4b:s3+s5], $0x80, v20, vm0, $0xb8;
	[tilespmem:$0x1A800] =	vst v63  }
0x167: {  	s8 =	simm.s32 $0xA080;
	v20 =	vadd.s32 v3, v21;
	v21 =	vperm.xlane v17, v13  }
0x168: {  	[tilespmem:s8], [sflag:$0x2] =	stream.indirect_vreg.gather [hbm4b:s3+s5], $0x80, v18, vm0, $0xb8;
	[tilespmem:$0x1A800] =	vst v63  }
0x169: {  	s9 =	simm.s32 $0xA100;
	v18 =	vadd.s32 v3, v21;
	v21 =	vperm.xlane v17, v14  }
0x16a: {  	[tilespmem:s9], [sflag:$0x2] =	stream.indirect_vreg.gather [hbm4b:s3+s5], $0x80, v19, vm0, $0xb8;
	[tilespmem:$0x1A800] =	vst v63  }
0x16b: {  	s10 =	simm.s32 $0xA180;
	v19 =	vadd.s32 v3, v21;
	v21 =	vperm.xlane v17, v15  }
0x16c: {  	[tilespmem:s10], [sflag:$0x2] =	stream.indirect_vreg.gather [hbm4b:s3+s5], $0x80, v20, vm0, $0xb8;
	[tilespmem:$0x1A800] =	vst v63  }
0x16d: {  	s8 =	simm.s32 $0xA200;
	v17 =	vperm.xlane v17, v16;
	v20 =	vadd.s32 v3, v21  }
0x16e: {  	[tilespmem:s8], [sflag:$0x2] =	stream.indirect_vreg.gather [hbm4b:s3+s5], $0x80, v18, vm0, $0xb8;
	[tilespmem:$0x1A800] =	vst v63  }
0x16f: {  	s9 =	simm.s32 $0xA280;
	v17 =	vadd.s32 v3, v17  }
0x170: {  	[tilespmem:s9], [sflag:$0x2] =	stream.indirect_vreg.gather [hbm4b:s3+s5], $0x80, v19, vm0, $0xb8;
	[tilespmem:$0x1A800] =	vst v63  }
0x171: {  	s10 =	simm.s32 $0xA300  }
0x172: {  	[tilespmem:s10], [sflag:$0x2] =	stream.indirect_vreg.gather [hbm4b:s3+s5], $0x80, v20, vm0, $0xb8;
	[tilespmem:$0x1A800] =	vst v63  }
0x173: {  	s8 =	simm.s32 $0xA380  }
0x174: {  	[tilespmem:s8], [sflag:$0x2] =	stream.indirect_vreg.gather [hbm4b:s3+s5], $0x80, v17, vm0, $0xb8;
	[tilespmem:$0x1A800] =	vst v63  }
0x175: {  	v17 =	vld [tilespmem:s0+$0x20];
	_ =	sdelay $0x4  }
0x176: {  	v18 =	vshrl.u32 v17, $0x3  }
0x177: {  	v18 =	vmul.u32 $0x18, v18  }
0x178: {  	v17 =	vand.u32 $0x7, v17  }
0x179: {  	v17 =	vor.u32 v17, v18  }
0x17a: {  	v18 =	vperm.xlane v17, v2;
	_ =	sdelay $0x1  }
0x17b: {  	v19 =	vperm.xlane v17, v4;
	v18 =	vadd.s32 v3, v18;
	_ =	sdelay $0x1  }
0x17c: {  	v20 =	vperm.xlane v17, v5;
	v19 =	vadd.s32 v3, v19;
	_ =	sdelay $0x1  }
0x17d: {  	s9 =	simm.s32 $0xA400;
	v21 =	vperm.xlane v17, v0;
	v20 =	vadd.s32 v3, v20  }
0x17e: {  	[tilespmem:s9], [sflag:$0x2] =	stream.indirect_vreg.gather [hbm4b:s3+s5], $0x80, v18, vm0, $0xb8;
	[tilespmem:$0x1A800] =	vst v63  }
0x17f: {  	s10 =	simm.s32 $0xA480;
	v18 =	vadd.s32 v3, v21;
	v21 =	vperm.xlane v17, v6  }
0x180: {  	[tilespmem:s10], [sflag:$0x2] =	stream.indirect_vreg.gather [hbm4b:s3+s5], $0x80, v19, vm0, $0xb8;
	[tilespmem:$0x1A800] =	vst v63  }
0x181: {  	s8 =	simm.s32 $0xA500;
	v19 =	vadd.s32 v3, v21;
	v21 =	vperm.xlane v17, v7  }
0x182: {  	[tilespmem:s8], [sflag:$0x2] =	stream.indirect_vreg.gather [hbm4b:s3+s5], $0x80, v20, vm0, $0xb8;
	[tilespmem:$0x1A800] =	vst v63  }
0x183: {  	s9 =	simm.s32 $0xA580;
	v20 =	vadd.s32 v3, v21;
	v21 =	vperm.xlane v17, v8  }
0x184: {  	[tilespmem:s9], [sflag:$0x2] =	stream.indirect_vreg.gather [hbm4b:s3+s5], $0x80, v18, vm0, $0xb8;
	[tilespmem:$0x1A800] =	vst v63  }
0x185: {  	s10 =	simm.s32 $0xA600;
	v18 =	vadd.s32 v3, v21;
	v21 =	vperm.xlane v17, v1  }
0x186: {  	[tilespmem:s10], [sflag:$0x2] =	stream.indirect_vreg.gather [hbm4b:s3+s5], $0x80, v19, vm0, $0xb8;
	[tilespmem:$0x1A800] =	vst v63  }
0x187: {  	s8 =	simm.s32 $0xA680;
	v19 =	vadd.s32 v3, v21;
	v21 =	vperm.xlane v17, v9  }
0x188: {  	[tilespmem:s8], [sflag:$0x2] =	stream.indirect_vreg.gather [hbm4b:s3+s5], $0x80, v20, vm0, $0xb8;
	[tilespmem:$0x1A800] =	vst v63  }
0x189: {  	s9 =	simm.s32 $0xA700;
	v20 =	vadd.s32 v3, v21;
	v21 =	vperm.xlane v17, v10  }
0x18a: {  	[tilespmem:s9], [sflag:$0x2] =	stream.indirect_vreg.gather [hbm4b:s3+s5], $0x80, v18, vm0, $0xb8;
	[tilespmem:$0x1A800] =	vst v63  }
0x18b: {  	s10 =	simm.s32 $0xA780;
	v18 =	vadd.s32 v3, v21;
	v21 =	vperm.xlane v17, v11  }
0x18c: {  	[tilespmem:s10], [sflag:$0x2] =	stream.indirect_vreg.gather [hbm4b:s3+s5], $0x80, v19, vm0, $0xb8;
	[tilespmem:$0x1A800] =	vst v63  }
0x18d: {  	s8 =	simm.s32 $0xA800;
	v19 =	vadd.s32 v3, v21;
	v21 =	vperm.xlane v17, v12  }
0x18e: {  	[tilespmem:s8], [sflag:$0x2] =	stream.indirect_vreg.gather [hbm4b:s3+s5], $0x80, v20, vm0, $0xb8;
	[tilespmem:$0x1A800] =	vst v63  }
0x18f: {  	s9 =	simm.s32 $0xA880;
	v20 =	vadd.s32 v3, v21;
	v21 =	vperm.xlane v17, v13  }
0x190: {  	[tilespmem:s9], [sflag:$0x2] =	stream.indirect_vreg.gather [hbm4b:s3+s5], $0x80, v18, vm0, $0xb8;
	[tilespmem:$0x1A800] =	vst v63  }
0x191: {  	s10 =	simm.s32 $0xA900;
	v18 =	vadd.s32 v3, v21;
	v21 =	vperm.xlane v17, v14  }
0x192: {  	[tilespmem:s10], [sflag:$0x2] =	stream.indirect_vreg.gather [hbm4b:s3+s5], $0x80, v19, vm0, $0xb8;
	[tilespmem:$0x1A800] =	vst v63  }
0x193: {  	s8 =	simm.s32 $0xA980;
	v19 =	vadd.s32 v3, v21;
	v21 =	vperm.xlane v17, v15  }
0x194: {  	[tilespmem:s8], [sflag:$0x2] =	stream.indirect_vreg.gather [hbm4b:s3+s5], $0x80, v20, vm0, $0xb8;
	[tilespmem:$0x1A800] =	vst v63  }
0x195: {  	s9 =	simm.s32 $0xAA00;
	v17 =	vperm.xlane v17, v16;
	v20 =	vadd.s32 v3, v21  }
0x196: {  	[tilespmem:s9], [sflag:$0x2] =	stream.indirect_vreg.gather [hbm4b:s3+s5], $0x80, v18, vm0, $0xb8;
	[tilespmem:$0x1A800] =	vst v63  }
0x197: {  	s10 =	simm.s32 $0xAA80;
	v17 =	vadd.s32 v3, v17  }
0x198: {  	[tilespmem:s10], [sflag:$0x2] =	stream.indirect_vreg.gather [hbm4b:s3+s5], $0x80, v19, vm0, $0xb8;
	[tilespmem:$0x1A800] =	vst v63  }
0x199: {  	s8 =	simm.s32 $0xAB00  }
0x19a: {  	[tilespmem:s8], [sflag:$0x2] =	stream.indirect_vreg.gather [hbm4b:s3+s5], $0x80, v20, vm0, $0xb8;
	[tilespmem:$0x1A800] =	vst v63  }
0x19b: {  	s7 =	sor.u32 $0x30, s0;
	s9 =	simm.s32 $0xAB80  }
0x19c: {  	[tilespmem:s9], [sflag:$0x2] =	stream.indirect_vreg.gather [hbm4b:s3+s5], $0x80, v17, vm0, $0xb8;
	[tilespmem:$0x1A800] =	vst v63  }
0x19d: {  	v17 =	vld.msk [tilespmem:s7+$0x0], $0x3;
	_ =	sdelay $0x4  }
0x19e: {  	v18 =	vshrl.u32 v17, $0x3  }
0x19f: {  	v18 =	vmul.u32 $0x18, v18  }
0x1a0: {  	v17 =	vand.u32 $0x7, v17  }
0x1a1: {  	v17 =	vor.u32 v17, v18  }
0x1a2: {  	v18 =	vperm.xlane v17, v2;
	_ =	sdelay $0x1  }
0x1a3: {  	v17 =	vperm.xlane v17, v4;
	v18 =	vadd.s32 v3, v18;
	_ =	sdelay $0x1  }
0x1a4: {  	v17 =	vadd.s32 v3, v17;
	_ =	sdelay $0x1  }
0x1a5: {  	s8 =	simm.s32 $0xAC00  }
0x1a6: {  	[tilespmem:s8], [sflag:$0x2] =	stream.indirect_vreg.gather [hbm4b:s3+s5], $0x80, v18, vm0, $0xb8;
	[tilespmem:$0x1A800] =	vst v63  }
0x1a7: {  	s10 =	simm.s32 $0xAC80  }
0x1a8: {  	[tilespmem:s10], [sflag:$0x2] =	stream.indirect_vreg.gather [hbm4b:s3+s5], $0x80, v17, vm0, $0xb8;
	[tilespmem:$0x1A800] =	vst v63  }
0x1a9: {  	v17 =	vld [tilespmem:s0+$0x0];
	_ =	sdelay $0x4  }
0x1aa: {  	v18 =	vshrl.u32 v17, $0x3  }
0x1ab: {  	v18 =	vmul.u32 $0x18, v18  }
0x1ac: {  	v17 =	vand.u32 $0x7, v17  }
0x1ad: {  	v17 =	vor.u32 v17, v18  }
0x1ae: {  	v18 =	vperm.xlane v17, v2;
	_ =	sdelay $0x1  }
0x1af: {  	v19 =	vperm.xlane v17, v4;
	v18 =	vadd.s32 v3, v18;
	_ =	sdelay $0x1  }
0x1b0: {  	v20 =	vperm.xlane v17, v5;
	v19 =	vadd.s32 v3, v19;
	_ =	sdelay $0x1  }
0x1b1: {  	s9 =	simm.s32 $0xB000;
	v21 =	vperm.xlane v17, v0;
	v20 =	vadd.s32 v3, v20  }
0x1b2: {  	[tilespmem:s9], [sflag:$0x2] =	stream.indirect_vreg.gather [hbm4b:s6+s5], $0x80, v18, vm0, $0xb8;
	[tilespmem:$0x1A800] =	vst v63  }
0x1b3: {  	s10 =	simm.s32 $0xB080;
	v18 =	vadd.s32 v3, v21;
	v21 =	vperm.xlane v17, v6  }
0x1b4: {  	[tilespmem:s10], [sflag:$0x2] =	stream.indirect_vreg.gather [hbm4b:s6+s5], $0x80, v19, vm0, $0xb8;
	[tilespmem:$0x1A800] =	vst v63  }
0x1b5: {  	s9 =	simm.s32 $0xB100;
	v19 =	vadd.s32 v3, v21;
	v21 =	vperm.xlane v17, v7  }
0x1b6: {  	[tilespmem:s9], [sflag:$0x2] =	stream.indirect_vreg.gather [hbm4b:s6+s5], $0x80, v20, vm0, $0xb8;
	[tilespmem:$0x1A800] =	vst v63  }
0x1b7: {  	s10 =	simm.s32 $0xB180;
	v20 =	vadd.s32 v3, v21;
	v21 =	vperm.xlane v17, v8  }
0x1b8: {  	[tilespmem:s10], [sflag:$0x2] =	stream.indirect_vreg.gather [hbm4b:s6+s5], $0x80, v18, vm0, $0xb8;
	[tilespmem:$0x1A800] =	vst v63  }
0x1b9: {  	s9 =	simm.s32 $0xB200;
	v18 =	vadd.s32 v3, v21;
	v21 =	vperm.xlane v17, v1  }
0x1ba: {  	[tilespmem:s9], [sflag:$0x2] =	stream.indirect_vreg.gather [hbm4b:s6+s5], $0x80, v19, vm0, $0xb8;
	[tilespmem:$0x1A800] =	vst v63  }
0x1bb: {  	s10 =	simm.s32 $0xB280;
	v19 =	vadd.s32 v3, v21;
	v21 =	vperm.xlane v17, v9  }
0x1bc: {  	[tilespmem:s10], [sflag:$0x2] =	stream.indirect_vreg.gather [hbm4b:s6+s5], $0x80, v20, vm0, $0xb8;
	[tilespmem:$0x1A800] =	vst v63  }
0x1bd: {  	s9 =	simm.s32 $0xB300;
	v20 =	vadd.s32 v3, v21;
	v21 =	vperm.xlane v17, v10  }
0x1be: {  	[tilespmem:s9], [sflag:$0x2] =	stream.indirect_vreg.gather [hbm4b:s6+s5], $0x80, v18, vm0, $0xb8;
	[tilespmem:$0x1A800] =	vst v63  }
0x1bf: {  	s10 =	simm.s32 $0xB380;
	v18 =	vadd.s32 v3, v21;
	v21 =	vperm.xlane v17, v11  }
0x1c0: {  	[tilespmem:s10], [sflag:$0x2] =	stream.indirect_vreg.gather [hbm4b:s6+s5], $0x80, v19, vm0, $0xb8;
	[tilespmem:$0x1A800] =	vst v63  }
0x1c1: {  	s9 =	simm.s32 $0xB400;
	v19 =	vadd.s32 v3, v21;
	v21 =	vperm.xlane v17, v12  }
0x1c2: {  	[tilespmem:s9], [sflag:$0x2] =	stream.indirect_vreg.gather [hbm4b:s6+s5], $0x80, v20, vm0, $0xb8;
	[tilespmem:$0x1A800] =	vst v63  }
0x1c3: {  	s10 =	simm.s32 $0xB480;
	v20 =	vadd.s32 v3, v21;
	v21 =	vperm.xlane v17, v13  }
0x1c4: {  	[tilespmem:s10], [sflag:$0x2] =	stream.indirect_vreg.gather [hbm4b:s6+s5], $0x80, v18, vm0, $0xb8;
	[tilespmem:$0x1A800] =	vst v63  }
0x1c5: {  	s9 =	simm.s32 $0xB500;
	v18 =	vadd.s32 v3, v21;
	v21 =	vperm.xlane v17, v14  }
0x1c6: {  	[tilespmem:s9], [sflag:$0x2] =	stream.indirect_vreg.gather [hbm4b:s6+s5], $0x80, v19, vm0, $0xb8;
	[tilespmem:$0x1A800] =	vst v63  }
0x1c7: {  	s10 =	simm.s32 $0xB580;
	v19 =	vadd.s32 v3, v21;
	v21 =	vperm.xlane v17, v15  }
0x1c8: {  	[tilespmem:s10], [sflag:$0x2] =	stream.indirect_vreg.gather [hbm4b:s6+s5], $0x80, v20, vm0, $0xb8;
	[tilespmem:$0x1A800] =	vst v63  }
0x1c9: {  	v17 =	vperm.xlane v17, v16;
	s9 =	simm.s32 $0xB600;
	v20 =	vadd.s32 v3, v21  }
0x1ca: {  	[tilespmem:s9], [sflag:$0x2] =	stream.indirect_vreg.gather [hbm4b:s6+s5], $0x80, v18, vm0, $0xb8;
	[tilespmem:$0x1A800] =	vst v63  }
0x1cb: {  	v17 =	vadd.s32 v3, v17;
	s10 =	simm.s32 $0xB680  }
0x1cc: {  	[tilespmem:s10], [sflag:$0x2] =	stream.indirect_vreg.gather [hbm4b:s6+s5], $0x80, v19, vm0, $0xb8;
	[tilespmem:$0x1A800] =	vst v63  }
0x1cd: {  	s9 =	simm.s32 $0xB700  }
0x1ce: {  	[tilespmem:s9], [sflag:$0x2] =	stream.indirect_vreg.gather [hbm4b:s6+s5], $0x80, v20, vm0, $0xb8;
	[tilespmem:$0x1A800] =	vst v63  }
0x1cf: {  	s10 =	simm.s32 $0xB780  }
0x1d0: {  	[tilespmem:s10], [sflag:$0x2] =	stream.indirect_vreg.gather [hbm4b:s6+s5], $0x80, v17, vm0, $0xb8;
	[tilespmem:$0x1A800] =	vst v63  }
0x1d1: {  	v17 =	vld [tilespmem:s0+$0x10];
	_ =	sdelay $0x4  }
0x1d2: {  	v18 =	vshrl.u32 v17, $0x3  }
0x1d3: {  	v18 =	vmul.u32 $0x18, v18  }
0x1d4: {  	v17 =	vand.u32 $0x7, v17  }
0x1d5: {  	v17 =	vor.u32 v17, v18  }
0x1d6: {  	v18 =	vperm.xlane v17, v2;
	_ =	sdelay $0x1  }
0x1d7: {  	v19 =	vperm.xlane v17, v4;
	v18 =	vadd.s32 v3, v18;
	_ =	sdelay $0x1  }
0x1d8: {  	v20 =	vperm.xlane v17, v5;
	v19 =	vadd.s32 v3, v19;
	_ =	sdelay $0x1  }
0x1d9: {  	s9 =	simm.s32 $0xB800;
	v21 =	vperm.xlane v17, v0;
	v20 =	vadd.s32 v3, v20  }
0x1da: {  	[tilespmem:s9], [sflag:$0x2] =	stream.indirect_vreg.gather [hbm4b:s6+s5], $0x80, v18, vm0, $0xb8;
	[tilespmem:$0x1A800] =	vst v63  }
0x1db: {  	s10 =	simm.s32 $0xB880;
	v18 =	vadd.s32 v3, v21;
	v21 =	vperm.xlane v17, v6  }
0x1dc: {  	[tilespmem:s10], [sflag:$0x2] =	stream.indirect_vreg.gather [hbm4b:s6+s5], $0x80, v19, vm0, $0xb8;
	[tilespmem:$0x1A800] =	vst v63  }
0x1dd: {  	s9 =	simm.s32 $0xB900;
	v19 =	vadd.s32 v3, v21;
	v21 =	vperm.xlane v17, v7  }
0x1de: {  	[tilespmem:s9], [sflag:$0x2] =	stream.indirect_vreg.gather [hbm4b:s6+s5], $0x80, v20, vm0, $0xb8;
	[tilespmem:$0x1A800] =	vst v63  }
0x1df: {  	s10 =	simm.s32 $0xB980;
	v20 =	vadd.s32 v3, v21;
	v21 =	vperm.xlane v17, v8  }
0x1e0: {  	[tilespmem:s10], [sflag:$0x2] =	stream.indirect_vreg.gather [hbm4b:s6+s5], $0x80, v18, vm0, $0xb8;
	[tilespmem:$0x1A800] =	vst v63  }
0x1e1: {  	s9 =	simm.s32 $0xBA00;
	v18 =	vadd.s32 v3, v21;
	v21 =	vperm.xlane v17, v1  }
0x1e2: {  	[tilespmem:s9], [sflag:$0x2] =	stream.indirect_vreg.gather [hbm4b:s6+s5], $0x80, v19, vm0, $0xb8;
	[tilespmem:$0x1A800] =	vst v63  }
0x1e3: {  	s10 =	simm.s32 $0xBA80;
	v19 =	vadd.s32 v3, v21;
	v21 =	vperm.xlane v17, v9  }
0x1e4: {  	[tilespmem:s10], [sflag:$0x2] =	stream.indirect_vreg.gather [hbm4b:s6+s5], $0x80, v20, vm0, $0xb8;
	[tilespmem:$0x1A800] =	vst v63  }
0x1e5: {  	s9 =	simm.s32 $0xBB00;
	v20 =	vadd.s32 v3, v21;
	v21 =	vperm.xlane v17, v10  }
0x1e6: {  	[tilespmem:s9], [sflag:$0x2] =	stream.indirect_vreg.gather [hbm4b:s6+s5], $0x80, v18, vm0, $0xb8;
	[tilespmem:$0x1A800] =	vst v63  }
0x1e7: {  	s10 =	simm.s32 $0xBB80;
	v18 =	vadd.s32 v3, v21;
	v21 =	vperm.xlane v17, v11  }
0x1e8: {  	[tilespmem:s10], [sflag:$0x2] =	stream.indirect_vreg.gather [hbm4b:s6+s5], $0x80, v19, vm0, $0xb8;
	[tilespmem:$0x1A800] =	vst v63  }
0x1e9: {  	s9 =	simm.s32 $0xBC00;
	v19 =	vadd.s32 v3, v21;
	v21 =	vperm.xlane v17, v12  }
0x1ea: {  	[tilespmem:s9], [sflag:$0x2] =	stream.indirect_vreg.gather [hbm4b:s6+s5], $0x80, v20, vm0, $0xb8;
	[tilespmem:$0x1A800] =	vst v63  }
0x1eb: {  	s10 =	simm.s32 $0xBC80;
	v20 =	vadd.s32 v3, v21;
	v21 =	vperm.xlane v17, v13  }
0x1ec: {  	[tilespmem:s10], [sflag:$0x2] =	stream.indirect_vreg.gather [hbm4b:s6+s5], $0x80, v18, vm0, $0xb8;
	[tilespmem:$0x1A800] =	vst v63  }
0x1ed: {  	s9 =	simm.s32 $0xBD00;
	v18 =	vadd.s32 v3, v21;
	v21 =	vperm.xlane v17, v14  }
0x1ee: {  	[tilespmem:s9], [sflag:$0x2] =	stream.indirect_vreg.gather [hbm4b:s6+s5], $0x80, v19, vm0, $0xb8;
	[tilespmem:$0x1A800] =	vst v63  }
0x1ef: {  	s10 =	simm.s32 $0xBD80;
	v19 =	vadd.s32 v3, v21;
	v21 =	vperm.xlane v17, v15  }
0x1f0: {  	[tilespmem:s10], [sflag:$0x2] =	stream.indirect_vreg.gather [hbm4b:s6+s5], $0x80, v20, vm0, $0xb8;
	[tilespmem:$0x1A800] =	vst v63  }
0x1f1: {  	v17 =	vperm.xlane v17, v16;
	s9 =	simm.s32 $0xBE00;
	v20 =	vadd.s32 v3, v21  }
0x1f2: {  	[tilespmem:s9], [sflag:$0x2] =	stream.indirect_vreg.gather [hbm4b:s6+s5], $0x80, v18, vm0, $0xb8;
	[tilespmem:$0x1A800] =	vst v63  }
0x1f3: {  	v17 =	vadd.s32 v3, v17;
	s10 =	simm.s32 $0xBE80  }
0x1f4: {  	[tilespmem:s10], [sflag:$0x2] =	stream.indirect_vreg.gather [hbm4b:s6+s5], $0x80, v19, vm0, $0xb8;
	[tilespmem:$0x1A800] =	vst v63  }
0x1f5: {  	s9 =	simm.s32 $0xBF00  }
0x1f6: {  	[tilespmem:s9], [sflag:$0x2] =	stream.indirect_vreg.gather [hbm4b:s6+s5], $0x80, v20, vm0, $0xb8;
	[tilespmem:$0x1A800] =	vst v63  }
0x1f7: {  	s10 =	simm.s32 $0xBF80  }
0x1f8: {  	[tilespmem:s10], [sflag:$0x2] =	stream.indirect_vreg.gather [hbm4b:s6+s5], $0x80, v17, vm0, $0xb8;
	[tilespmem:$0x1A800] =	vst v63  }
0x1f9: {  	v17 =	vld [tilespmem:s0+$0x20];
	_ =	sdelay $0x4  }
0x1fa: {  	v18 =	vshrl.u32 v17, $0x3  }
0x1fb: {  	v18 =	vmul.u32 $0x18, v18  }
0x1fc: {  	v17 =	vand.u32 $0x7, v17  }
0x1fd: {  	v17 =	vor.u32 v17, v18  }
0x1fe: {  	v18 =	vperm.xlane v17, v2;
	_ =	sdelay $0x1  }
0x1ff: {  	v19 =	vperm.xlane v17, v4;
	v18 =	vadd.s32 v3, v18;
	_ =	sdelay $0x1  }
0x200: {  	v20 =	vperm.xlane v17, v5;
	v19 =	vadd.s32 v3, v19;
	_ =	sdelay $0x1  }
0x201: {  	s9 =	simm.s32 $0xC000;
	v21 =	vperm.xlane v17, v0;
	v20 =	vadd.s32 v3, v20  }
0x202: {  	[tilespmem:s9], [sflag:$0x2] =	stream.indirect_vreg.gather [hbm4b:s6+s5], $0x80, v18, vm0, $0xb8;
	[tilespmem:$0x1A800] =	vst v63  }
0x203: {  	s10 =	simm.s32 $0xC080;
	v18 =	vadd.s32 v3, v21;
	v21 =	vperm.xlane v17, v6  }
0x204: {  	[tilespmem:s10], [sflag:$0x2] =	stream.indirect_vreg.gather [hbm4b:s6+s5], $0x80, v19, vm0, $0xb8;
	[tilespmem:$0x1A800] =	vst v63  }
0x205: {  	s9 =	simm.s32 $0xC100;
	v19 =	vadd.s32 v3, v21;
	v21 =	vperm.xlane v17, v7  }
0x206: {  	[tilespmem:s9], [sflag:$0x2] =	stream.indirect_vreg.gather [hbm4b:s6+s5], $0x80, v20, vm0, $0xb8;
	[tilespmem:$0x1A800] =	vst v63  }
0x207: {  	v20 =	vadd.s32 v3, v21;
	v21 =	vperm.xlane v17, v8  }
0x208: {  	[tilespmem:s11], [sflag:$0x2] =	stream.indirect_vreg.gather [hbm4b:s6+s5], $0x80, v18, vm0, $0xb8;
	[tilespmem:$0x1A800] =	vst v63  }
0x209: {  	v18 =	vadd.s32 v3, v21;
	v21 =	vperm.xlane v17, v1  }
0x20a: {  	[tilespmem:s12], [sflag:$0x2] =	stream.indirect_vreg.gather [hbm4b:s6+s5], $0x80, v19, vm0, $0xb8;
	[tilespmem:$0x1A800] =	vst v63  }
0x20b: {  	v19 =	vadd.s32 v3, v21;
	v21 =	vperm.xlane v17, v9  }
0x20c: {  	[tilespmem:s13], [sflag:$0x2] =	stream.indirect_vreg.gather [hbm4b:s6+s5], $0x80, v20, vm0, $0xb8;
	[tilespmem:$0x1A800] =	vst v63  }
0x20d: {  	v20 =	vadd.s32 v3, v21;
	v21 =	vperm.xlane v17, v10  }
0x20e: {  	[tilespmem:s14], [sflag:$0x2] =	stream.indirect_vreg.gather [hbm4b:s6+s5], $0x80, v18, vm0, $0xb8;
	[tilespmem:$0x1A800] =	vst v63  }
0x20f: {  	v18 =	vadd.s32 v3, v21;
	v21 =	vperm.xlane v17, v11  }
0x210: {  	[tilespmem:s15], [sflag:$0x2] =	stream.indirect_vreg.gather [hbm4b:s6+s5], $0x80, v19, vm0, $0xb8;
	[tilespmem:$0x1A800] =	vst v63  }
0x211: {  	v19 =	vadd.s32 v3, v21;
	v21 =	vperm.xlane v17, v12  }
0x212: {  	[tilespmem:s16], [sflag:$0x2] =	stream.indirect_vreg.gather [hbm4b:s6+s5], $0x80, v20, vm0, $0xb8;
	[tilespmem:$0x1A800] =	vst v63  }
0x213: {  	v20 =	vadd.s32 v3, v21;
	v21 =	vperm.xlane v17, v13  }
0x214: {  	[tilespmem:s17], [sflag:$0x2] =	stream.indirect_vreg.gather [hbm4b:s6+s5], $0x80, v18, vm0, $0xb8;
	[tilespmem:$0x1A800] =	vst v63  }
0x215: {  	v18 =	vadd.s32 v3, v21;
	v21 =	vperm.xlane v17, v14  }
0x216: {  	[tilespmem:s18], [sflag:$0x2] =	stream.indirect_vreg.gather [hbm4b:s6+s5], $0x80, v19, vm0, $0xb8;
	[tilespmem:$0x1A800] =	vst v63  }
0x217: {  	v19 =	vadd.s32 v3, v21;
	v21 =	vperm.xlane v17, v15  }
0x218: {  	[tilespmem:s19], [sflag:$0x2] =	stream.indirect_vreg.gather [hbm4b:s6+s5], $0x80, v20, vm0, $0xb8;
	[tilespmem:$0x1A800] =	vst v63  }
0x219: {  	v17 =	vperm.xlane v17, v16;
	v20 =	vadd.s32 v3, v21  }
0x21a: {  	[tilespmem:s20], [sflag:$0x2] =	stream.indirect_vreg.gather [hbm4b:s6+s5], $0x80, v18, vm0, $0xb8;
	[tilespmem:$0x1A800] =	vst v63  }
0x21b: {  	v17 =	vadd.s32 v3, v17  }
0x21c: {  	[tilespmem:s21], [sflag:$0x2] =	stream.indirect_vreg.gather [hbm4b:s6+s5], $0x80, v19, vm0, $0xb8;
	[tilespmem:$0x1A800] =	vst v63  }
0x21d: {  	_ = 	snop  }
0x21e: {  	[tilespmem:s22], [sflag:$0x2] =	stream.indirect_vreg.gather [hbm4b:s6+s5], $0x80, v20, vm0, $0xb8;
	[tilespmem:$0x1A800] =	vst v63  }
0x21f: {  	_ = 	snop  }
0x220: {  	[tilespmem:s23], [sflag:$0x2] =	stream.indirect_vreg.gather [hbm4b:s6+s5], $0x80, v17, vm0, $0xb8;
	[tilespmem:$0x1A800] =	vst v63  }
0x221: {  	v17 =	vld.msk [tilespmem:s7+$0x0], $0x3;
	_ =	sdelay $0x4  }
0x222: {  	v18 =	vshrl.u32 v17, $0x3  }
0x223: {  	v18 =	vmul.u32 $0x18, v18  }
0x224: {  	v17 =	vand.u32 $0x7, v17  }
0x225: {  	v17 =	vor.u32 v17, v18  }
0x226: {  	v18 =	vperm.xlane v17, v2;
	_ =	sdelay $0x1  }
0x227: {  	v17 =	vperm.xlane v17, v4;
	v18 =	vadd.s32 v3, v18;
	_ =	sdelay $0x1  }
0x228: {  	v17 =	vadd.s32 v3, v17;
	_ =	sdelay $0x2  }
0x229: {  	[tilespmem:s24], [sflag:$0x2] =	stream.indirect_vreg.gather [hbm4b:s6+s5], $0x80, v18, vm0, $0xb8;
	[tilespmem:$0x1A800] =	vst v63  }
0x22a: {  	_ = 	snop  }
0x22b: {  	[tilespmem:s25], [sflag:$0x2] =	stream.indirect_vreg.gather [hbm4b:s6+s5], $0x80, v17, vm0, $0xb8;
	[tilespmem:$0x1A800] =	vst v63  }
0x22c: {  	_ = 	snop  }
0x22d: {  	[tilespmem:s26], [sflag:$0x2] =	stream.indirect.gather [hbm4b:s4+s30], $0x80, s0, s30, $0xb8;
	[tilespmem:$0x1A800] =	vst v63  }
0x22e: {  	_ =	swait.ge [sflag:s28], $0x1900  }
0x22f: {  	[sflag:s28] =	ssyncset.done $0x0  }
0x230: {  	[sflag:s28] =	ssyncadd.s32 $0xFFFFE700  }
0x231: {  	_ =	swait.ge [sflag:s28], $0x1900  }
0x232: {  	[sflag:s28] =	ssyncset.done $0x0  }
0x233: {  	[sflag:s28] =	ssyncadd.s32 $0xFFFFE700  }
0x234: {  	_ =	swait.ge [sflag:s28], $0x1900  }
0x235: {  	[sflag:s28] =	ssyncset.done $0x0  }
0x236: {  	s10 =	simm.s32 $0x0;
	[sflag:s28] =	ssyncadd.s32 $0xFFFFE700  }
0x237: {  	v17 =	vld [tilespmem:s10+$0x7820]  }
0x238: {  	v19 =	vld [tilespmem:s10+$0x4000]  }
0x239: {  	v20 =	vld [tilespmem:s10+$0x4010]  }
0x23a: {  	v21 =	vld [tilespmem:s10+$0x4020]  }
0x23b: {  	v22 =	vld [tilespmem:s10+$0x4030]  }
0x23c: {  	v23 =	vld [tilespmem:s10+$0x4040]  }
0x23d: {  	v24 =	vld [tilespmem:s10+$0x4050]  }
0x23e: {  	v25 =	vld [tilespmem:s10+$0x4060]  }
0x23f: {  	v26 =	vld [tilespmem:s10+$0x4070]  }
0x240: {  	v27 =	vld [tilespmem:s10+$0x5C00]  }
0x241: {  	v18 =	vimm.f32 $0.0e+00;
	v36 =	vld [tilespmem:s10+$0x5C10]  }
0x242: {  	v37 =	vld [tilespmem:s10+$0x5C20];
	v17 =	vadd.f32 v17, v18;
	v34 =	vadd.f32 v19, v18  }
0x243: {  	v19 =	vld [tilespmem:s10+$0x5C30];
	v35 =	vadd.f32 v20, v18;
	v33 =	vadd.f32 v21, v18  }
0x244: {  	v20 =	vld [tilespmem:s10+$0x5C40];
	v32 =	vadd.f32 v22, v18;
	v31 =	vadd.f32 v23, v18  }
0x245: {  	v40 =	vld [tilespmem:s10+$0x5C50];
	v30 =	vadd.f32 v24, v18;
	v29 =	vadd.f32 v25, v18  }
0x246: {  	v39 =	vld [tilespmem:s10+$0x5C60];
	v28 =	vadd.f32 v26, v18;
	v27 =	vadd.f32 v27, v18  }
0x247: {  	v38 =	vld [tilespmem:s10+$0x5C70];
	v26 =	vadd.f32 v36, v18;
	v25 =	vadd.f32 v37, v18  }
0x248: {  	v36 =	vld [tilespmem:s10+$0x7800];
	v22 =	vimm.f32 $0.0e+00;
	v23 =	vimm.f32 $0.0e+00;
	v24 =	vadd.f32 v19, v18  }
0x249: {  	s5 =	simm.s32 $0x80;
	s0 =	simm.s32 $0x400;
	v37 =	vld [tilespmem:s10+$0x7810];
	v21 =	vadd.f32 v20, v18;
	v20 =	vimm.f32 $0.0e+00;
	v19 =	vimm.f32 $0.0e+00  }
.LBB2_3:
0x24a: {  	p0 =	sne.s32 s0, $0x6200;
	v41 =	vld [tilespmem:s5+$0x7820];
	v18 =	vadd.f32 v40, v18  }
0x24b: {  	v40 =	vld [tilespmem:s5+$0x4000];
	v22 =	vadd.f32 v39, v22  }
0x24c: {  	v39 =	vld [tilespmem:s5+$0x4010];
	v23 =	vadd.f32 v38, v23  }
0x24d: {  	v38 =	vld [tilespmem:s5+$0x4020];
	v20 =	vadd.f32 v36, v20  }
0x24e: {  	v36 =	vld [tilespmem:s5+$0x4030];
	v19 =	vadd.f32 v37, v19  }
0x24f: {  	v37 =	vld [tilespmem:s5+$0x4040];
	v17 =	vadd.f32 v41, v17  }
0x250: {  	v34 =	vadd.f32 v40, v34;
	v40 =	vld [tilespmem:s5+$0x4050]  }
0x251: {  	v35 =	vadd.f32 v39, v35;
	v39 =	vld [tilespmem:s5+$0x4060]  }
0x252: {  	v33 =	vadd.f32 v38, v33;
	v38 =	vld [tilespmem:s5+$0x4070]  }
0x253: {  	v32 =	vadd.f32 v36, v32;
	v36 =	vld [tilespmem:s5+$0x5C00]  }
0x254: {  	v31 =	vadd.f32 v37, v31;
	v37 =	vld [tilespmem:s5+$0x5C10]  }
0x255: {  	v30 =	vadd.f32 v40, v30;
	v41 =	vld [tilespmem:s5+$0x5C20]  }
0x256: {  	v29 =	vadd.f32 v39, v29;
	v42 =	vld [tilespmem:s5+$0x5C30]  }
0x257: {  	v28 =	vadd.f32 v38, v28;
	v43 =	vld [tilespmem:s5+$0x5C40]  }
.Ltmp0:
0x258: {  	v27 =	vadd.f32 v36, v27;
	v40 =	vld [tilespmem:s5+$0x5C50];
	(pc) =	sbr.rel @p0 .LBB2_3-.Ltmp0, $4  }
0x259: {  	v26 =	vadd.f32 v37, v26;
	v39 =	vld [tilespmem:s5+$0x5C60]  }
0x25a: {  	v25 =	vadd.f32 v41, v25;
	v38 =	vld [tilespmem:s5+$0x5C70]  }
0x25b: {  	v24 =	vadd.f32 v42, v24;
	v36 =	vld [tilespmem:s5+$0x7800]  }
0x25c: {  	v21 =	vadd.f32 v43, v21;
	v37 =	vld [tilespmem:s5+$0x7810];
	s5 =	sshra.s32 s0, $0x2;
	s0 =	sadd.s32 $0x200, s0  }
0x25d: {  	v41 =	vld [tilespmem:s5+$0x7820]  }
0x25e: {  	v42 =	vld [tilespmem:s5+$0x4000]  }
0x25f: {  	v43 =	vld [tilespmem:s5+$0x4010]  }
0x260: {  	v44 =	vld [tilespmem:s5+$0x4020]  }
0x261: {  	v45 =	vld [tilespmem:s5+$0x4030]  }
0x262: {  	v46 =	vld [tilespmem:s5+$0x4040]  }
0x263: {  	v47 =	vld [tilespmem:s5+$0x4050]  }
0x264: {  	v48 =	vld [tilespmem:s5+$0x4060]  }
0x265: {  	v49 =	vld [tilespmem:s5+$0x4070]  }
0x266: {  	v50 =	vld [tilespmem:s5+$0x5C00]  }
0x267: {  	v51 =	vld [tilespmem:s5+$0x5C10]  }
0x268: {  	v52 =	vld [tilespmem:s5+$0x5C20]  }
0x269: {  	v53 =	vld [tilespmem:s5+$0x5C30];
	s0 =	sshrl.u32 s31, $0x2  }
0x26a: {  	v54 =	vld [tilespmem:s5+$0x5C40];
	s0 =	smul.u32 $0x3000, s0  }
0x26b: {  	v55 =	vld [tilespmem:s5+$0x5C50];
	v34 =	vadd.f32 v42, v34  }
0x26c: {  	v59 =	vld [tilespmem:s5+$0x5C60];
	s8 =	sshll.u32 s31, $0x8;
	s7 =	sshra.s32 s0, $0x2;
	v35 =	vadd.f32 v43, v35  }
0x26d: {  	v60 =	vld [tilespmem:s5+$0x5C70];
	s9 =	sand.u32 $0x300, s8;
	s0 =	sadd.s32 $0xE800, s7;
	v33 =	vadd.f32 v44, v33;
	v34 =	vmul.f32 $1.999999960e-02, v34  }
0x26e: {  	v61 =	vld [tilespmem:s5+$0x7800];
	v32 =	vadd.f32 v45, v32;
	s10 =	sor.u32 s9, s0;
	v35 =	vmul.f32 $1.999999960e-02, v35  }
0x26f: {  	v62 =	vld [tilespmem:s5+$0x7810];
	v31 =	vadd.f32 v46, v31;
	v33 =	vmul.f32 $1.999999960e-02, v33;
	[tilespmem:s10+$0x0] =	vst v34  }
0x270: {  	v30 =	vadd.f32 v47, v30;
	v32 =	vmul.f32 $1.999999960e-02, v32;
	[tilespmem:s10+$0x10] =	vst v35  }
0x271: {  	v29 =	vadd.f32 v48, v29;
	v31 =	vmul.f32 $1.999999960e-02, v31;
	[tilespmem:s10+$0x20] =	vst v33  }
0x272: {  	v28 =	vadd.f32 v49, v28;
	v30 =	vmul.f32 $1.999999960e-02, v30;
	[tilespmem:s10+$0x30] =	vst v32  }
0x273: {  	v27 =	vadd.f32 v50, v27;
	v29 =	vmul.f32 $1.999999960e-02, v29;
	[tilespmem:s10+$0x40] =	vst v31  }
0x274: {  	v26 =	vadd.f32 v51, v26;
	v28 =	vmul.f32 $1.999999960e-02, v28;
	[tilespmem:s10+$0x50] =	vst v30  }
0x275: {  	s5 =	sadd.s32 $0xEC00, s7;
	v25 =	vadd.f32 v52, v25;
	v27 =	vmul.f32 $1.999999960e-02, v27;
	[tilespmem:s10+$0x60] =	vst v29  }
0x276: {  	v18 =	vadd.f32 v40, v18;
	v24 =	vadd.f32 v53, v24;
	v26 =	vmul.f32 $1.999999960e-02, v26;
	[tilespmem:s10+$0x70] =	vst v28;
	s10 =	sor.u32 s9, s5  }
0x277: {  	v22 =	vadd.f32 v39, v22;
	v21 =	vadd.f32 v54, v21;
	v25 =	vmul.f32 $1.999999960e-02, v25;
	[tilespmem:s10+$0x0] =	vst v27  }
0x278: {  	v23 =	vadd.f32 v38, v23;
	v18 =	vadd.f32 v55, v18;
	v24 =	vmul.f32 $1.999999960e-02, v24;
	[tilespmem:s10+$0x10] =	vst v26  }
0x279: {  	v20 =	vadd.f32 v36, v20;
	v22 =	vadd.f32 v59, v22;
	v21 =	vmul.f32 $1.999999960e-02, v21;
	[tilespmem:s10+$0x20] =	vst v25  }
0x27a: {  	v23 =	vadd.f32 v60, v23;
	v18 =	vmul.f32 $1.999999960e-02, v18;
	[tilespmem:s10+$0x30] =	vst v24  }
0x27b: {  	v19 =	vadd.f32 v37, v19;
	v20 =	vadd.f32 v61, v20;
	v63 =	vmul.f32 $1.999999960e-02, v22;
	[tilespmem:s10+$0x40] =	vst v21  }
0x27c: {  	p0 =	seq.s32 s31, $0x3F;
	v17 =	vadd.f32 v41, v17;
	[tilespmem:s10+$0x50] =	vst v18;
	v18 =	vmul.f32 $1.999999960e-02, v23  }
.Ltmp1:
0x27d: {  	s7 =	sadd.s32 $0xF000, s7;
	v19 =	vadd.f32 v62, v19;
	v20 =	vmul.f32 $1.999999960e-02, v20;
	[tilespmem:s10+$0x60] =	vst v63;
	(pc) =	sbr.rel @p0 .LBB2_6-.Ltmp1, $4  }
0x27e: {  	v17 =	vmul.f32 $1.999999960e-02, v17;
	s9 =	sor.u32 s9, s7;
	[tilespmem:s10+$0x70] =	vst v18  }
0x27f: {  	v18 =	vmul.f32 $1.999999960e-02, v19;
	[tilespmem:s9+$0x0] =	vst v20  }
0x280: {  	[tilespmem:s9+$0x20] =	vst v17  }
0x281: {  	[tilespmem:s9+$0x10] =	vst v18  }
0x282: {  	s8 =	sand.u32 $0x3FFFFF00, s8  }
0x283: {  	v17 =	vld [tilespmem:s8+$0x100];
	_ =	sdelay $0x4  }
0x284: {  	v18 =	vshrl.u32 v17, $0x3  }
0x285: {  	v18 =	vmul.u32 $0x18, v18  }
0x286: {  	v17 =	vand.u32 $0x7, v17  }
0x287: {  	v17 =	vor.u32 v17, v18  }
0x288: {  	v18 =	vperm.xlane v17, v2;
	_ =	sdelay $0x1  }
0x289: {  	v19 =	vperm.xlane v17, v4;
	v18 =	vadd.s32 v3, v18;
	_ =	sdelay $0x1  }
0x28a: {  	v20 =	vperm.xlane v17, v5;
	v19 =	vadd.s32 v3, v19;
	_ =	sdelay $0x1  }
0x28b: {  	s9 =	simm.s32 $0x4000;
	v21 =	vperm.xlane v17, v0;
	v20 =	vadd.s32 v3, v20  }
0x28c: {  	[tilespmem:s9], [sflag:$0x1] =	stream.indirect_vreg.gather [hbm4b:s3+s2], $0x80, v18, vm0, $0xb8;
	[tilespmem:$0x1A800] =	vst v63  }
0x28d: {  	s10 =	simm.s32 $0x4080;
	v44 =	vperm.xlane v17, v6;
	v18 =	vadd.s32 v3, v21  }
0x28e: {  	[tilespmem:s10], [sflag:$0x1] =	stream.indirect_vreg.gather [hbm4b:s3+s2], $0x80, v19, vm0, $0xb8;
	[tilespmem:$0x1A800] =	vst v63  }
0x28f: {  	v45 =	vperm.xlane v17, v7;
	v19 =	vadd.s32 v3, v44;
	s10 =	simm.s32 $0x4100  }
0x290: {  	[tilespmem:s10], [sflag:$0x1] =	stream.indirect_vreg.gather [hbm4b:s3+s2], $0x80, v20, vm0, $0xb8;
	[tilespmem:$0x1A800] =	vst v63  }
0x291: {  	v47 =	vperm.xlane v17, v8;
	v46 =	vadd.s32 v3, v45;
	s10 =	simm.s32 $0x4180  }
0x292: {  	[tilespmem:s10], [sflag:$0x1] =	stream.indirect_vreg.gather [hbm4b:s3+s2], $0x80, v18, vm0, $0xb8;
	[tilespmem:$0x1A800] =	vst v63  }
0x293: {  	v48 =	vperm.xlane v17, v1;
	v18 =	vadd.s32 v3, v47;
	s10 =	simm.s32 $0x4200  }
0x294: {  	[tilespmem:s10], [sflag:$0x1] =	stream.indirect_vreg.gather [hbm4b:s3+s2], $0x80, v19, vm0, $0xb8;
	[tilespmem:$0x1A800] =	vst v63  }
0x295: {  	v49 =	vperm.xlane v17, v9;
	v19 =	vadd.s32 v3, v48;
	s10 =	simm.s32 $0x4280  }
0x296: {  	[tilespmem:s10], [sflag:$0x1] =	stream.indirect_vreg.gather [hbm4b:s3+s2], $0x80, v46, vm0, $0xb8;
	[tilespmem:$0x1A800] =	vst v63  }
0x297: {  	v51 =	vperm.xlane v17, v10;
	v50 =	vadd.s32 v3, v49;
	s10 =	simm.s32 $0x4300  }
0x298: {  	[tilespmem:s10], [sflag:$0x1] =	stream.indirect_vreg.gather [hbm4b:s3+s2], $0x80, v18, vm0, $0xb8;
	[tilespmem:$0x1A800] =	vst v63  }
0x299: {  	v52 =	vperm.xlane v17, v11;
	v18 =	vadd.s32 v3, v51;
	s10 =	simm.s32 $0x4380  }
0x29a: {  	[tilespmem:s10], [sflag:$0x1] =	stream.indirect_vreg.gather [hbm4b:s3+s2], $0x80, v19, vm0, $0xb8;
	[tilespmem:$0x1A800] =	vst v63  }
0x29b: {  	v53 =	vperm.xlane v17, v12;
	v19 =	vadd.s32 v3, v52;
	s10 =	simm.s32 $0x4400  }
0x29c: {  	[tilespmem:s10], [sflag:$0x1] =	stream.indirect_vreg.gather [hbm4b:s3+s2], $0x80, v50, vm0, $0xb8;
	[tilespmem:$0x1A800] =	vst v63  }
0x29d: {  	v55 =	vperm.xlane v17, v13;
	v54 =	vadd.s32 v3, v53;
	s10 =	simm.s32 $0x4480  }
0x29e: {  	[tilespmem:s10], [sflag:$0x1] =	stream.indirect_vreg.gather [hbm4b:s3+s2], $0x80, v18, vm0, $0xb8;
	[tilespmem:$0x1A800] =	vst v63  }
0x29f: {  	v56 =	vperm.xlane v17, v14;
	v18 =	vadd.s32 v3, v55;
	s10 =	simm.s32 $0x4500  }
0x2a0: {  	[tilespmem:s10], [sflag:$0x1] =	stream.indirect_vreg.gather [hbm4b:s3+s2], $0x80, v19, vm0, $0xb8;
	[tilespmem:$0x1A800] =	vst v63  }
0x2a1: {  	v57 =	vperm.xlane v17, v15;
	v19 =	vadd.s32 v3, v56;
	s10 =	simm.s32 $0x4580  }
0x2a2: {  	[tilespmem:s10], [sflag:$0x1] =	stream.indirect_vreg.gather [hbm4b:s3+s2], $0x80, v54, vm0, $0xb8;
	[tilespmem:$0x1A800] =	vst v63  }
0x2a3: {  	v17 =	vperm.xlane v17, v16;
	v58 =	vadd.s32 v3, v57;
	s10 =	simm.s32 $0x4600  }
0x2a4: {  	[tilespmem:s10], [sflag:$0x1] =	stream.indirect_vreg.gather [hbm4b:s3+s2], $0x80, v18, vm0, $0xb8;
	[tilespmem:$0x1A800] =	vst v63  }
0x2a5: {  	v17 =	vadd.s32 v3, v17;
	s10 =	simm.s32 $0x4680  }
0x2a6: {  	[tilespmem:s10], [sflag:$0x1] =	stream.indirect_vreg.gather [hbm4b:s3+s2], $0x80, v19, vm0, $0xb8;
	[tilespmem:$0x1A800] =	vst v63  }
0x2a7: {  	s10 =	simm.s32 $0x4700  }
0x2a8: {  	[tilespmem:s10], [sflag:$0x1] =	stream.indirect_vreg.gather [hbm4b:s3+s2], $0x80, v58, vm0, $0xb8;
	[tilespmem:$0x1A800] =	vst v63  }
0x2a9: {  	s10 =	simm.s32 $0x4780  }
0x2aa: {  	[tilespmem:s10], [sflag:$0x1] =	stream.indirect_vreg.gather [hbm4b:s3+s2], $0x80, v17, vm0, $0xb8;
	[tilespmem:$0x1A800] =	vst v63  }
0x2ab: {  	v17 =	vld [tilespmem:s8+$0x110];
	_ =	sdelay $0x4  }
0x2ac: {  	v18 =	vshrl.u32 v17, $0x3  }
0x2ad: {  	v18 =	vmul.u32 $0x18, v18  }
0x2ae: {  	v17 =	vand.u32 $0x7, v17  }
0x2af: {  	v17 =	vor.u32 v17, v18  }
0x2b0: {  	v18 =	vperm.xlane v17, v2;
	_ =	sdelay $0x1  }
0x2b1: {  	v19 =	vperm.xlane v17, v4;
	v18 =	vadd.s32 v3, v18;
	_ =	sdelay $0x1  }
0x2b2: {  	v59 =	vperm.xlane v17, v5;
	v19 =	vadd.s32 v3, v19;
	_ =	sdelay $0x1  }
0x2b3: {  	s10 =	simm.s32 $0x4800;
	v60 =	vperm.xlane v17, v0;
	v20 =	vadd.s32 v3, v59  }
0x2b4: {  	[tilespmem:s10], [sflag:$0x1] =	stream.indirect_vreg.gather [hbm4b:s3+s2], $0x80, v18, vm0, $0xb8;
	[tilespmem:$0x1A800] =	vst v63  }
0x2b5: {  	v61 =	vperm.xlane v17, v6;
	v18 =	vadd.s32 v3, v60;
	s10 =	simm.s32 $0x4880  }
0x2b6: {  	[tilespmem:s10], [sflag:$0x1] =	stream.indirect_vreg.gather [hbm4b:s3+s2], $0x80, v19, vm0, $0xb8;
	[tilespmem:$0x1A800] =	vst v63  }
0x2b7: {  	v62 =	vperm.xlane v17, v7;
	v19 =	vadd.s32 v3, v61;
	s10 =	simm.s32 $0x4900  }
0x2b8: {  	[tilespmem:s10], [sflag:$0x1] =	stream.indirect_vreg.gather [hbm4b:s3+s2], $0x80, v20, vm0, $0xb8;
	[tilespmem:$0x1A800] =	vst v63  }
0x2b9: {  	v24 =	vperm.xlane v17, v8;
	v63 =	vadd.s32 v3, v62;
	s10 =	simm.s32 $0x4980  }
0x2ba: {  	[tilespmem:s10], [sflag:$0x1] =	stream.indirect_vreg.gather [hbm4b:s3+s2], $0x80, v18, vm0, $0xb8;
	[tilespmem:$0x1A800] =	vst v63  }
0x2bb: {  	v25 =	vperm.xlane v17, v1;
	v18 =	vadd.s32 v3, v24;
	s10 =	simm.s32 $0x4A00  }
0x2bc: {  	[tilespmem:s10], [sflag:$0x1] =	stream.indirect_vreg.gather [hbm4b:s3+s2], $0x80, v19, vm0, $0xb8;
	[tilespmem:$0x1A800] =	vst v63  }
0x2bd: {  	v26 =	vperm.xlane v17, v9;
	v19 =	vadd.s32 v3, v25;
	s10 =	simm.s32 $0x4A80  }
0x2be: {  	[tilespmem:s10], [sflag:$0x1] =	stream.indirect_vreg.gather [hbm4b:s3+s2], $0x80, v63, vm0, $0xb8;
	[tilespmem:$0x1A800] =	vst v63  }
0x2bf: {  	v28 =	vperm.xlane v17, v10;
	v27 =	vadd.s32 v3, v26;
	s10 =	simm.s32 $0x4B00  }
0x2c0: {  	[tilespmem:s10], [sflag:$0x1] =	stream.indirect_vreg.gather [hbm4b:s3+s2], $0x80, v18, vm0, $0xb8;
	[tilespmem:$0x1A800] =	vst v63  }
0x2c1: {  	v29 =	vperm.xlane v17, v11;
	v18 =	vadd.s32 v3, v28;
	s10 =	simm.s32 $0x4B80  }
0x2c2: {  	[tilespmem:s10], [sflag:$0x1] =	stream.indirect_vreg.gather [hbm4b:s3+s2], $0x80, v19, vm0, $0xb8;
	[tilespmem:$0x1A800] =	vst v63  }
0x2c3: {  	v30 =	vperm.xlane v17, v12;
	v19 =	vadd.s32 v3, v29;
	s10 =	simm.s32 $0x4C00  }
0x2c4: {  	[tilespmem:s10], [sflag:$0x1] =	stream.indirect_vreg.gather [hbm4b:s3+s2], $0x80, v27, vm0, $0xb8;
	[tilespmem:$0x1A800] =	vst v63  }
0x2c5: {  	v32 =	vperm.xlane v17, v13;
	v31 =	vadd.s32 v3, v30;
	s10 =	simm.s32 $0x4C80  }
0x2c6: {  	[tilespmem:s10], [sflag:$0x1] =	stream.indirect_vreg.gather [hbm4b:s3+s2], $0x80, v18, vm0, $0xb8;
	[tilespmem:$0x1A800] =	vst v63  }
0x2c7: {  	v33 =	vperm.xlane v17, v14;
	v18 =	vadd.s32 v3, v32;
	s10 =	simm.s32 $0x4D00  }
0x2c8: {  	[tilespmem:s10], [sflag:$0x1] =	stream.indirect_vreg.gather [hbm4b:s3+s2], $0x80, v19, vm0, $0xb8;
	[tilespmem:$0x1A800] =	vst v63  }
0x2c9: {  	v34 =	vperm.xlane v17, v15;
	v19 =	vadd.s32 v3, v33;
	s10 =	simm.s32 $0x4D80  }
0x2ca: {  	[tilespmem:s10], [sflag:$0x1] =	stream.indirect_vreg.gather [hbm4b:s3+s2], $0x80, v31, vm0, $0xb8;
	[tilespmem:$0x1A800] =	vst v63  }
0x2cb: {  	v17 =	vperm.xlane v17, v16;
	v35 =	vadd.s32 v3, v34;
	s10 =	simm.s32 $0x4E00  }
0x2cc: {  	[tilespmem:s10], [sflag:$0x1] =	stream.indirect_vreg.gather [hbm4b:s3+s2], $0x80, v18, vm0, $0xb8;
	[tilespmem:$0x1A800] =	vst v63  }
0x2cd: {  	v17 =	vadd.s32 v3, v17;
	s10 =	simm.s32 $0x4E80  }
0x2ce: {  	[tilespmem:s10], [sflag:$0x1] =	stream.indirect_vreg.gather [hbm4b:s3+s2], $0x80, v19, vm0, $0xb8;
	[tilespmem:$0x1A800] =	vst v63  }
0x2cf: {  	s10 =	simm.s32 $0x4F00  }
0x2d0: {  	[tilespmem:s10], [sflag:$0x1] =	stream.indirect_vreg.gather [hbm4b:s3+s2], $0x80, v35, vm0, $0xb8;
	[tilespmem:$0x1A800] =	vst v63  }
0x2d1: {  	s10 =	simm.s32 $0x4F80  }
0x2d2: {  	[tilespmem:s10], [sflag:$0x1] =	stream.indirect_vreg.gather [hbm4b:s3+s2], $0x80, v17, vm0, $0xb8;
	[tilespmem:$0x1A800] =	vst v63  }
0x2d3: {  	v17 =	vld [tilespmem:s8+$0x120];
	_ =	sdelay $0x4  }
0x2d4: {  	v18 =	vshrl.u32 v17, $0x3  }
0x2d5: {  	v18 =	vmul.u32 $0x18, v18  }
0x2d6: {  	v17 =	vand.u32 $0x7, v17  }
0x2d7: {  	v17 =	vor.u32 v17, v18  }
0x2d8: {  	v18 =	vperm.xlane v17, v2;
	_ =	sdelay $0x1  }
0x2d9: {  	v19 =	vperm.xlane v17, v4;
	v18 =	vadd.s32 v3, v18;
	_ =	sdelay $0x1  }
0x2da: {  	v36 =	vperm.xlane v17, v5;
	v19 =	vadd.s32 v3, v19;
	_ =	sdelay $0x1  }
0x2db: {  	s10 =	simm.s32 $0x5000;
	v37 =	vperm.xlane v17, v0;
	v20 =	vadd.s32 v3, v36  }
0x2dc: {  	[tilespmem:s10], [sflag:$0x1] =	stream.indirect_vreg.gather [hbm4b:s3+s2], $0x80, v18, vm0, $0xb8;
	[tilespmem:$0x1A800] =	vst v63  }
0x2dd: {  	v38 =	vperm.xlane v17, v6;
	v18 =	vadd.s32 v3, v37;
	s10 =	simm.s32 $0x5080  }
0x2de: {  	[tilespmem:s10], [sflag:$0x1] =	stream.indirect_vreg.gather [hbm4b:s3+s2], $0x80, v19, vm0, $0xb8;
	[tilespmem:$0x1A800] =	vst v63  }
0x2df: {  	v39 =	vperm.xlane v17, v7;
	v19 =	vadd.s32 v3, v38;
	s10 =	simm.s32 $0x5100  }
0x2e0: {  	[tilespmem:s10], [sflag:$0x1] =	stream.indirect_vreg.gather [hbm4b:s3+s2], $0x80, v20, vm0, $0xb8;
	[tilespmem:$0x1A800] =	vst v63  }
0x2e1: {  	v41 =	vperm.xlane v17, v8;
	v40 =	vadd.s32 v3, v39;
	s10 =	simm.s32 $0x5180  }
0x2e2: {  	[tilespmem:s10], [sflag:$0x1] =	stream.indirect_vreg.gather [hbm4b:s3+s2], $0x80, v18, vm0, $0xb8;
	[tilespmem:$0x1A800] =	vst v63  }
0x2e3: {  	v42 =	vperm.xlane v17, v1;
	v18 =	vadd.s32 v3, v41;
	s10 =	simm.s32 $0x5200  }
0x2e4: {  	[tilespmem:s10], [sflag:$0x1] =	stream.indirect_vreg.gather [hbm4b:s3+s2], $0x80, v19, vm0, $0xb8;
	[tilespmem:$0x1A800] =	vst v63  }
0x2e5: {  	v43 =	vperm.xlane v17, v9;
	v19 =	vadd.s32 v3, v42;
	s10 =	simm.s32 $0x5280  }
0x2e6: {  	[tilespmem:s10], [sflag:$0x1] =	stream.indirect_vreg.gather [hbm4b:s3+s2], $0x80, v40, vm0, $0xb8;
	[tilespmem:$0x1A800] =	vst v63  }
0x2e7: {  	v45 =	vperm.xlane v17, v10;
	v44 =	vadd.s32 v3, v43;
	s10 =	simm.s32 $0x5300  }
0x2e8: {  	[tilespmem:s10], [sflag:$0x1] =	stream.indirect_vreg.gather [hbm4b:s3+s2], $0x80, v18, vm0, $0xb8;
	[tilespmem:$0x1A800] =	vst v63  }
0x2e9: {  	v46 =	vperm.xlane v17, v11;
	v18 =	vadd.s32 v3, v45;
	s10 =	simm.s32 $0x5380  }
0x2ea: {  	[tilespmem:s10], [sflag:$0x1] =	stream.indirect_vreg.gather [hbm4b:s3+s2], $0x80, v19, vm0, $0xb8;
	[tilespmem:$0x1A800] =	vst v63  }
0x2eb: {  	v47 =	vperm.xlane v17, v12;
	v19 =	vadd.s32 v3, v46;
	s10 =	simm.s32 $0x5400  }
0x2ec: {  	[tilespmem:s10], [sflag:$0x1] =	stream.indirect_vreg.gather [hbm4b:s3+s2], $0x80, v44, vm0, $0xb8;
	[tilespmem:$0x1A800] =	vst v63  }
0x2ed: {  	v49 =	vperm.xlane v17, v13;
	v48 =	vadd.s32 v3, v47;
	s10 =	simm.s32 $0x5480  }
0x2ee: {  	[tilespmem:s10], [sflag:$0x1] =	stream.indirect_vreg.gather [hbm4b:s3+s2], $0x80, v18, vm0, $0xb8;
	[tilespmem:$0x1A800] =	vst v63  }
0x2ef: {  	v50 =	vperm.xlane v17, v14;
	v18 =	vadd.s32 v3, v49;
	s10 =	simm.s32 $0x5500  }
0x2f0: {  	[tilespmem:s10], [sflag:$0x1] =	stream.indirect_vreg.gather [hbm4b:s3+s2], $0x80, v19, vm0, $0xb8;
	[tilespmem:$0x1A800] =	vst v63  }
0x2f1: {  	v51 =	vperm.xlane v17, v15;
	v19 =	vadd.s32 v3, v50;
	s10 =	simm.s32 $0x5580  }
0x2f2: {  	[tilespmem:s10], [sflag:$0x1] =	stream.indirect_vreg.gather [hbm4b:s3+s2], $0x80, v48, vm0, $0xb8;
	[tilespmem:$0x1A800] =	vst v63  }
0x2f3: {  	v17 =	vperm.xlane v17, v16;
	v52 =	vadd.s32 v3, v51;
	s10 =	simm.s32 $0x5600  }
0x2f4: {  	[tilespmem:s10], [sflag:$0x1] =	stream.indirect_vreg.gather [hbm4b:s3+s2], $0x80, v18, vm0, $0xb8;
	[tilespmem:$0x1A800] =	vst v63  }
0x2f5: {  	v17 =	vadd.s32 v3, v17;
	s10 =	simm.s32 $0x5680  }
0x2f6: {  	[tilespmem:s10], [sflag:$0x1] =	stream.indirect_vreg.gather [hbm4b:s3+s2], $0x80, v19, vm0, $0xb8;
	[tilespmem:$0x1A800] =	vst v63  }
0x2f7: {  	s10 =	simm.s32 $0x5700  }
0x2f8: {  	[tilespmem:s10], [sflag:$0x1] =	stream.indirect_vreg.gather [hbm4b:s3+s2], $0x80, v52, vm0, $0xb8;
	[tilespmem:$0x1A800] =	vst v63  }
0x2f9: {  	s10 =	simm.s32 $0x5780  }
0x2fa: {  	[tilespmem:s10], [sflag:$0x1] =	stream.indirect_vreg.gather [hbm4b:s3+s2], $0x80, v17, vm0, $0xb8;
	[tilespmem:$0x1A800] =	vst v63  }
0x2fb: {  	v17 =	vld.msk [tilespmem:s8+$0x130], $0x3;
	_ =	sdelay $0x4  }
0x2fc: {  	v18 =	vshrl.u32 v17, $0x3  }
0x2fd: {  	v18 =	vmul.u32 $0x18, v18  }
0x2fe: {  	v17 =	vand.u32 $0x7, v17  }
0x2ff: {  	v17 =	vor.u32 v17, v18  }
0x300: {  	v18 =	vperm.xlane v17, v2;
	_ =	sdelay $0x1  }
0x301: {  	v17 =	vperm.xlane v17, v4;
	v18 =	vadd.s32 v3, v18;
	_ =	sdelay $0x1  }
0x302: {  	v17 =	vadd.s32 v3, v17;
	_ =	sdelay $0x1  }
0x303: {  	s10 =	simm.s32 $0x5800  }
0x304: {  	[tilespmem:s10], [sflag:$0x1] =	stream.indirect_vreg.gather [hbm4b:s3+s2], $0x80, v18, vm0, $0xb8;
	[tilespmem:$0x1A800] =	vst v63  }
0x305: {  	s10 =	simm.s32 $0x5880  }
0x306: {  	[tilespmem:s10], [sflag:$0x1] =	stream.indirect_vreg.gather [hbm4b:s3+s2], $0x80, v17, vm0, $0xb8;
	[tilespmem:$0x1A800] =	vst v63  }
0x307: {  	v17 =	vld [tilespmem:s8+$0x100];
	_ =	sdelay $0x4  }
0x308: {  	v18 =	vshrl.u32 v17, $0x3  }
0x309: {  	v18 =	vmul.u32 $0x18, v18  }
0x30a: {  	v17 =	vand.u32 $0x7, v17  }
0x30b: {  	v17 =	vor.u32 v17, v18  }
0x30c: {  	v18 =	vperm.xlane v17, v2;
	_ =	sdelay $0x1  }
0x30d: {  	v19 =	vperm.xlane v17, v4;
	v18 =	vadd.s32 v3, v18;
	_ =	sdelay $0x1  }
0x30e: {  	v53 =	vperm.xlane v17, v5;
	v19 =	vadd.s32 v3, v19;
	_ =	sdelay $0x1  }
0x30f: {  	s10 =	simm.s32 $0x5C00;
	v54 =	vperm.xlane v17, v0;
	v20 =	vadd.s32 v3, v53  }
0x310: {  	[tilespmem:s10], [sflag:$0x1] =	stream.indirect_vreg.gather [hbm4b:s6+s2], $0x80, v18, vm0, $0xb8;
	[tilespmem:$0x1A800] =	vst v63  }
0x311: {  	v55 =	vperm.xlane v17, v6;
	v18 =	vadd.s32 v3, v54;
	s10 =	simm.s32 $0x5C80  }
0x312: {  	[tilespmem:s10], [sflag:$0x1] =	stream.indirect_vreg.gather [hbm4b:s6+s2], $0x80, v19, vm0, $0xb8;
	[tilespmem:$0x1A800] =	vst v63  }
0x313: {  	v56 =	vperm.xlane v17, v7;
	v19 =	vadd.s32 v3, v55;
	s10 =	simm.s32 $0x5D00  }
0x314: {  	[tilespmem:s10], [sflag:$0x1] =	stream.indirect_vreg.gather [hbm4b:s6+s2], $0x80, v20, vm0, $0xb8;
	[tilespmem:$0x1A800] =	vst v63  }
0x315: {  	v58 =	vperm.xlane v17, v8;
	v57 =	vadd.s32 v3, v56;
	s10 =	simm.s32 $0x5D80  }
0x316: {  	[tilespmem:s10], [sflag:$0x1] =	stream.indirect_vreg.gather [hbm4b:s6+s2], $0x80, v18, vm0, $0xb8;
	[tilespmem:$0x1A800] =	vst v63  }
0x317: {  	v59 =	vperm.xlane v17, v1;
	v18 =	vadd.s32 v3, v58;
	s10 =	simm.s32 $0x5E00  }
0x318: {  	[tilespmem:s10], [sflag:$0x1] =	stream.indirect_vreg.gather [hbm4b:s6+s2], $0x80, v19, vm0, $0xb8;
	[tilespmem:$0x1A800] =	vst v63  }
0x319: {  	v60 =	vperm.xlane v17, v9;
	v19 =	vadd.s32 v3, v59;
	s10 =	simm.s32 $0x5E80  }
0x31a: {  	[tilespmem:s10], [sflag:$0x1] =	stream.indirect_vreg.gather [hbm4b:s6+s2], $0x80, v57, vm0, $0xb8;
	[tilespmem:$0x1A800] =	vst v63  }
0x31b: {  	v62 =	vperm.xlane v17, v10;
	v61 =	vadd.s32 v3, v60;
	s10 =	simm.s32 $0x5F00  }
0x31c: {  	[tilespmem:s10], [sflag:$0x1] =	stream.indirect_vreg.gather [hbm4b:s6+s2], $0x80, v18, vm0, $0xb8;
	[tilespmem:$0x1A800] =	vst v63  }
0x31d: {  	v63 =	vperm.xlane v17, v11;
	v18 =	vadd.s32 v3, v62;
	s10 =	simm.s32 $0x5F80  }
0x31e: {  	[tilespmem:s10], [sflag:$0x1] =	stream.indirect_vreg.gather [hbm4b:s6+s2], $0x80, v19, vm0, $0xb8;
	[tilespmem:$0x1A800] =	vst v63  }
0x31f: {  	v24 =	vperm.xlane v17, v12;
	v19 =	vadd.s32 v3, v63;
	s10 =	simm.s32 $0x6000  }
0x320: {  	[tilespmem:s10], [sflag:$0x1] =	stream.indirect_vreg.gather [hbm4b:s6+s2], $0x80, v61, vm0, $0xb8;
	[tilespmem:$0x1A800] =	vst v63  }
0x321: {  	v26 =	vperm.xlane v17, v13;
	v25 =	vadd.s32 v3, v24;
	s10 =	simm.s32 $0x6080  }
0x322: {  	[tilespmem:s10], [sflag:$0x1] =	stream.indirect_vreg.gather [hbm4b:s6+s2], $0x80, v18, vm0, $0xb8;
	[tilespmem:$0x1A800] =	vst v63  }
0x323: {  	v27 =	vperm.xlane v17, v14;
	v18 =	vadd.s32 v3, v26;
	s10 =	simm.s32 $0x6100  }
0x324: {  	[tilespmem:s10], [sflag:$0x1] =	stream.indirect_vreg.gather [hbm4b:s6+s2], $0x80, v19, vm0, $0xb8;
	[tilespmem:$0x1A800] =	vst v63  }
0x325: {  	v28 =	vperm.xlane v17, v15;
	v19 =	vadd.s32 v3, v27;
	s10 =	simm.s32 $0x6180  }
0x326: {  	[tilespmem:s10], [sflag:$0x1] =	stream.indirect_vreg.gather [hbm4b:s6+s2], $0x80, v25, vm0, $0xb8;
	[tilespmem:$0x1A800] =	vst v63  }
0x327: {  	v17 =	vperm.xlane v17, v16;
	v29 =	vadd.s32 v3, v28;
	s10 =	simm.s32 $0x6200  }
0x328: {  	[tilespmem:s10], [sflag:$0x1] =	stream.indirect_vreg.gather [hbm4b:s6+s2], $0x80, v18, vm0, $0xb8;
	[tilespmem:$0x1A800] =	vst v63  }
0x329: {  	v17 =	vadd.s32 v3, v17;
	s10 =	simm.s32 $0x6280  }
0x32a: {  	[tilespmem:s10], [sflag:$0x1] =	stream.indirect_vreg.gather [hbm4b:s6+s2], $0x80, v19, vm0, $0xb8;
	[tilespmem:$0x1A800] =	vst v63  }
0x32b: {  	s10 =	simm.s32 $0x6300  }
0x32c: {  	[tilespmem:s10], [sflag:$0x1] =	stream.indirect_vreg.gather [hbm4b:s6+s2], $0x80, v29, vm0, $0xb8;
	[tilespmem:$0x1A800] =	vst v63  }
0x32d: {  	s10 =	simm.s32 $0x6380  }
0x32e: {  	[tilespmem:s10], [sflag:$0x1] =	stream.indirect_vreg.gather [hbm4b:s6+s2], $0x80, v17, vm0, $0xb8;
	[tilespmem:$0x1A800] =	vst v63  }
0x32f: {  	v17 =	vld [tilespmem:s8+$0x110];
	_ =	sdelay $0x4  }
0x330: {  	v18 =	vshrl.u32 v17, $0x3  }
0x331: {  	v18 =	vmul.u32 $0x18, v18  }
0x332: {  	v17 =	vand.u32 $0x7, v17  }
0x333: {  	v17 =	vor.u32 v17, v18  }
0x334: {  	v18 =	vperm.xlane v17, v2;
	_ =	sdelay $0x1  }
0x335: {  	v19 =	vperm.xlane v17, v4;
	v18 =	vadd.s32 v3, v18;
	_ =	sdelay $0x1  }
0x336: {  	v30 =	vperm.xlane v17, v5;
	v19 =	vadd.s32 v3, v19;
	_ =	sdelay $0x1  }
0x337: {  	s10 =	simm.s32 $0x6400;
	v31 =	vperm.xlane v17, v0;
	v20 =	vadd.s32 v3, v30  }
0x338: {  	[tilespmem:s10], [sflag:$0x1] =	stream.indirect_vreg.gather [hbm4b:s6+s2], $0x80, v18, vm0, $0xb8;
	[tilespmem:$0x1A800] =	vst v63  }
0x339: {  	v32 =	vperm.xlane v17, v6;
	v18 =	vadd.s32 v3, v31;
	s10 =	simm.s32 $0x6480  }
0x33a: {  	[tilespmem:s10], [sflag:$0x1] =	stream.indirect_vreg.gather [hbm4b:s6+s2], $0x80, v19, vm0, $0xb8;
	[tilespmem:$0x1A800] =	vst v63  }
0x33b: {  	v33 =	vperm.xlane v17, v7;
	v19 =	vadd.s32 v3, v32;
	s10 =	simm.s32 $0x6500  }
0x33c: {  	[tilespmem:s10], [sflag:$0x1] =	stream.indirect_vreg.gather [hbm4b:s6+s2], $0x80, v20, vm0, $0xb8;
	[tilespmem:$0x1A800] =	vst v63  }
0x33d: {  	v35 =	vperm.xlane v17, v8;
	v34 =	vadd.s32 v3, v33;
	s10 =	simm.s32 $0x6580  }
0x33e: {  	[tilespmem:s10], [sflag:$0x1] =	stream.indirect_vreg.gather [hbm4b:s6+s2], $0x80, v18, vm0, $0xb8;
	[tilespmem:$0x1A800] =	vst v63  }
0x33f: {  	v36 =	vperm.xlane v17, v1;
	v18 =	vadd.s32 v3, v35;
	s10 =	simm.s32 $0x6600  }
0x340: {  	[tilespmem:s10], [sflag:$0x1] =	stream.indirect_vreg.gather [hbm4b:s6+s2], $0x80, v19, vm0, $0xb8;
	[tilespmem:$0x1A800] =	vst v63  }
0x341: {  	v37 =	vperm.xlane v17, v9;
	v19 =	vadd.s32 v3, v36;
	s10 =	simm.s32 $0x6680  }
0x342: {  	[tilespmem:s10], [sflag:$0x1] =	stream.indirect_vreg.gather [hbm4b:s6+s2], $0x80, v34, vm0, $0xb8;
	[tilespmem:$0x1A800] =	vst v63  }
0x343: {  	v39 =	vperm.xlane v17, v10;
	v38 =	vadd.s32 v3, v37;
	s10 =	simm.s32 $0x6700  }
0x344: {  	[tilespmem:s10], [sflag:$0x1] =	stream.indirect_vreg.gather [hbm4b:s6+s2], $0x80, v18, vm0, $0xb8;
	[tilespmem:$0x1A800] =	vst v63  }
0x345: {  	v40 =	vperm.xlane v17, v11;
	v18 =	vadd.s32 v3, v39;
	s10 =	simm.s32 $0x6780  }
0x346: {  	[tilespmem:s10], [sflag:$0x1] =	stream.indirect_vreg.gather [hbm4b:s6+s2], $0x80, v19, vm0, $0xb8;
	[tilespmem:$0x1A800] =	vst v63  }
0x347: {  	v41 =	vperm.xlane v17, v12;
	v19 =	vadd.s32 v3, v40;
	s10 =	simm.s32 $0x6800  }
0x348: {  	[tilespmem:s10], [sflag:$0x1] =	stream.indirect_vreg.gather [hbm4b:s6+s2], $0x80, v38, vm0, $0xb8;
	[tilespmem:$0x1A800] =	vst v63  }
0x349: {  	v43 =	vperm.xlane v17, v13;
	v42 =	vadd.s32 v3, v41;
	s10 =	simm.s32 $0x6880  }
0x34a: {  	[tilespmem:s10], [sflag:$0x1] =	stream.indirect_vreg.gather [hbm4b:s6+s2], $0x80, v18, vm0, $0xb8;
	[tilespmem:$0x1A800] =	vst v63  }
0x34b: {  	v44 =	vperm.xlane v17, v14;
	v18 =	vadd.s32 v3, v43;
	s10 =	simm.s32 $0x6900  }
0x34c: {  	[tilespmem:s10], [sflag:$0x1] =	stream.indirect_vreg.gather [hbm4b:s6+s2], $0x80, v19, vm0, $0xb8;
	[tilespmem:$0x1A800] =	vst v63  }
0x34d: {  	v45 =	vperm.xlane v17, v15;
	v19 =	vadd.s32 v3, v44;
	s10 =	simm.s32 $0x6980  }
0x34e: {  	[tilespmem:s10], [sflag:$0x1] =	stream.indirect_vreg.gather [hbm4b:s6+s2], $0x80, v42, vm0, $0xb8;
	[tilespmem:$0x1A800] =	vst v63  }
0x34f: {  	v17 =	vperm.xlane v17, v16;
	v46 =	vadd.s32 v3, v45;
	s10 =	simm.s32 $0x6A00  }
0x350: {  	[tilespmem:s10], [sflag:$0x1] =	stream.indirect_vreg.gather [hbm4b:s6+s2], $0x80, v18, vm0, $0xb8;
	[tilespmem:$0x1A800] =	vst v63  }
0x351: {  	v17 =	vadd.s32 v3, v17;
	s10 =	simm.s32 $0x6A80  }
0x352: {  	[tilespmem:s10], [sflag:$0x1] =	stream.indirect_vreg.gather [hbm4b:s6+s2], $0x80, v19, vm0, $0xb8;
	[tilespmem:$0x1A800] =	vst v63  }
0x353: {  	s10 =	simm.s32 $0x6B00  }
0x354: {  	[tilespmem:s10], [sflag:$0x1] =	stream.indirect_vreg.gather [hbm4b:s6+s2], $0x80, v46, vm0, $0xb8;
	[tilespmem:$0x1A800] =	vst v63  }
0x355: {  	s10 =	simm.s32 $0x6B80  }
0x356: {  	[tilespmem:s10], [sflag:$0x1] =	stream.indirect_vreg.gather [hbm4b:s6+s2], $0x80, v17, vm0, $0xb8;
	[tilespmem:$0x1A800] =	vst v63  }
0x357: {  	v17 =	vld [tilespmem:s8+$0x120];
	_ =	sdelay $0x4  }
0x358: {  	v18 =	vshrl.u32 v17, $0x3  }
0x359: {  	v18 =	vmul.u32 $0x18, v18  }
0x35a: {  	v17 =	vand.u32 $0x7, v17  }
0x35b: {  	v17 =	vor.u32 v17, v18  }
0x35c: {  	v18 =	vperm.xlane v17, v2;
	_ =	sdelay $0x1  }
0x35d: {  	v19 =	vperm.xlane v17, v4;
	v18 =	vadd.s32 v3, v18;
	_ =	sdelay $0x1  }
0x35e: {  	v47 =	vperm.xlane v17, v5;
	v19 =	vadd.s32 v3, v19;
	_ =	sdelay $0x1  }
0x35f: {  	s10 =	simm.s32 $0x6C00;
	v48 =	vperm.xlane v17, v0;
	v20 =	vadd.s32 v3, v47  }
0x360: {  	[tilespmem:s10], [sflag:$0x1] =	stream.indirect_vreg.gather [hbm4b:s6+s2], $0x80, v18, vm0, $0xb8;
	[tilespmem:$0x1A800] =	vst v63  }
0x361: {  	v49 =	vperm.xlane v17, v6;
	v18 =	vadd.s32 v3, v48;
	s10 =	simm.s32 $0x6C80  }
0x362: {  	[tilespmem:s10], [sflag:$0x1] =	stream.indirect_vreg.gather [hbm4b:s6+s2], $0x80, v19, vm0, $0xb8;
	[tilespmem:$0x1A800] =	vst v63  }
0x363: {  	v50 =	vperm.xlane v17, v7;
	v19 =	vadd.s32 v3, v49;
	s10 =	simm.s32 $0x6D00  }
0x364: {  	[tilespmem:s10], [sflag:$0x1] =	stream.indirect_vreg.gather [hbm4b:s6+s2], $0x80, v20, vm0, $0xb8;
	[tilespmem:$0x1A800] =	vst v63  }
0x365: {  	v52 =	vperm.xlane v17, v8;
	v51 =	vadd.s32 v3, v50;
	s10 =	simm.s32 $0x6D80  }
0x366: {  	[tilespmem:s10], [sflag:$0x1] =	stream.indirect_vreg.gather [hbm4b:s6+s2], $0x80, v18, vm0, $0xb8;
	[tilespmem:$0x1A800] =	vst v63  }
0x367: {  	v53 =	vperm.xlane v17, v1;
	v18 =	vadd.s32 v3, v52;
	s10 =	simm.s32 $0x6E00  }
0x368: {  	[tilespmem:s10], [sflag:$0x1] =	stream.indirect_vreg.gather [hbm4b:s6+s2], $0x80, v19, vm0, $0xb8;
	[tilespmem:$0x1A800] =	vst v63  }
0x369: {  	v54 =	vperm.xlane v17, v9;
	v19 =	vadd.s32 v3, v53;
	s10 =	simm.s32 $0x6E80  }
0x36a: {  	[tilespmem:s10], [sflag:$0x1] =	stream.indirect_vreg.gather [hbm4b:s6+s2], $0x80, v51, vm0, $0xb8;
	[tilespmem:$0x1A800] =	vst v63  }
0x36b: {  	v56 =	vperm.xlane v17, v10;
	v55 =	vadd.s32 v3, v54;
	s10 =	simm.s32 $0x6F00  }
0x36c: {  	[tilespmem:s10], [sflag:$0x1] =	stream.indirect_vreg.gather [hbm4b:s6+s2], $0x80, v18, vm0, $0xb8;
	[tilespmem:$0x1A800] =	vst v63  }
0x36d: {  	v57 =	vperm.xlane v17, v11;
	v18 =	vadd.s32 v3, v56;
	s10 =	simm.s32 $0x6F80  }
0x36e: {  	[tilespmem:s10], [sflag:$0x1] =	stream.indirect_vreg.gather [hbm4b:s6+s2], $0x80, v19, vm0, $0xb8;
	[tilespmem:$0x1A800] =	vst v63  }
0x36f: {  	v58 =	vperm.xlane v17, v12;
	v19 =	vadd.s32 v3, v57;
	s10 =	simm.s32 $0x7000  }
0x370: {  	[tilespmem:s10], [sflag:$0x1] =	stream.indirect_vreg.gather [hbm4b:s6+s2], $0x80, v55, vm0, $0xb8;
	[tilespmem:$0x1A800] =	vst v63  }
0x371: {  	v60 =	vperm.xlane v17, v13;
	v59 =	vadd.s32 v3, v58;
	s10 =	simm.s32 $0x7080  }
0x372: {  	[tilespmem:s10], [sflag:$0x1] =	stream.indirect_vreg.gather [hbm4b:s6+s2], $0x80, v18, vm0, $0xb8;
	[tilespmem:$0x1A800] =	vst v63  }
0x373: {  	v61 =	vperm.xlane v17, v14;
	v18 =	vadd.s32 v3, v60;
	s10 =	simm.s32 $0x7100  }
0x374: {  	[tilespmem:s10], [sflag:$0x1] =	stream.indirect_vreg.gather [hbm4b:s6+s2], $0x80, v19, vm0, $0xb8;
	[tilespmem:$0x1A800] =	vst v63  }
0x375: {  	v62 =	vperm.xlane v17, v15;
	v19 =	vadd.s32 v3, v61;
	s10 =	simm.s32 $0x7180  }
0x376: {  	[tilespmem:s10], [sflag:$0x1] =	stream.indirect_vreg.gather [hbm4b:s6+s2], $0x80, v59, vm0, $0xb8;
	[tilespmem:$0x1A800] =	vst v63  }
0x377: {  	v17 =	vperm.xlane v17, v16;
	v63 =	vadd.s32 v3, v62;
	s10 =	simm.s32 $0x7200  }
0x378: {  	[tilespmem:s10], [sflag:$0x1] =	stream.indirect_vreg.gather [hbm4b:s6+s2], $0x80, v18, vm0, $0xb8;
	[tilespmem:$0x1A800] =	vst v63  }
0x379: {  	v17 =	vadd.s32 v3, v17;
	s10 =	simm.s32 $0x7280  }
0x37a: {  	[tilespmem:s10], [sflag:$0x1] =	stream.indirect_vreg.gather [hbm4b:s6+s2], $0x80, v19, vm0, $0xb8;
	[tilespmem:$0x1A800] =	vst v63  }
0x37b: {  	s10 =	simm.s32 $0x7300  }
0x37c: {  	[tilespmem:s10], [sflag:$0x1] =	stream.indirect_vreg.gather [hbm4b:s6+s2], $0x80, v63, vm0, $0xb8;
	[tilespmem:$0x1A800] =	vst v63  }
0x37d: {  	s10 =	simm.s32 $0x7380  }
0x37e: {  	[tilespmem:s10], [sflag:$0x1] =	stream.indirect_vreg.gather [hbm4b:s6+s2], $0x80, v17, vm0, $0xb8;
	[tilespmem:$0x1A800] =	vst v63  }
0x37f: {  	v17 =	vld.msk [tilespmem:s8+$0x130], $0x3;
	_ =	sdelay $0x4  }
0x380: {  	v18 =	vshrl.u32 v17, $0x3  }
0x381: {  	v18 =	vmul.u32 $0x18, v18  }
0x382: {  	v17 =	vand.u32 $0x7, v17  }
0x383: {  	v17 =	vor.u32 v17, v18  }
0x384: {  	v18 =	vperm.xlane v17, v2;
	_ =	sdelay $0x1  }
0x385: {  	v17 =	vperm.xlane v17, v4;
	v18 =	vadd.s32 v3, v18;
	_ =	sdelay $0x1  }
0x386: {  	v17 =	vadd.s32 v3, v17;
	_ =	sdelay $0x1  }
0x387: {  	s10 =	simm.s32 $0x7400  }
0x388: {  	[tilespmem:s10], [sflag:$0x1] =	stream.indirect_vreg.gather [hbm4b:s6+s2], $0x80, v18, vm0, $0xb8;
	[tilespmem:$0x1A800] =	vst v63  }
0x389: {  	s10 =	simm.s32 $0x7480  }
0x38a: {  	[tilespmem:s10], [sflag:$0x1] =	stream.indirect_vreg.gather [hbm4b:s6+s2], $0x80, v17, vm0, $0xb8;
	[tilespmem:$0x1A800] =	vst v63  }
0x38b: {  	s8 =	sadd.s32 $0x100, s8;
	s10 =	simm.s32 $0x7800  }
0x38c: {  	[tilespmem:s10], [sflag:$0x1] =	stream.indirect.gather [hbm4b:s4+s30], $0x80, s8, s30, $0xb8;
	[tilespmem:$0x1A800] =	vst v63  }
.LBB2_6:
0x38d: {  	_ =	swait.ge [sflag:s29], $0x1900  }
0x38e: {  	[sflag:s29] =	ssyncset.done $0x0  }
0x38f: {  	[sflag:s29] =	ssyncadd.s32 $0xFFFFE700  }
0x390: {  	_ =	swait.ge [sflag:s29], $0x1900  }
0x391: {  	[sflag:s29] =	ssyncset.done $0x0  }
0x392: {  	[sflag:s29] =	ssyncadd.s32 $0xFFFFE700  }
0x393: {  	_ =	swait.ge [sflag:s29], $0x1900  }
0x394: {  	[sflag:s29] =	ssyncset.done $0x0  }
0x395: {  	s10 =	simm.s32 $0x0;
	[sflag:s29] =	ssyncadd.s32 $0xFFFFE700  }
0x396: {  	v17 =	vld [tilespmem:s10+$0xCC20]  }
0x397: {  	v19 =	vld [tilespmem:s10+$0x9400]  }
0x398: {  	v20 =	vld [tilespmem:s10+$0x9410]  }
0x399: {  	v21 =	vld [tilespmem:s10+$0x9420]  }
0x39a: {  	v22 =	vld [tilespmem:s10+$0x9430]  }
0x39b: {  	v23 =	vld [tilespmem:s10+$0x9440]  }
0x39c: {  	v24 =	vld [tilespmem:s10+$0x9450]  }
0x39d: {  	v25 =	vld [tilespmem:s10+$0x9460]  }
0x39e: {  	v26 =	vld [tilespmem:s10+$0x9470]  }
0x39f: {  	v27 =	vld [tilespmem:s10+$0xB000]  }
0x3a0: {  	v18 =	vimm.f32 $0.0e+00;
	v36 =	vld [tilespmem:s10+$0xB010]  }
0x3a1: {  	v37 =	vld [tilespmem:s10+$0xB020];
	v17 =	vadd.f32 v17, v18;
	v34 =	vadd.f32 v19, v18  }
0x3a2: {  	v19 =	vld [tilespmem:s10+$0xB030];
	v35 =	vadd.f32 v20, v18;
	v33 =	vadd.f32 v21, v18  }
0x3a3: {  	v20 =	vld [tilespmem:s10+$0xB040];
	v32 =	vadd.f32 v22, v18;
	v31 =	vadd.f32 v23, v18  }
0x3a4: {  	v40 =	vld [tilespmem:s10+$0xB050];
	v30 =	vadd.f32 v24, v18;
	v29 =	vadd.f32 v25, v18  }
0x3a5: {  	v39 =	vld [tilespmem:s10+$0xB060];
	v28 =	vadd.f32 v26, v18;
	v27 =	vadd.f32 v27, v18  }
0x3a6: {  	v38 =	vld [tilespmem:s10+$0xB070];
	v26 =	vadd.f32 v36, v18;
	v25 =	vadd.f32 v37, v18  }
0x3a7: {  	v36 =	vld [tilespmem:s10+$0xCC00];
	v22 =	vimm.f32 $0.0e+00;
	v23 =	vimm.f32 $0.0e+00;
	v24 =	vadd.f32 v19, v18  }
0x3a8: {  	s8 =	simm.s32 $0x80;
	s9 =	simm.s32 $0x400;
	v37 =	vld [tilespmem:s10+$0xCC10];
	v21 =	vadd.f32 v20, v18;
	v20 =	vimm.f32 $0.0e+00;
	v19 =	vimm.f32 $0.0e+00  }
.LBB2_7:
0x3a9: {  	p0 =	sne.s32 s9, $0x6200;
	v41 =	vld [tilespmem:s8+$0xCC20];
	v18 =	vadd.f32 v40, v18  }
0x3aa: {  	v40 =	vld [tilespmem:s8+$0x9400];
	v22 =	vadd.f32 v39, v22  }
0x3ab: {  	v39 =	vld [tilespmem:s8+$0x9410];
	v23 =	vadd.f32 v38, v23  }
0x3ac: {  	v38 =	vld [tilespmem:s8+$0x9420];
	v20 =	vadd.f32 v36, v20  }
0x3ad: {  	v36 =	vld [tilespmem:s8+$0x9430];
	v19 =	vadd.f32 v37, v19  }
0x3ae: {  	v37 =	vld [tilespmem:s8+$0x9440];
	v17 =	vadd.f32 v41, v17  }
0x3af: {  	v34 =	vadd.f32 v40, v34;
	v40 =	vld [tilespmem:s8+$0x9450]  }
0x3b0: {  	v35 =	vadd.f32 v39, v35;
	v39 =	vld [tilespmem:s8+$0x9460]  }
0x3b1: {  	v33 =	vadd.f32 v38, v33;
	v38 =	vld [tilespmem:s8+$0x9470]  }
0x3b2: {  	v32 =	vadd.f32 v36, v32;
	v36 =	vld [tilespmem:s8+$0xB000]  }
0x3b3: {  	v31 =	vadd.f32 v37, v31;
	v37 =	vld [tilespmem:s8+$0xB010]  }
0x3b4: {  	v30 =	vadd.f32 v40, v30;
	v41 =	vld [tilespmem:s8+$0xB020]  }
0x3b5: {  	v29 =	vadd.f32 v39, v29;
	v42 =	vld [tilespmem:s8+$0xB030]  }
0x3b6: {  	v28 =	vadd.f32 v38, v28;
	v43 =	vld [tilespmem:s8+$0xB040]  }
.Ltmp2:
0x3b7: {  	v27 =	vadd.f32 v36, v27;
	v40 =	vld [tilespmem:s8+$0xB050];
	(pc) =	sbr.rel @p0 .LBB2_7-.Ltmp2, $4  }
0x3b8: {  	v26 =	vadd.f32 v37, v26;
	v39 =	vld [tilespmem:s8+$0xB060]  }
0x3b9: {  	v25 =	vadd.f32 v41, v25;
	v38 =	vld [tilespmem:s8+$0xB070]  }
0x3ba: {  	v24 =	vadd.f32 v42, v24;
	v36 =	vld [tilespmem:s8+$0xCC00]  }
0x3bb: {  	v21 =	vadd.f32 v43, v21;
	v37 =	vld [tilespmem:s8+$0xCC10];
	s8 =	sshra.s32 s9, $0x2;
	s9 =	sadd.s32 $0x200, s9  }
0x3bc: {  	v41 =	vld [tilespmem:s8+$0xCC20]  }
0x3bd: {  	v42 =	vld [tilespmem:s8+$0x9400]  }
0x3be: {  	v43 =	vld [tilespmem:s8+$0x9410]  }
0x3bf: {  	v44 =	vld [tilespmem:s8+$0x9420]  }
0x3c0: {  	v45 =	vld [tilespmem:s8+$0x9430]  }
0x3c1: {  	v46 =	vld [tilespmem:s8+$0x9440]  }
0x3c2: {  	v47 =	vld [tilespmem:s8+$0x9450]  }
0x3c3: {  	v48 =	vld [tilespmem:s8+$0x9460]  }
0x3c4: {  	v49 =	vld [tilespmem:s8+$0x9470]  }
0x3c5: {  	v50 =	vld [tilespmem:s8+$0xB000]  }
0x3c6: {  	v51 =	vld [tilespmem:s8+$0xB010]  }
0x3c7: {  	v52 =	vld [tilespmem:s8+$0xB020]  }
0x3c8: {  	v53 =	vld [tilespmem:s8+$0xB030]  }
0x3c9: {  	v54 =	vld [tilespmem:s8+$0xB040]  }
0x3ca: {  	v55 =	vld [tilespmem:s8+$0xB050];
	v34 =	vadd.f32 v42, v34  }
0x3cb: {  	v59 =	vld [tilespmem:s8+$0xB060];
	v35 =	vadd.f32 v43, v35  }
0x3cc: {  	v60 =	vld [tilespmem:s8+$0xB070];
	s1 =	sand.u32 $0x380, s1;
	v33 =	vadd.f32 v44, v33;
	v34 =	vmul.f32 $1.999999960e-02, v34  }
0x3cd: {  	v61 =	vld [tilespmem:s8+$0xCC00];
	s0 =	sadd.s32 s1, s0;
	v32 =	vadd.f32 v45, v32;
	v35 =	vmul.f32 $1.999999960e-02, v35  }
0x3ce: {  	v62 =	vld [tilespmem:s8+$0xCC10];
	v31 =	vadd.f32 v46, v31;
	v33 =	vmul.f32 $1.999999960e-02, v33;
	[tilespmem:s0+$0x0] =	vst v34  }
0x3cf: {  	v30 =	vadd.f32 v47, v30;
	v32 =	vmul.f32 $1.999999960e-02, v32;
	[tilespmem:s0+$0x10] =	vst v35  }
0x3d0: {  	v29 =	vadd.f32 v48, v29;
	v31 =	vmul.f32 $1.999999960e-02, v31;
	[tilespmem:s0+$0x20] =	vst v33  }
0x3d1: {  	v28 =	vadd.f32 v49, v28;
	v30 =	vmul.f32 $1.999999960e-02, v30;
	[tilespmem:s0+$0x30] =	vst v32  }
0x3d2: {  	v27 =	vadd.f32 v50, v27;
	v29 =	vmul.f32 $1.999999960e-02, v29;
	[tilespmem:s0+$0x40] =	vst v31  }
0x3d3: {  	v26 =	vadd.f32 v51, v26;
	v28 =	vmul.f32 $1.999999960e-02, v28;
	[tilespmem:s0+$0x50] =	vst v30  }
0x3d4: {  	v25 =	vadd.f32 v52, v25;
	v27 =	vmul.f32 $1.999999960e-02, v27;
	[tilespmem:s0+$0x60] =	vst v29  }
0x3d5: {  	v18 =	vadd.f32 v40, v18;
	s9 =	sadd.s32 s1, s5;
	v24 =	vadd.f32 v53, v24;
	v26 =	vmul.f32 $1.999999960e-02, v26;
	[tilespmem:s0+$0x70] =	vst v28  }
0x3d6: {  	v22 =	vadd.f32 v39, v22;
	v21 =	vadd.f32 v54, v21;
	v25 =	vmul.f32 $1.999999960e-02, v25;
	[tilespmem:s9+$0x0] =	vst v27  }
0x3d7: {  	v23 =	vadd.f32 v38, v23;
	v18 =	vadd.f32 v55, v18;
	v24 =	vmul.f32 $1.999999960e-02, v24;
	[tilespmem:s9+$0x10] =	vst v26  }
0x3d8: {  	v20 =	vadd.f32 v36, v20;
	v22 =	vadd.f32 v59, v22;
	v21 =	vmul.f32 $1.999999960e-02, v21;
	[tilespmem:s9+$0x20] =	vst v25  }
0x3d9: {  	v23 =	vadd.f32 v60, v23;
	v18 =	vmul.f32 $1.999999960e-02, v18;
	[tilespmem:s9+$0x30] =	vst v24  }
0x3da: {  	s31 =	sadd.s32 $0x1, s31;
	v19 =	vadd.f32 v37, v19;
	v20 =	vadd.f32 v61, v20;
	v63 =	vmul.f32 $1.999999960e-02, v22;
	[tilespmem:s9+$0x40] =	vst v21  }
0x3db: {  	p0 =	sne.s32 s31, $0x40;
	v17 =	vadd.f32 v41, v17;
	[tilespmem:s9+$0x50] =	vst v18;
	v18 =	vmul.f32 $1.999999960e-02, v23  }
.Ltmp3:
0x3dc: {  	v19 =	vadd.f32 v62, v19;
	v20 =	vmul.f32 $1.999999960e-02, v20;
	[tilespmem:s9+$0x60] =	vst v63;
	(pc) =	sbr.rel @p0 .LBB2_2-.Ltmp3, $4  }
0x3dd: {  	s10 =	sadd.s32 s1, s7;
	v17 =	vmul.f32 $1.999999960e-02, v17;
	[tilespmem:s9+$0x70] =	vst v18  }
0x3de: {  	v18 =	vmul.f32 $1.999999960e-02, v19;
	[tilespmem:s10+$0x0] =	vst v20  }
0x3df: {  	[tilespmem:s10+$0x20] =	vst v17  }
0x3e0: {  	[tilespmem:s10+$0x10] =	vst v18  }
0x3e1: {  	s0 =	rddreg [dreg:$0x4];
	s1 =	simm.s32 $0xE800  }
0x3e2: {  	[hbm4b:s0+s2] =	stream.linear.scatter [tilespmem:s1], [sflag:$0x3], $0xC000, $0x38;
	[tilespmem:$0x1A800] =	vst v63  }
0x3e3: {  	s1 =	simm.s32 $0x3  }
0x3e4: {  	_ =	swait.ge [sflag:s1], $0xC000  }
0x3e5: {  	s5 =	rddreg [dreg:$0x6]  }
0x3e6: {  	s31 =	rddreg [dreg:$0x5];
	s5 =	sadd.s32 $0x1, s5  }
0x3e7: {  	p0 =	sne.s32 s5, s31  }
.Ltmp4:
0x3e8: {  	_ = 	snop;
	(pc) =	sbr.rel @p0 .LBB2_1-.Ltmp4, $3  }
0x3e9: {  	_ =	sdelay $0x1  }
0x3ea: {  	[sflag:s1] =	ssyncset.done $0x0  }
0x3eb: {  	[sflag:s1] =	ssyncadd.s32 $0xFFFF4000  }
0x3ec: {  	_ =	sfence.sel $0x180000  }
0x3ed: {  	[bflag:$0x0] =	sbarrier.arrive $0xFFFF  }
0x3ee: {  	_ =	strace $0x90000047  }
0x3ef: {  	s0 =	stileid.u32;
	[bflag:$0x2] =	sbarrier.arrive $0xFFFF  }
0x3f0: {  	p0 =	sne.s32 s0, $0x0;
	s0 =	rddreg [dreg:$0x2]  }
0x3f1: {  	s0 =	sadd.s32 @!p0 $0x100000, s0  }
0x3f2: {  	[sflag:s0] =	ssyncadd.tile.s32 @!p0 $0x1;
	_ =	shalt  }
.Lfunc_end2:
_tile_overlayer_lowered:
.L_overlay_start_2:
0x3f3: {  	(tag) =	ssettag $0x2  }
0x3f4: {  	s0 =	rddreg [dreg:$0x0];
	s2 =	stileid.u32  }
0x3f5: {  	s1 =	rddreg [dreg:$0x1];
	p0 =	sne.s32 s2, $0x0  }
0x3f6: {  	s3 =	rddreg [dreg:$0x2];
	[bflag:$0x3] =	sbarrier.arrive $0xFFFF;
	s2 =	simm.s32 @!p0 $0x1C03  }
0x3f7: {  	[timem:s3], [sflag:s2] =	dma.local @!p0 [hbm:s0], s1  }
0x3f8: {  	s0 =	simm.s32 @!p0 $0x3  }
0x3f9: {  	_ =	swait.ge @!p0 [sflag:s0], s1  }
0x3fa: {  	s1 =	ssub.s32 @!p0 $0x0, s1;
	[sflag:s0] =	ssyncset.done @!p0 $0x0  }
0x3fb: {  	[sflag:s0] =	ssyncadd.s32 @!p0 s1  }
0x3fc: {  	[bflag:$0x3] =	sbarrier.arrive $0xFFFF  }
0x3fd: {  	_ =	shalt  }

</sc_bundles>
